<compile_context>
chip_gen: v7x
topology: tpu7x:2x2x1
jax: 0.10.2.dev20260603
libtpu: 0.0.44.dev20260713+nightly
codegen_flags: <defaults>
</compile_context>

<pallas_src>
import functools

import jax
import jax.numpy as jnp
from jax import lax
from jax.experimental import pallas as pl
from jax.experimental.pallas import tpu as pltpu, tpu_sc as plsc

B = 8
N_PER = 1250
N = B * N_PER
E = 320000
D = 128
DH = D // 2
V = 10
N_DUMMY = 50
NC = N_PER - N_DUMMY

NUM_TILES = 16
K = 128
STEPS = 160
E_PAD = NUM_TILES * STEPS * K
IDX_CH = 40
NBUF = 4
N_PAD = 10240
CHUNK_A = 640
CHUNK_B = N - 15 * CHUNK_A


def _sc_segment_accumulate(src_p, dst_p, x):
    mesh = plsc.VectorSubcoreMesh(core_axis_name="c", subcore_axis_name="s")

    @functools.partial(
        pl.kernel,
        out_type=jax.ShapeDtypeStruct((2, N, DH), jnp.float32),
        mesh=mesh,
        scratch_types=[
            pltpu.VMEM((IDX_CH, K), jnp.int32),
            pltpu.VMEM((IDX_CH, K), jnp.int32),
            pltpu.VMEM((NBUF, K, DH), jnp.float32),
            pltpu.VMEM_SHARED((N_PAD, DH), jnp.float32),
            pltpu.VMEM_SHARED((N, DH), jnp.float32),
            pltpu.SemaphoreType.DMA((NBUF,)),
            pltpu.SemaphoreType.DMA((NBUF,)),
        ],
        compiler_params=pltpu.CompilerParams(use_tc_tiling_on_sc=False),
    )
    def k(src_hbm, dst_hbm, x_hbm, out_hbm,
          src_v, dst_v, rows, acc, xsp, gsem, ssem):
        c = lax.axis_index("c")
        s = lax.axis_index("s")

        base = pl.multiple_of(s * CHUNK_A, 8)

        cbase = pl.multiple_of(c * DH, 8)

        @pl.when(s < 15)
        def _():
            pltpu.sync_copy(x_hbm.at[pl.ds(base, CHUNK_A), pl.ds(cbase, DH)],
                            acc.at[pl.ds(base, CHUNK_A)])
            pltpu.sync_copy(x_hbm.at[pl.ds(base, CHUNK_A), pl.ds(cbase, DH)],
                            xsp.at[pl.ds(base, CHUNK_A)])

        @pl.when(s == 15)
        def _():
            pltpu.sync_copy(
                x_hbm.at[pl.ds(15 * CHUNK_A, CHUNK_B), pl.ds(cbase, DH)],
                acc.at[pl.ds(15 * CHUNK_A, CHUNK_B)])
            pltpu.sync_copy(
                x_hbm.at[pl.ds(15 * CHUNK_A, CHUNK_B), pl.ds(cbase, DH)],
                xsp.at[pl.ds(15 * CHUNK_A, CHUNK_B)])

        plsc.subcore_barrier()

        def gather(j, b):
            return pltpu.make_async_copy(xsp.at[src_v.at[j]],
                                         rows.at[b], gsem.at[b])

        def scatter_wait(j, b):
            pltpu.make_async_copy(rows.at[b], acc.at[dst_v.at[j]],
                                  ssem.at[b]).wait()

        for h in range(STEPS // IDX_CH):
            pltpu.sync_copy(src_hbm.at[s, pl.ds(h * IDX_CH, IDX_CH)], src_v)
            pltpu.sync_copy(dst_hbm.at[s, pl.ds(h * IDX_CH, IDX_CH)], dst_v)

            for b in range(NBUF):
                gather(b, b).start()

            def body(it, carry):
                j0 = it * NBUF
                for b in range(NBUF):
                    gather(j0 + b, b).wait()
                    pltpu.async_copy(rows.at[b], acc.at[dst_v.at[j0 + b]],
                                     ssem.at[b], add=True)
                for b in range(NBUF):
                    scatter_wait(j0 + b, b)

                    @pl.when(j0 + b + NBUF < IDX_CH)
                    def _():
                        gather(j0 + b + NBUF, b).start()
                return carry

            lax.fori_loop(0, IDX_CH // NBUF, body, 0)

        plsc.subcore_barrier()

        @pl.when(s < 15)
        def _():
            pltpu.sync_copy(acc.at[pl.ds(base, CHUNK_A)],
                            out_hbm.at[c, pl.ds(base, CHUNK_A)])

        @pl.when(s == 15)
        def _():
            pltpu.sync_copy(acc.at[pl.ds(15 * CHUNK_A, CHUNK_B)],
                            out_hbm.at[c, pl.ds(15 * CHUNK_A, CHUNK_B)])

    return k(src_p, dst_p, x)


def _tc_encode(a0, a1, W, vpos_flat, dem3):

    def body(a0_ref, a1_ref, w_ref, vpos_ref, dem_ref, cust_ref, gm_ref,
             vr_ref, h_s):
        b = pl.program_id(0)
        h = jnp.maximum(
            jnp.dot(a0_ref[0], w_ref[:DH],
                    preferred_element_type=jnp.float32)
            + jnp.dot(a1_ref[0], w_ref[DH:],
                      preferred_element_type=jnp.float32),
            0.0)
        dcol = jnp.concatenate(
            [dem_ref[0], jnp.zeros((N_PER - NC, 1), jnp.float32)],
            axis=0)
        h_s[...] = h
        cust_ref[0] = jnp.concatenate([h, dcol], axis=1)
        gm_ref[0] = jnp.sum(h, axis=0, keepdims=True) * (1.0 / N_PER)
        for v in range(V):
            pos = vpos_ref[b * V + v]
            vr_ref[pl.ds(v, 1), :] = h_s[pl.ds(pos, 1), :]

    return pl.pallas_call(
        body,
        grid=(B,),
        in_specs=[
            pl.BlockSpec((1, N_PER, DH), lambda b: (b, 0, 0)),
            pl.BlockSpec((1, N_PER, DH), lambda b: (b, 0, 0)),
            pl.BlockSpec((D, D), lambda b: (0, 0)),
            pl.BlockSpec(memory_space=pltpu.SMEM),
            pl.BlockSpec((1, NC, 1), lambda b: (b, 0, 0)),
        ],
        out_specs=[
            pl.BlockSpec((1, N_PER, D + 1), lambda b: (b, 0, 0)),
            pl.BlockSpec((1, 1, D), lambda b: (b, 0, 0)),
            pl.BlockSpec((16, D), lambda b: (b, 0)),
        ],
        out_shape=[
            jax.ShapeDtypeStruct((B, N_PER, D + 1), jnp.float32),
            jax.ShapeDtypeStruct((B, 1, D), jnp.float32),
            jax.ShapeDtypeStruct((B * 16, D), jnp.float32),
        ],
        scratch_shapes=[pltpu.VMEM((N_PER, D), jnp.float32)],
    )(a0, a1, W, vpos_flat, dem3)


def kernel(x, edge_index, W, vehicle_positions, remaining_capacities,
           time_elapsed, customer_max_time, customer_demands):
    src = edge_index[0]
    dst = edge_index[1]
    pad = E_PAD - E
    src_p = jnp.concatenate(
        [src, jnp.zeros((pad,), jnp.int32)]).reshape(NUM_TILES, STEPS, K)
    dst_p = jnp.concatenate(
        [dst, jnp.full((pad,), N, jnp.int32)]).reshape(NUM_TILES, STEPS, K)
    partials = _sc_segment_accumulate(src_p, dst_p, x)
    a0 = partials[0].reshape(B, N_PER, DH)
    a1 = partials[1].reshape(B, N_PER, DH)

    vpos_flat = vehicle_positions.reshape(-1).astype(jnp.int32)
    dem3 = customer_demands[..., None]
    cust129, global_embedding, vrows = _tc_encode(a0, a1, W, vpos_flat, dem3)

    vehicle_node_embeddings = vrows.reshape(B, 16, D)[:, :V, :]
    vehicle_context = jnp.concatenate(
        [remaining_capacities[..., None], time_elapsed[..., None]], axis=-1)
    vehicle_embeddings = jnp.concatenate(
        [vehicle_node_embeddings, vehicle_context], axis=-1)

    global_remaining_capacity = jnp.sum(remaining_capacities, axis=1,
                                        keepdims=True)
    global_context = jnp.concatenate(
        [global_remaining_capacity, customer_max_time[:, None]], axis=-1)
    global_emb = jnp.concatenate(
        [global_embedding, global_context[:, None, :]], axis=2)
    current_vehicle_embeddings = jnp.concatenate(
        [global_emb, vehicle_embeddings], axis=1)

    current_customer_embeddings = cust129

    return current_vehicle_embeddings, current_customer_embeddings

# --- scband reference (transcript-rebuilt; emitter-appended) ---
"""Pipeline reference for scband-encoder-37477884625638 (READ-ONLY COPY).

The authoritative reference and input builder live on the scoring server;
editing this copy changes nothing except your own understanding.
"""

import jax, jax.numpy as jnp
import numpy as np

B = 8          # batch of instances
N_PER = 1250   # nodes per instance graph
N = B * N_PER  # total batched nodes = 10000
E = 320000     # total edges (avg_degree 32)
D = 128        # node feature dim
V = 10         # vehicles per instance
N_DUMMY = 50   # wait-time dummy nodes per instance


def setup_inputs(seed: int = 0) -> dict:
    key = jax.random.key(seed)
    ks = jax.random.split(key, 8)
    x = jax.random.normal(ks[0], (N, D), dtype=jnp.float32)
    edge_index = jax.random.randint(ks[1], (2, E), 0, N, dtype=jnp.int32)
    W = jax.random.normal(ks[2], (D, D), dtype=jnp.float32) * 0.05
    vehicle_positions = jax.random.randint(ks[3], (B, V), 0, N_PER, dtype=jnp.int32)
    remaining_capacities = jax.random.uniform(ks[4], (B, V), dtype=jnp.float32)
    time_elapsed = jax.random.uniform(ks[5], (B, V), dtype=jnp.float32)
    customer_max_time = jax.random.uniform(ks[6], (B,), dtype=jnp.float32)
    customer_demands = jax.random.uniform(ks[7], (B, N_PER - N_DUMMY), dtype=jnp.float32)
    return {
        "x": x,
        "edge_index": edge_index,
        "W": W,
        "vehicle_positions": vehicle_positions,
        "remaining_capacities": remaining_capacities,
        "time_elapsed": time_elapsed,
        "customer_max_time": customer_max_time,
        "customer_demands": customer_demands,
    }


def reference(x, edge_index, W, vehicle_positions, remaining_capacities,
              time_elapsed, customer_max_time, customer_demands):
    # --- encode(): one graph-conv layer over the dgl.batch'ed graph ---
    src = edge_index[0]
    dst = edge_index[1]
    msgs = jnp.take(x, src, axis=0)                      # gather over edges
    agg = jax.ops.segment_sum(msgs, dst, num_segments=N)  # scatter-add to dst nodes
    h = jax.nn.relu((x + agg) @ W)                        # encoded node features

    # split back into per-instance blocks and stack -> [B, N_PER, D]
    feats = h.reshape(B, N_PER, D)
    global_embedding = jnp.mean(feats, axis=1)            # [B, D]

    # --- get_current_batch_state() ---
    idx = jnp.broadcast_to(vehicle_positions[..., None].astype(jnp.int32), (B, V, D))
    vehicle_node_embeddings = jnp.take_along_axis(feats, idx, axis=1)  # [B, V, D]
    vehicle_context = jnp.concatenate(
        [remaining_capacities[..., None], time_elapsed[..., None]], axis=-1)  # [B, V, 2]
    vehicle_embeddings = jnp.concatenate([vehicle_node_embeddings, vehicle_context], axis=-1)

    global_remaining_capacity = jnp.sum(remaining_capacities, axis=1, keepdims=True)  # [B, 1]
    global_context = jnp.concatenate(
        [global_remaining_capacity, customer_max_time[:, None]], axis=-1)  # [B, 2]
    global_emb = jnp.concatenate(
        [global_embedding[:, None, :], global_context[:, None, :]], axis=2)  # [B, 1, D+2]
    current_vehicle_embeddings = jnp.concatenate([global_emb, vehicle_embeddings], axis=1)

    customer_demands_e = customer_demands[..., None]                      # [B, N_PER-N_DUMMY, 1]
    wait_time_node_context = jnp.zeros((B, N_DUMMY, 1), dtype=feats.dtype)
    customer_new_context = jnp.concatenate([customer_demands_e, wait_time_node_context], axis=1)
    current_customer_embeddings = jnp.concatenate([feats, customer_new_context], axis=2)

    return current_vehicle_embeddings, current_customer_embeddings

if __name__ == "__main__":
    import jax
    _d = setup_inputs()
    print(jax.jit(kernel)(*tuple(_d.values())))

</pallas_src>

<mosaic_0001>
#map = affine_map<(d0, d1) -> (0, 0, 0)>
#map1 = affine_map<(d0, d1) -> (0, 0)>
module attributes {stable_mosaic.version = 14 : i64} {
  func.func @k(%arg0: i32, %arg1: i32, %arg2: memref<16x160x128xi32, #tpu.memory_space<hbm>>, %arg3: memref<16x160x128xi32, #tpu.memory_space<hbm>>, %arg4: memref<10000x128xf32, #tpu.memory_space<hbm>>, %arg5: memref<2x10000x64xf32, #tpu.memory_space<hbm>>, %arg6: memref<40x128xi32, #tpu.memory_space<vmem>>, %arg7: memref<40x128xi32, #tpu.memory_space<vmem>>, %arg8: memref<4x128x64xf32, #tpu.memory_space<vmem>>, %arg9: memref<10240x64xf32, #tpu.memory_space<vmem_shared>>, %arg10: memref<10000x64xf32, #tpu.memory_space<vmem_shared>>, %arg11: memref<4x!tpu.dma_semaphore, #tpu.memory_space<semaphore_mem>>, %arg12: memref<4x!tpu.dma_semaphore, #tpu.memory_space<semaphore_mem>>) attributes {dimension_semantics = [#tpu.dimension_semantics<core_parallel>, #tpu.dimension_semantics<subcore_parallel>], iteration_bounds = array<i64: 2, 16>, scalar_prefetch = 0 : i64, scratch_operands = 7 : i64, tpu.core_type = #tpu.core_type<sc_vector_subcore>, window_params = [{transform_indices = #map}, {transform_indices = #map}, {transform_indices = #map1}, {transform_indices = #map}]} {
    %mul3A = arith.constant 640 : i32
    %mul3A_0 = arith.muli %arg1, %mul3A : i32
    %multiple_of3A = tpu.assume_multiple %mul3A_0, 8 : i32
    %mul3A_1 = arith.constant 64 : i32
    %mul3A_2 = arith.muli %arg0, %mul3A_1 : i32
    %multiple_of3A_3 = tpu.assume_multiple %mul3A_2, 8 : i32
    %lt3A = arith.constant 15 : i32
    %lt3A_4 = arith.cmpi slt, %arg1, %lt3A : i32
    %convert_element_type3A = arith.extui %lt3A_4 : i1 to i32
    %cond3A = arith.constant 0 : i32
    %cond3A_5 = arith.cmpi ne, %convert_element_type3A, %cond3A : i32
    scf.if %cond3A_5 {
      "tpu.region"() ({
        %run_scoped3A = tpu.sem_alloc : memref<!tpu.dma_semaphore, #tpu.memory_space<semaphore_mem>>
        %dma_start3A_283 = arith.constant 0 : i32
        %dma_start3A_284 = tpu.memref_slice %arg9[%multiple_of3A, %dma_start3A_283] : memref<10240x64xf32, #tpu.memory_space<vmem_shared>> -> memref<640x64xf32, #tpu.memory_space<vmem_shared>>
        %dma_start3A_285 = tpu.memref_slice %arg4[%multiple_of3A, %multiple_of3A_3] : memref<10000x128xf32, #tpu.memory_space<hbm>> -> memref<640x64xf32, #tpu.memory_space<hbm>>
        tpu.enqueue_dma source(%dma_start3A_285 : memref<640x64xf32, #tpu.memory_space<hbm>>) target(%dma_start3A_284 : memref<640x64xf32, #tpu.memory_space<vmem_shared>>) target_semaphore(%run_scoped3A : memref<!tpu.dma_semaphore, #tpu.memory_space<semaphore_mem>>)
        %dma_wait3A = arith.constant 0 : i32
        %dma_wait3A_286 = tpu.memref_slice %arg9[%multiple_of3A, %dma_wait3A] : memref<10240x64xf32, #tpu.memory_space<vmem_shared>> -> memref<640x64xf32, #tpu.memory_space<vmem_shared>>
        %dma_wait3A_287 = tpu.memref_slice %arg4[%multiple_of3A, %multiple_of3A_3] : memref<10000x128xf32, #tpu.memory_space<hbm>> -> memref<640x64xf32, #tpu.memory_space<hbm>>
        tpu.wait_dma2 semaphore(%run_scoped3A : memref<!tpu.dma_semaphore, #tpu.memory_space<semaphore_mem>>) src(%dma_wait3A_287 : memref<640x64xf32, #tpu.memory_space<hbm>>) dst(%dma_wait3A_286 : memref<640x64xf32, #tpu.memory_space<vmem_shared>>)
        tpu.yield
      }) : () -> ()
      "tpu.region"() ({
        %run_scoped3A = tpu.sem_alloc : memref<!tpu.dma_semaphore, #tpu.memory_space<semaphore_mem>>
        %dma_start3A_283 = arith.constant 0 : i32
        %dma_start3A_284 = tpu.memref_slice %arg10[%multiple_of3A, %dma_start3A_283] : memref<10000x64xf32, #tpu.memory_space<vmem_shared>> -> memref<640x64xf32, #tpu.memory_space<vmem_shared>>
        %dma_start3A_285 = tpu.memref_slice %arg4[%multiple_of3A, %multiple_of3A_3] : memref<10000x128xf32, #tpu.memory_space<hbm>> -> memref<640x64xf32, #tpu.memory_space<hbm>>
        tpu.enqueue_dma source(%dma_start3A_285 : memref<640x64xf32, #tpu.memory_space<hbm>>) target(%dma_start3A_284 : memref<640x64xf32, #tpu.memory_space<vmem_shared>>) target_semaphore(%run_scoped3A : memref<!tpu.dma_semaphore, #tpu.memory_space<semaphore_mem>>)
        %dma_wait3A = arith.constant 0 : i32
        %dma_wait3A_286 = tpu.memref_slice %arg10[%multiple_of3A, %dma_wait3A] : memref<10000x64xf32, #tpu.memory_space<vmem_shared>> -> memref<640x64xf32, #tpu.memory_space<vmem_shared>>
        %dma_wait3A_287 = tpu.memref_slice %arg4[%multiple_of3A, %multiple_of3A_3] : memref<10000x128xf32, #tpu.memory_space<hbm>> -> memref<640x64xf32, #tpu.memory_space<hbm>>
        tpu.wait_dma2 semaphore(%run_scoped3A : memref<!tpu.dma_semaphore, #tpu.memory_space<semaphore_mem>>) src(%dma_wait3A_287 : memref<640x64xf32, #tpu.memory_space<hbm>>) dst(%dma_wait3A_286 : memref<640x64xf32, #tpu.memory_space<vmem_shared>>)
        tpu.yield
      }) : () -> ()
    } else {
    }
    %eq3A = arith.constant 15 : i32
    %eq3A_6 = arith.cmpi eq, %arg1, %eq3A : i32
    %convert_element_type3A_7 = arith.extui %eq3A_6 : i1 to i32
    %cond3A_8 = arith.constant 0 : i32
    %cond3A_9 = arith.cmpi ne, %convert_element_type3A_7, %cond3A_8 : i32
    scf.if %cond3A_9 {
      "tpu.region"() ({
        %run_scoped3A = tpu.sem_alloc : memref<!tpu.dma_semaphore, #tpu.memory_space<semaphore_mem>>
        %dma_start3A_283 = arith.constant 9600 : i32
        %dma_start3A_284 = arith.constant 0 : i32
        %dma_start3A_285 = tpu.memref_slice %arg9[%dma_start3A_283, %dma_start3A_284] : memref<10240x64xf32, #tpu.memory_space<vmem_shared>> -> memref<400x64xf32, #tpu.memory_space<vmem_shared>>
        %dma_start3A_286 = arith.constant 9600 : i32
        %dma_start3A_287 = tpu.memref_slice %arg4[%dma_start3A_286, %multiple_of3A_3] : memref<10000x128xf32, #tpu.memory_space<hbm>> -> memref<400x64xf32, #tpu.memory_space<hbm>>
        tpu.enqueue_dma source(%dma_start3A_287 : memref<400x64xf32, #tpu.memory_space<hbm>>) target(%dma_start3A_285 : memref<400x64xf32, #tpu.memory_space<vmem_shared>>) target_semaphore(%run_scoped3A : memref<!tpu.dma_semaphore, #tpu.memory_space<semaphore_mem>>)
        %dma_wait3A = arith.constant 9600 : i32
        %dma_wait3A_288 = arith.constant 0 : i32
        %dma_wait3A_289 = tpu.memref_slice %arg9[%dma_wait3A, %dma_wait3A_288] : memref<10240x64xf32, #tpu.memory_space<vmem_shared>> -> memref<400x64xf32, #tpu.memory_space<vmem_shared>>
        %dma_wait3A_290 = arith.constant 9600 : i32
        %dma_wait3A_291 = tpu.memref_slice %arg4[%dma_wait3A_290, %multiple_of3A_3] : memref<10000x128xf32, #tpu.memory_space<hbm>> -> memref<400x64xf32, #tpu.memory_space<hbm>>
        tpu.wait_dma2 semaphore(%run_scoped3A : memref<!tpu.dma_semaphore, #tpu.memory_space<semaphore_mem>>) src(%dma_wait3A_291 : memref<400x64xf32, #tpu.memory_space<hbm>>) dst(%dma_wait3A_289 : memref<400x64xf32, #tpu.memory_space<vmem_shared>>)
        tpu.yield
      }) : () -> ()
      "tpu.region"() ({
        %run_scoped3A = tpu.sem_alloc : memref<!tpu.dma_semaphore, #tpu.memory_space<semaphore_mem>>
        %dma_start3A_283 = arith.constant 9600 : i32
        %dma_start3A_284 = arith.constant 0 : i32
        %dma_start3A_285 = tpu.memref_slice %arg10[%dma_start3A_283, %dma_start3A_284] : memref<10000x64xf32, #tpu.memory_space<vmem_shared>> -> memref<400x64xf32, #tpu.memory_space<vmem_shared>>
        %dma_start3A_286 = arith.constant 9600 : i32
        %dma_start3A_287 = tpu.memref_slice %arg4[%dma_start3A_286, %multiple_of3A_3] : memref<10000x128xf32, #tpu.memory_space<hbm>> -> memref<400x64xf32, #tpu.memory_space<hbm>>
        tpu.enqueue_dma source(%dma_start3A_287 : memref<400x64xf32, #tpu.memory_space<hbm>>) target(%dma_start3A_285 : memref<400x64xf32, #tpu.memory_space<vmem_shared>>) target_semaphore(%run_scoped3A : memref<!tpu.dma_semaphore, #tpu.memory_space<semaphore_mem>>)
        %dma_wait3A = arith.constant 9600 : i32
        %dma_wait3A_288 = arith.constant 0 : i32
        %dma_wait3A_289 = tpu.memref_slice %arg10[%dma_wait3A, %dma_wait3A_288] : memref<10000x64xf32, #tpu.memory_space<vmem_shared>> -> memref<400x64xf32, #tpu.memory_space<vmem_shared>>
        %dma_wait3A_290 = arith.constant 9600 : i32
        %dma_wait3A_291 = tpu.memref_slice %arg4[%dma_wait3A_290, %multiple_of3A_3] : memref<10000x128xf32, #tpu.memory_space<hbm>> -> memref<400x64xf32, #tpu.memory_space<hbm>>
        tpu.wait_dma2 semaphore(%run_scoped3A : memref<!tpu.dma_semaphore, #tpu.memory_space<semaphore_mem>>) src(%dma_wait3A_291 : memref<400x64xf32, #tpu.memory_space<hbm>>) dst(%dma_wait3A_289 : memref<400x64xf32, #tpu.memory_space<vmem_shared>>)
        tpu.yield
      }) : () -> ()
    } else {
    }
    %barrier3A = arith.constant 0 : index
    tpu.barrier barrier_id(%barrier3A)
    "tpu.region"() ({
      %run_scoped3A = tpu.sem_alloc : memref<!tpu.dma_semaphore, #tpu.memory_space<semaphore_mem>>
      %dma_start3A_283 = arith.constant 0 : i32
      %dma_start3A_284 = arith.constant 0 : i32
      %dma_start3A_285 = tpu.memref_slice %arg2[%arg1, %dma_start3A_283, %dma_start3A_284] : memref<16x160x128xi32, #tpu.memory_space<hbm>> -> memref<1x40x128xi32, #tpu.memory_space<hbm>>
      %dma_start3A_286 = tpu.memref_squeeze %dma_start3A_285 : memref<1x40x128xi32, #tpu.memory_space<hbm>> -> memref<40x128xi32, #tpu.memory_space<hbm>>
      %dma_start3A_287 = arith.constant 0 : i32
      %dma_start3A_288 = arith.constant 0 : i32
      %dma_start3A_289 = tpu.memref_slice %arg2[%arg1, %dma_start3A_287, %dma_start3A_288] : memref<16x160x128xi32, #tpu.memory_space<hbm>> -> memref<1x40x128xi32, #tpu.memory_space<hbm>>
      %dma_start3A_290 = tpu.memref_squeeze %dma_start3A_289 : memref<1x40x128xi32, #tpu.memory_space<hbm>> -> memref<40x128xi32, #tpu.memory_space<hbm>>
      tpu.enqueue_dma source(%dma_start3A_290 : memref<40x128xi32, #tpu.memory_space<hbm>>) target(%arg6 : memref<40x128xi32, #tpu.memory_space<vmem>>) target_semaphore(%run_scoped3A : memref<!tpu.dma_semaphore, #tpu.memory_space<semaphore_mem>>)
      %dma_wait3A = arith.constant 0 : i32
      %dma_wait3A_291 = arith.constant 0 : i32
      %dma_wait3A_292 = tpu.memref_slice %arg2[%arg1, %dma_wait3A, %dma_wait3A_291] : memref<16x160x128xi32, #tpu.memory_space<hbm>> -> memref<1x40x128xi32, #tpu.memory_space<hbm>>
      %dma_wait3A_293 = tpu.memref_squeeze %dma_wait3A_292 : memref<1x40x128xi32, #tpu.memory_space<hbm>> -> memref<40x128xi32, #tpu.memory_space<hbm>>
      %dma_wait3A_294 = arith.constant 0 : i32
      %dma_wait3A_295 = arith.constant 0 : i32
      %dma_wait3A_296 = tpu.memref_slice %arg2[%arg1, %dma_wait3A_294, %dma_wait3A_295] : memref<16x160x128xi32, #tpu.memory_space<hbm>> -> memref<1x40x128xi32, #tpu.memory_space<hbm>>
      %dma_wait3A_297 = tpu.memref_squeeze %dma_wait3A_296 : memref<1x40x128xi32, #tpu.memory_space<hbm>> -> memref<40x128xi32, #tpu.memory_space<hbm>>
      tpu.wait_dma2 semaphore(%run_scoped3A : memref<!tpu.dma_semaphore, #tpu.memory_space<semaphore_mem>>) src(%dma_wait3A_297 : memref<40x128xi32, #tpu.memory_space<hbm>>) dst(%arg6 : memref<40x128xi32, #tpu.memory_space<vmem>>)
      tpu.yield
    }) : () -> ()
    "tpu.region"() ({
      %run_scoped3A = tpu.sem_alloc : memref<!tpu.dma_semaphore, #tpu.memory_space<semaphore_mem>>
      %dma_start3A_283 = arith.constant 0 : i32
      %dma_start3A_284 = arith.constant 0 : i32
      %dma_start3A_285 = tpu.memref_slice %arg3[%arg1, %dma_start3A_283, %dma_start3A_284] : memref<16x160x128xi32, #tpu.memory_space<hbm>> -> memref<1x40x128xi32, #tpu.memory_space<hbm>>
      %dma_start3A_286 = tpu.memref_squeeze %dma_start3A_285 : memref<1x40x128xi32, #tpu.memory_space<hbm>> -> memref<40x128xi32, #tpu.memory_space<hbm>>
      %dma_start3A_287 = arith.constant 0 : i32
      %dma_start3A_288 = arith.constant 0 : i32
      %dma_start3A_289 = tpu.memref_slice %arg3[%arg1, %dma_start3A_287, %dma_start3A_288] : memref<16x160x128xi32, #tpu.memory_space<hbm>> -> memref<1x40x128xi32, #tpu.memory_space<hbm>>
      %dma_start3A_290 = tpu.memref_squeeze %dma_start3A_289 : memref<1x40x128xi32, #tpu.memory_space<hbm>> -> memref<40x128xi32, #tpu.memory_space<hbm>>
      tpu.enqueue_dma source(%dma_start3A_290 : memref<40x128xi32, #tpu.memory_space<hbm>>) target(%arg7 : memref<40x128xi32, #tpu.memory_space<vmem>>) target_semaphore(%run_scoped3A : memref<!tpu.dma_semaphore, #tpu.memory_space<semaphore_mem>>)
      %dma_wait3A = arith.constant 0 : i32
      %dma_wait3A_291 = arith.constant 0 : i32
      %dma_wait3A_292 = tpu.memref_slice %arg3[%arg1, %dma_wait3A, %dma_wait3A_291] : memref<16x160x128xi32, #tpu.memory_space<hbm>> -> memref<1x40x128xi32, #tpu.memory_space<hbm>>
      %dma_wait3A_293 = tpu.memref_squeeze %dma_wait3A_292 : memref<1x40x128xi32, #tpu.memory_space<hbm>> -> memref<40x128xi32, #tpu.memory_space<hbm>>
      %dma_wait3A_294 = arith.constant 0 : i32
      %dma_wait3A_295 = arith.constant 0 : i32
      %dma_wait3A_296 = tpu.memref_slice %arg3[%arg1, %dma_wait3A_294, %dma_wait3A_295] : memref<16x160x128xi32, #tpu.memory_space<hbm>> -> memref<1x40x128xi32, #tpu.memory_space<hbm>>
      %dma_wait3A_297 = tpu.memref_squeeze %dma_wait3A_296 : memref<1x40x128xi32, #tpu.memory_space<hbm>> -> memref<40x128xi32, #tpu.memory_space<hbm>>
      tpu.wait_dma2 semaphore(%run_scoped3A : memref<!tpu.dma_semaphore, #tpu.memory_space<semaphore_mem>>) src(%dma_wait3A_297 : memref<40x128xi32, #tpu.memory_space<hbm>>) dst(%arg7 : memref<40x128xi32, #tpu.memory_space<vmem>>)
      tpu.yield
    }) : () -> ()
    %dma_start3A = arith.constant 0 : i32
    %dma_start3A_10 = arith.constant 0 : i32
    %dma_start3A_11 = arith.constant 0 : i32
    %dma_start3A_12 = arith.constant 0 : i32
    %dma_start3A_13 = arith.constant 0 : i32
    %dma_start3A_14 = tpu.memref_slice %arg8[%dma_start3A_10, %dma_start3A_12, %dma_start3A_13] : memref<4x128x64xf32, #tpu.memory_space<vmem>> -> memref<1x128x64xf32, #tpu.memory_space<vmem>>
    %dma_start3A_15 = tpu.memref_squeeze %dma_start3A_14 : memref<1x128x64xf32, #tpu.memory_space<vmem>> -> memref<128x64xf32, #tpu.memory_space<vmem>>
    %dma_start3A_16 = arith.constant 0 : i32
    %dma_start3A_17 = tpu.memref_slice %arg6[%dma_start3A, %dma_start3A_16] : memref<40x128xi32, #tpu.memory_space<vmem>> -> memref<1x128xi32, #tpu.memory_space<vmem>>
    %dma_start3A_18 = tpu.memref_squeeze %dma_start3A_17 : memref<1x128xi32, #tpu.memory_space<vmem>> -> memref<128xi32, #tpu.memory_space<vmem>>
    %dma_start3A_19 = arith.constant 0 : i32
    %dma_start3A_20 = arith.constant 0 : i32
    %dma_start3A_21 = tpu.memref_slice %arg10[%dma_start3A_19, %dma_start3A_20] : memref<10000x64xf32, #tpu.memory_space<vmem_shared>> -> memref<10000x64xf32, #tpu.memory_space<vmem_shared>>
    %dma_start3A_22 = tpu.memref_slice %arg11[%dma_start3A_11] : memref<4x!tpu.dma_semaphore, #tpu.memory_space<semaphore_mem>> -> memref<1x!tpu.dma_semaphore, #tpu.memory_space<semaphore_mem>>
    %dma_start3A_23 = tpu.memref_squeeze %dma_start3A_22 : memref<1x!tpu.dma_semaphore, #tpu.memory_space<semaphore_mem>> -> memref<!tpu.dma_semaphore, #tpu.memory_space<semaphore_mem>>
    tpu.enqueue_indirect_dma source(%dma_start3A_21 : memref<10000x64xf32, #tpu.memory_space<vmem_shared>>) target(%dma_start3A_15 : memref<128x64xf32, #tpu.memory_space<vmem>>) offsets(%dma_start3A_18 : memref<128xi32, #tpu.memory_space<vmem>>) semaphore(%dma_start3A_23 : memref<!tpu.dma_semaphore, #tpu.memory_space<semaphore_mem>>)
    %dma_start3A_24 = arith.constant 1 : i32
    %dma_start3A_25 = arith.constant 1 : i32
    %dma_start3A_26 = arith.constant 1 : i32
    %dma_start3A_27 = arith.constant 0 : i32
    %dma_start3A_28 = arith.constant 0 : i32
    %dma_start3A_29 = tpu.memref_slice %arg8[%dma_start3A_25, %dma_start3A_27, %dma_start3A_28] : memref<4x128x64xf32, #tpu.memory_space<vmem>> -> memref<1x128x64xf32, #tpu.memory_space<vmem>>
    %dma_start3A_30 = tpu.memref_squeeze %dma_start3A_29 : memref<1x128x64xf32, #tpu.memory_space<vmem>> -> memref<128x64xf32, #tpu.memory_space<vmem>>
    %dma_start3A_31 = arith.constant 0 : i32
    %dma_start3A_32 = tpu.memref_slice %arg6[%dma_start3A_24, %dma_start3A_31] : memref<40x128xi32, #tpu.memory_space<vmem>> -> memref<1x128xi32, #tpu.memory_space<vmem>>
    %dma_start3A_33 = tpu.memref_squeeze %dma_start3A_32 : memref<1x128xi32, #tpu.memory_space<vmem>> -> memref<128xi32, #tpu.memory_space<vmem>>
    %dma_start3A_34 = arith.constant 0 : i32
    %dma_start3A_35 = arith.constant 0 : i32
    %dma_start3A_36 = tpu.memref_slice %arg10[%dma_start3A_34, %dma_start3A_35] : memref<10000x64xf32, #tpu.memory_space<vmem_shared>> -> memref<10000x64xf32, #tpu.memory_space<vmem_shared>>
    %dma_start3A_37 = tpu.memref_slice %arg11[%dma_start3A_26] : memref<4x!tpu.dma_semaphore, #tpu.memory_space<semaphore_mem>> -> memref<1x!tpu.dma_semaphore, #tpu.memory_space<semaphore_mem>>
    %dma_start3A_38 = tpu.memref_squeeze %dma_start3A_37 : memref<1x!tpu.dma_semaphore, #tpu.memory_space<semaphore_mem>> -> memref<!tpu.dma_semaphore, #tpu.memory_space<semaphore_mem>>
    tpu.enqueue_indirect_dma source(%dma_start3A_36 : memref<10000x64xf32, #tpu.memory_space<vmem_shared>>) target(%dma_start3A_30 : memref<128x64xf32, #tpu.memory_space<vmem>>) offsets(%dma_start3A_33 : memref<128xi32, #tpu.memory_space<vmem>>) semaphore(%dma_start3A_38 : memref<!tpu.dma_semaphore, #tpu.memory_space<semaphore_mem>>)
    %dma_start3A_39 = arith.constant 2 : i32
    %dma_start3A_40 = arith.constant 2 : i32
    %dma_start3A_41 = arith.constant 2 : i32
    %dma_start3A_42 = arith.constant 0 : i32
    %dma_start3A_43 = arith.constant 0 : i32
    %dma_start3A_44 = tpu.memref_slice %arg8[%dma_start3A_40, %dma_start3A_42, %dma_start3A_43] : memref<4x128x64xf32, #tpu.memory_space<vmem>> -> memref<1x128x64xf32, #tpu.memory_space<vmem>>
    %dma_start3A_45 = tpu.memref_squeeze %dma_start3A_44 : memref<1x128x64xf32, #tpu.memory_space<vmem>> -> memref<128x64xf32, #tpu.memory_space<vmem>>
    %dma_start3A_46 = arith.constant 0 : i32
    %dma_start3A_47 = tpu.memref_slice %arg6[%dma_start3A_39, %dma_start3A_46] : memref<40x128xi32, #tpu.memory_space<vmem>> -> memref<1x128xi32, #tpu.memory_space<vmem>>
    %dma_start3A_48 = tpu.memref_squeeze %dma_start3A_47 : memref<1x128xi32, #tpu.memory_space<vmem>> -> memref<128xi32, #tpu.memory_space<vmem>>
    %dma_start3A_49 = arith.constant 0 : i32
    %dma_start3A_50 = arith.constant 0 : i32
    %dma_start3A_51 = tpu.memref_slice %arg10[%dma_start3A_49, %dma_start3A_50] : memref<10000x64xf32, #tpu.memory_space<vmem_shared>> -> memref<10000x64xf32, #tpu.memory_space<vmem_shared>>
    %dma_start3A_52 = tpu.memref_slice %arg11[%dma_start3A_41] : memref<4x!tpu.dma_semaphore, #tpu.memory_space<semaphore_mem>> -> memref<1x!tpu.dma_semaphore, #tpu.memory_space<semaphore_mem>>
    %dma_start3A_53 = tpu.memref_squeeze %dma_start3A_52 : memref<1x!tpu.dma_semaphore, #tpu.memory_space<semaphore_mem>> -> memref<!tpu.dma_semaphore, #tpu.memory_space<semaphore_mem>>
    tpu.enqueue_indirect_dma source(%dma_start3A_51 : memref<10000x64xf32, #tpu.memory_space<vmem_shared>>) target(%dma_start3A_45 : memref<128x64xf32, #tpu.memory_space<vmem>>) offsets(%dma_start3A_48 : memref<128xi32, #tpu.memory_space<vmem>>) semaphore(%dma_start3A_53 : memref<!tpu.dma_semaphore, #tpu.memory_space<semaphore_mem>>)
    %dma_start3A_54 = arith.constant 3 : i32
    %dma_start3A_55 = arith.constant 3 : i32
    %dma_start3A_56 = arith.constant 3 : i32
    %dma_start3A_57 = arith.constant 0 : i32
    %dma_start3A_58 = arith.constant 0 : i32
    %dma_start3A_59 = tpu.memref_slice %arg8[%dma_start3A_55, %dma_start3A_57, %dma_start3A_58] : memref<4x128x64xf32, #tpu.memory_space<vmem>> -> memref<1x128x64xf32, #tpu.memory_space<vmem>>
    %dma_start3A_60 = tpu.memref_squeeze %dma_start3A_59 : memref<1x128x64xf32, #tpu.memory_space<vmem>> -> memref<128x64xf32, #tpu.memory_space<vmem>>
    %dma_start3A_61 = arith.constant 0 : i32
    %dma_start3A_62 = tpu.memref_slice %arg6[%dma_start3A_54, %dma_start3A_61] : memref<40x128xi32, #tpu.memory_space<vmem>> -> memref<1x128xi32, #tpu.memory_space<vmem>>
    %dma_start3A_63 = tpu.memref_squeeze %dma_start3A_62 : memref<1x128xi32, #tpu.memory_space<vmem>> -> memref<128xi32, #tpu.memory_space<vmem>>
    %dma_start3A_64 = arith.constant 0 : i32
    %dma_start3A_65 = arith.constant 0 : i32
    %dma_start3A_66 = tpu.memref_slice %arg10[%dma_start3A_64, %dma_start3A_65] : memref<10000x64xf32, #tpu.memory_space<vmem_shared>> -> memref<10000x64xf32, #tpu.memory_space<vmem_shared>>
    %dma_start3A_67 = tpu.memref_slice %arg11[%dma_start3A_56] : memref<4x!tpu.dma_semaphore, #tpu.memory_space<semaphore_mem>> -> memref<1x!tpu.dma_semaphore, #tpu.memory_space<semaphore_mem>>
    %dma_start3A_68 = tpu.memref_squeeze %dma_start3A_67 : memref<1x!tpu.dma_semaphore, #tpu.memory_space<semaphore_mem>> -> memref<!tpu.dma_semaphore, #tpu.memory_space<semaphore_mem>>
    tpu.enqueue_indirect_dma source(%dma_start3A_66 : memref<10000x64xf32, #tpu.memory_space<vmem_shared>>) target(%dma_start3A_60 : memref<128x64xf32, #tpu.memory_space<vmem>>) offsets(%dma_start3A_63 : memref<128xi32, #tpu.memory_space<vmem>>) semaphore(%dma_start3A_68 : memref<!tpu.dma_semaphore, #tpu.memory_space<semaphore_mem>>)
    %scan3A = arith.constant 0 : i32
    %scan3A_69 = arith.constant 0 : i32
    %scan3A_70 = arith.constant 10 : i32
    %scan3A_71 = arith.addi %scan3A_69, %scan3A_70 : i32
    %scan3A_72 = arith.constant 1 : i32
    scf.for %scan3A_283 = %scan3A_69 to %scan3A_71 step %scan3A_72  : i32 {
      %mul3A_284 = arith.constant 4 : i32
      %mul3A_285 = arith.muli %scan3A_283, %mul3A_284 : i32
      %add3A = arith.constant 0 : i32
      %add3A_286 = arith.addi %mul3A_285, %add3A : i32
      %dma_wait3A = arith.constant 0 : i32
      %dma_wait3A_287 = arith.constant 0 : i32
      %dma_wait3A_288 = arith.constant 0 : i32
      %dma_wait3A_289 = arith.constant 0 : i32
      %dma_wait3A_290 = tpu.memref_slice %arg8[%dma_wait3A, %dma_wait3A_288, %dma_wait3A_289] : memref<4x128x64xf32, #tpu.memory_space<vmem>> -> memref<1x128x64xf32, #tpu.memory_space<vmem>>
      %dma_wait3A_291 = tpu.memref_squeeze %dma_wait3A_290 : memref<1x128x64xf32, #tpu.memory_space<vmem>> -> memref<128x64xf32, #tpu.memory_space<vmem>>
      %dma_wait3A_292 = arith.constant 0 : i32
      %dma_wait3A_293 = tpu.memref_slice %arg6[%add3A_286, %dma_wait3A_292] : memref<40x128xi32, #tpu.memory_space<vmem>> -> memref<1x128xi32, #tpu.memory_space<vmem>>
      %dma_wait3A_294 = tpu.memref_squeeze %dma_wait3A_293 : memref<1x128xi32, #tpu.memory_space<vmem>> -> memref<128xi32, #tpu.memory_space<vmem>>
      %dma_wait3A_295 = arith.constant 0 : i32
      %dma_wait3A_296 = arith.constant 0 : i32
      %dma_wait3A_297 = tpu.memref_slice %arg10[%dma_wait3A_295, %dma_wait3A_296] : memref<10000x64xf32, #tpu.memory_space<vmem_shared>> -> memref<10000x64xf32, #tpu.memory_space<vmem_shared>>
      %dma_wait3A_298 = tpu.memref_slice %arg11[%dma_wait3A_287] : memref<4x!tpu.dma_semaphore, #tpu.memory_space<semaphore_mem>> -> memref<1x!tpu.dma_semaphore, #tpu.memory_space<semaphore_mem>>
      %dma_wait3A_299 = tpu.memref_squeeze %dma_wait3A_298 : memref<1x!tpu.dma_semaphore, #tpu.memory_space<semaphore_mem>> -> memref<!tpu.dma_semaphore, #tpu.memory_space<semaphore_mem>>
      tpu.wait_indirect_dma semaphore(%dma_wait3A_299 : memref<!tpu.dma_semaphore, #tpu.memory_space<semaphore_mem>>) src(%dma_wait3A_297 : memref<10000x64xf32, #tpu.memory_space<vmem_shared>>) dst(%dma_wait3A_291 : memref<128x64xf32, #tpu.memory_space<vmem>>)
      %add3A_300 = arith.constant 0 : i32
      %add3A_301 = arith.addi %mul3A_285, %add3A_300 : i32
      %dma_start3A_302 = arith.constant 0 : i32
      %dma_start3A_303 = arith.constant 0 : i32
      %dma_start3A_304 = arith.constant 0 : i32
      %dma_start3A_305 = arith.constant 0 : i32
      %dma_start3A_306 = tpu.memref_slice %arg8[%dma_start3A_302, %dma_start3A_304, %dma_start3A_305] : memref<4x128x64xf32, #tpu.memory_space<vmem>> -> memref<1x128x64xf32, #tpu.memory_space<vmem>>
      %dma_start3A_307 = tpu.memref_squeeze %dma_start3A_306 : memref<1x128x64xf32, #tpu.memory_space<vmem>> -> memref<128x64xf32, #tpu.memory_space<vmem>>
      %dma_start3A_308 = arith.constant 0 : i32
      %dma_start3A_309 = tpu.memref_slice %arg7[%add3A_301, %dma_start3A_308] : memref<40x128xi32, #tpu.memory_space<vmem>> -> memref<1x128xi32, #tpu.memory_space<vmem>>
      %dma_start3A_310 = tpu.memref_squeeze %dma_start3A_309 : memref<1x128xi32, #tpu.memory_space<vmem>> -> memref<128xi32, #tpu.memory_space<vmem>>
      %dma_start3A_311 = arith.constant 0 : i32
      %dma_start3A_312 = arith.constant 0 : i32
      %dma_start3A_313 = tpu.memref_slice %arg9[%dma_start3A_311, %dma_start3A_312] : memref<10240x64xf32, #tpu.memory_space<vmem_shared>> -> memref<10240x64xf32, #tpu.memory_space<vmem_shared>>
      %dma_start3A_314 = tpu.memref_slice %arg12[%dma_start3A_303] : memref<4x!tpu.dma_semaphore, #tpu.memory_space<semaphore_mem>> -> memref<1x!tpu.dma_semaphore, #tpu.memory_space<semaphore_mem>>
      %dma_start3A_315 = tpu.memref_squeeze %dma_start3A_314 : memref<1x!tpu.dma_semaphore, #tpu.memory_space<semaphore_mem>> -> memref<!tpu.dma_semaphore, #tpu.memory_space<semaphore_mem>>
      tpu.enqueue_indirect_dma source(%dma_start3A_307 : memref<128x64xf32, #tpu.memory_space<vmem>>) target(%dma_start3A_313 : memref<10240x64xf32, #tpu.memory_space<vmem_shared>>) offsets(%dma_start3A_310 : memref<128xi32, #tpu.memory_space<vmem>>) semaphore(%dma_start3A_315 : memref<!tpu.dma_semaphore, #tpu.memory_space<semaphore_mem>>) {add = true}
      %add3A_316 = arith.constant 1 : i32
      %add3A_317 = arith.addi %mul3A_285, %add3A_316 : i32
      %dma_wait3A_318 = arith.constant 1 : i32
      %dma_wait3A_319 = arith.constant 1 : i32
      %dma_wait3A_320 = arith.constant 0 : i32
      %dma_wait3A_321 = arith.constant 0 : i32
      %dma_wait3A_322 = tpu.memref_slice %arg8[%dma_wait3A_318, %dma_wait3A_320, %dma_wait3A_321] : memref<4x128x64xf32, #tpu.memory_space<vmem>> -> memref<1x128x64xf32, #tpu.memory_space<vmem>>
      %dma_wait3A_323 = tpu.memref_squeeze %dma_wait3A_322 : memref<1x128x64xf32, #tpu.memory_space<vmem>> -> memref<128x64xf32, #tpu.memory_space<vmem>>
      %dma_wait3A_324 = arith.constant 0 : i32
      %dma_wait3A_325 = tpu.memref_slice %arg6[%add3A_317, %dma_wait3A_324] : memref<40x128xi32, #tpu.memory_space<vmem>> -> memref<1x128xi32, #tpu.memory_space<vmem>>
      %dma_wait3A_326 = tpu.memref_squeeze %dma_wait3A_325 : memref<1x128xi32, #tpu.memory_space<vmem>> -> memref<128xi32, #tpu.memory_space<vmem>>
      %dma_wait3A_327 = arith.constant 0 : i32
      %dma_wait3A_328 = arith.constant 0 : i32
      %dma_wait3A_329 = tpu.memref_slice %arg10[%dma_wait3A_327, %dma_wait3A_328] : memref<10000x64xf32, #tpu.memory_space<vmem_shared>> -> memref<10000x64xf32, #tpu.memory_space<vmem_shared>>
      %dma_wait3A_330 = tpu.memref_slice %arg11[%dma_wait3A_319] : memref<4x!tpu.dma_semaphore, #tpu.memory_space<semaphore_mem>> -> memref<1x!tpu.dma_semaphore, #tpu.memory_space<semaphore_mem>>
      %dma_wait3A_331 = tpu.memref_squeeze %dma_wait3A_330 : memref<1x!tpu.dma_semaphore, #tpu.memory_space<semaphore_mem>> -> memref<!tpu.dma_semaphore, #tpu.memory_space<semaphore_mem>>
      tpu.wait_indirect_dma semaphore(%dma_wait3A_331 : memref<!tpu.dma_semaphore, #tpu.memory_space<semaphore_mem>>) src(%dma_wait3A_329 : memref<10000x64xf32, #tpu.memory_space<vmem_shared>>) dst(%dma_wait3A_323 : memref<128x64xf32, #tpu.memory_space<vmem>>)
      %add3A_332 = arith.constant 1 : i32
      %add3A_333 = arith.addi %mul3A_285, %add3A_332 : i32
      %dma_start3A_334 = arith.constant 1 : i32
      %dma_start3A_335 = arith.constant 1 : i32
      %dma_start3A_336 = arith.constant 0 : i32
      %dma_start3A_337 = arith.constant 0 : i32
      %dma_start3A_338 = tpu.memref_slice %arg8[%dma_start3A_334, %dma_start3A_336, %dma_start3A_337] : memref<4x128x64xf32, #tpu.memory_space<vmem>> -> memref<1x128x64xf32, #tpu.memory_space<vmem>>
      %dma_start3A_339 = tpu.memref_squeeze %dma_start3A_338 : memref<1x128x64xf32, #tpu.memory_space<vmem>> -> memref<128x64xf32, #tpu.memory_space<vmem>>
      %dma_start3A_340 = arith.constant 0 : i32
      %dma_start3A_341 = tpu.memref_slice %arg7[%add3A_333, %dma_start3A_340] : memref<40x128xi32, #tpu.memory_space<vmem>> -> memref<1x128xi32, #tpu.memory_space<vmem>>
      %dma_start3A_342 = tpu.memref_squeeze %dma_start3A_341 : memref<1x128xi32, #tpu.memory_space<vmem>> -> memref<128xi32, #tpu.memory_space<vmem>>
      %dma_start3A_343 = arith.constant 0 : i32
      %dma_start3A_344 = arith.constant 0 : i32
      %dma_start3A_345 = tpu.memref_slice %arg9[%dma_start3A_343, %dma_start3A_344] : memref<10240x64xf32, #tpu.memory_space<vmem_shared>> -> memref<10240x64xf32, #tpu.memory_space<vmem_shared>>
      %dma_start3A_346 = tpu.memref_slice %arg12[%dma_start3A_335] : memref<4x!tpu.dma_semaphore, #tpu.memory_space<semaphore_mem>> -> memref<1x!tpu.dma_semaphore, #tpu.memory_space<semaphore_mem>>
      %dma_start3A_347 = tpu.memref_squeeze %dma_start3A_346 : memref<1x!tpu.dma_semaphore, #tpu.memory_space<semaphore_mem>> -> memref<!tpu.dma_semaphore, #tpu.memory_space<semaphore_mem>>
      tpu.enqueue_indirect_dma source(%dma_start3A_339 : memref<128x64xf32, #tpu.memory_space<vmem>>) target(%dma_start3A_345 : memref<10240x64xf32, #tpu.memory_space<vmem_shared>>) offsets(%dma_start3A_342 : memref<128xi32, #tpu.memory_space<vmem>>) semaphore(%dma_start3A_347 : memref<!tpu.dma_semaphore, #tpu.memory_space<semaphore_mem>>) {add = true}
      %add3A_348 = arith.constant 2 : i32
      %add3A_349 = arith.addi %mul3A_285, %add3A_348 : i32
      %dma_wait3A_350 = arith.constant 2 : i32
      %dma_wait3A_351 = arith.constant 2 : i32
      %dma_wait3A_352 = arith.constant 0 : i32
      %dma_wait3A_353 = arith.constant 0 : i32
      %dma_wait3A_354 = tpu.memref_slice %arg8[%dma_wait3A_350, %dma_wait3A_352, %dma_wait3A_353] : memref<4x128x64xf32, #tpu.memory_space<vmem>> -> memref<1x128x64xf32, #tpu.memory_space<vmem>>
      %dma_wait3A_355 = tpu.memref_squeeze %dma_wait3A_354 : memref<1x128x64xf32, #tpu.memory_space<vmem>> -> memref<128x64xf32, #tpu.memory_space<vmem>>
      %dma_wait3A_356 = arith.constant 0 : i32
      %dma_wait3A_357 = tpu.memref_slice %arg6[%add3A_349, %dma_wait3A_356] : memref<40x128xi32, #tpu.memory_space<vmem>> -> memref<1x128xi32, #tpu.memory_space<vmem>>
      %dma_wait3A_358 = tpu.memref_squeeze %dma_wait3A_357 : memref<1x128xi32, #tpu.memory_space<vmem>> -> memref<128xi32, #tpu.memory_space<vmem>>
      %dma_wait3A_359 = arith.constant 0 : i32
      %dma_wait3A_360 = arith.constant 0 : i32
      %dma_wait3A_361 = tpu.memref_slice %arg10[%dma_wait3A_359, %dma_wait3A_360] : memref<10000x64xf32, #tpu.memory_space<vmem_shared>> -> memref<10000x64xf32, #tpu.memory_space<vmem_shared>>
      %dma_wait3A_362 = tpu.memref_slice %arg11[%dma_wait3A_351] : memref<4x!tpu.dma_semaphore, #tpu.memory_space<semaphore_mem>> -> memref<1x!tpu.dma_semaphore, #tpu.memory_space<semaphore_mem>>
      %dma_wait3A_363 = tpu.memref_squeeze %dma_wait3A_362 : memref<1x!tpu.dma_semaphore, #tpu.memory_space<semaphore_mem>> -> memref<!tpu.dma_semaphore, #tpu.memory_space<semaphore_mem>>
      tpu.wait_indirect_dma semaphore(%dma_wait3A_363 : memref<!tpu.dma_semaphore, #tpu.memory_space<semaphore_mem>>) src(%dma_wait3A_361 : memref<10000x64xf32, #tpu.memory_space<vmem_shared>>) dst(%dma_wait3A_355 : memref<128x64xf32, #tpu.memory_space<vmem>>)
      %add3A_364 = arith.constant 2 : i32
      %add3A_365 = arith.addi %mul3A_285, %add3A_364 : i32
      %dma_start3A_366 = arith.constant 2 : i32
      %dma_start3A_367 = arith.constant 2 : i32
      %dma_start3A_368 = arith.constant 0 : i32
      %dma_start3A_369 = arith.constant 0 : i32
      %dma_start3A_370 = tpu.memref_slice %arg8[%dma_start3A_366, %dma_start3A_368, %dma_start3A_369] : memref<4x128x64xf32, #tpu.memory_space<vmem>> -> memref<1x128x64xf32, #tpu.memory_space<vmem>>
      %dma_start3A_371 = tpu.memref_squeeze %dma_start3A_370 : memref<1x128x64xf32, #tpu.memory_space<vmem>> -> memref<128x64xf32, #tpu.memory_space<vmem>>
      %dma_start3A_372 = arith.constant 0 : i32
      %dma_start3A_373 = tpu.memref_slice %arg7[%add3A_365, %dma_start3A_372] : memref<40x128xi32, #tpu.memory_space<vmem>> -> memref<1x128xi32, #tpu.memory_space<vmem>>
      %dma_start3A_374 = tpu.memref_squeeze %dma_start3A_373 : memref<1x128xi32, #tpu.memory_space<vmem>> -> memref<128xi32, #tpu.memory_space<vmem>>
      %dma_start3A_375 = arith.constant 0 : i32
      %dma_start3A_376 = arith.constant 0 : i32
      %dma_start3A_377 = tpu.memref_slice %arg9[%dma_start3A_375, %dma_start3A_376] : memref<10240x64xf32, #tpu.memory_space<vmem_shared>> -> memref<10240x64xf32, #tpu.memory_space<vmem_shared>>
      %dma_start3A_378 = tpu.memref_slice %arg12[%dma_start3A_367] : memref<4x!tpu.dma_semaphore, #tpu.memory_space<semaphore_mem>> -> memref<1x!tpu.dma_semaphore, #tpu.memory_space<semaphore_mem>>
      %dma_start3A_379 = tpu.memref_squeeze %dma_start3A_378 : memref<1x!tpu.dma_semaphore, #tpu.memory_space<semaphore_mem>> -> memref<!tpu.dma_semaphore, #tpu.memory_space<semaphore_mem>>
      tpu.enqueue_indirect_dma source(%dma_start3A_371 : memref<128x64xf32, #tpu.memory_space<vmem>>) target(%dma_start3A_377 : memref<10240x64xf32, #tpu.memory_space<vmem_shared>>) offsets(%dma_start3A_374 : memref<128xi32, #tpu.memory_space<vmem>>) semaphore(%dma_start3A_379 : memref<!tpu.dma_semaphore, #tpu.memory_space<semaphore_mem>>) {add = true}
      %add3A_380 = arith.constant 3 : i32
      %add3A_381 = arith.addi %mul3A_285, %add3A_380 : i32
      %dma_wait3A_382 = arith.constant 3 : i32
      %dma_wait3A_383 = arith.constant 3 : i32
      %dma_wait3A_384 = arith.constant 0 : i32
      %dma_wait3A_385 = arith.constant 0 : i32
      %dma_wait3A_386 = tpu.memref_slice %arg8[%dma_wait3A_382, %dma_wait3A_384, %dma_wait3A_385] : memref<4x128x64xf32, #tpu.memory_space<vmem>> -> memref<1x128x64xf32, #tpu.memory_space<vmem>>
      %dma_wait3A_387 = tpu.memref_squeeze %dma_wait3A_386 : memref<1x128x64xf32, #tpu.memory_space<vmem>> -> memref<128x64xf32, #tpu.memory_space<vmem>>
      %dma_wait3A_388 = arith.constant 0 : i32
      %dma_wait3A_389 = tpu.memref_slice %arg6[%add3A_381, %dma_wait3A_388] : memref<40x128xi32, #tpu.memory_space<vmem>> -> memref<1x128xi32, #tpu.memory_space<vmem>>
      %dma_wait3A_390 = tpu.memref_squeeze %dma_wait3A_389 : memref<1x128xi32, #tpu.memory_space<vmem>> -> memref<128xi32, #tpu.memory_space<vmem>>
      %dma_wait3A_391 = arith.constant 0 : i32
      %dma_wait3A_392 = arith.constant 0 : i32
      %dma_wait3A_393 = tpu.memref_slice %arg10[%dma_wait3A_391, %dma_wait3A_392] : memref<10000x64xf32, #tpu.memory_space<vmem_shared>> -> memref<10000x64xf32, #tpu.memory_space<vmem_shared>>
      %dma_wait3A_394 = tpu.memref_slice %arg11[%dma_wait3A_383] : memref<4x!tpu.dma_semaphore, #tpu.memory_space<semaphore_mem>> -> memref<1x!tpu.dma_semaphore, #tpu.memory_space<semaphore_mem>>
      %dma_wait3A_395 = tpu.memref_squeeze %dma_wait3A_394 : memref<1x!tpu.dma_semaphore, #tpu.memory_space<semaphore_mem>> -> memref<!tpu.dma_semaphore, #tpu.memory_space<semaphore_mem>>
      tpu.wait_indirect_dma semaphore(%dma_wait3A_395 : memref<!tpu.dma_semaphore, #tpu.memory_space<semaphore_mem>>) src(%dma_wait3A_393 : memref<10000x64xf32, #tpu.memory_space<vmem_shared>>) dst(%dma_wait3A_387 : memref<128x64xf32, #tpu.memory_space<vmem>>)
      %add3A_396 = arith.constant 3 : i32
      %add3A_397 = arith.addi %mul3A_285, %add3A_396 : i32
      %dma_start3A_398 = arith.constant 3 : i32
      %dma_start3A_399 = arith.constant 3 : i32
      %dma_start3A_400 = arith.constant 0 : i32
      %dma_start3A_401 = arith.constant 0 : i32
      %dma_start3A_402 = tpu.memref_slice %arg8[%dma_start3A_398, %dma_start3A_400, %dma_start3A_401] : memref<4x128x64xf32, #tpu.memory_space<vmem>> -> memref<1x128x64xf32, #tpu.memory_space<vmem>>
      %dma_start3A_403 = tpu.memref_squeeze %dma_start3A_402 : memref<1x128x64xf32, #tpu.memory_space<vmem>> -> memref<128x64xf32, #tpu.memory_space<vmem>>
      %dma_start3A_404 = arith.constant 0 : i32
      %dma_start3A_405 = tpu.memref_slice %arg7[%add3A_397, %dma_start3A_404] : memref<40x128xi32, #tpu.memory_space<vmem>> -> memref<1x128xi32, #tpu.memory_space<vmem>>
      %dma_start3A_406 = tpu.memref_squeeze %dma_start3A_405 : memref<1x128xi32, #tpu.memory_space<vmem>> -> memref<128xi32, #tpu.memory_space<vmem>>
      %dma_start3A_407 = arith.constant 0 : i32
      %dma_start3A_408 = arith.constant 0 : i32
      %dma_start3A_409 = tpu.memref_slice %arg9[%dma_start3A_407, %dma_start3A_408] : memref<10240x64xf32, #tpu.memory_space<vmem_shared>> -> memref<10240x64xf32, #tpu.memory_space<vmem_shared>>
      %dma_start3A_410 = tpu.memref_slice %arg12[%dma_start3A_399] : memref<4x!tpu.dma_semaphore, #tpu.memory_space<semaphore_mem>> -> memref<1x!tpu.dma_semaphore, #tpu.memory_space<semaphore_mem>>
      %dma_start3A_411 = tpu.memref_squeeze %dma_start3A_410 : memref<1x!tpu.dma_semaphore, #tpu.memory_space<semaphore_mem>> -> memref<!tpu.dma_semaphore, #tpu.memory_space<semaphore_mem>>
      tpu.enqueue_indirect_dma source(%dma_start3A_403 : memref<128x64xf32, #tpu.memory_space<vmem>>) target(%dma_start3A_409 : memref<10240x64xf32, #tpu.memory_space<vmem_shared>>) offsets(%dma_start3A_406 : memref<128xi32, #tpu.memory_space<vmem>>) semaphore(%dma_start3A_411 : memref<!tpu.dma_semaphore, #tpu.memory_space<semaphore_mem>>) {add = true}
      %add3A_412 = arith.constant 0 : i32
      %add3A_413 = arith.addi %mul3A_285, %add3A_412 : i32
      %dma_wait3A_414 = arith.constant 0 : i32
      %dma_wait3A_415 = arith.constant 0 : i32
      %dma_wait3A_416 = arith.constant 0 : i32
      %dma_wait3A_417 = arith.constant 0 : i32
      %dma_wait3A_418 = tpu.memref_slice %arg8[%dma_wait3A_414, %dma_wait3A_416, %dma_wait3A_417] : memref<4x128x64xf32, #tpu.memory_space<vmem>> -> memref<1x128x64xf32, #tpu.memory_space<vmem>>
      %dma_wait3A_419 = tpu.memref_squeeze %dma_wait3A_418 : memref<1x128x64xf32, #tpu.memory_space<vmem>> -> memref<128x64xf32, #tpu.memory_space<vmem>>
      %dma_wait3A_420 = arith.constant 0 : i32
      %dma_wait3A_421 = tpu.memref_slice %arg7[%add3A_413, %dma_wait3A_420] : memref<40x128xi32, #tpu.memory_space<vmem>> -> memref<1x128xi32, #tpu.memory_space<vmem>>
      %dma_wait3A_422 = tpu.memref_squeeze %dma_wait3A_421 : memref<1x128xi32, #tpu.memory_space<vmem>> -> memref<128xi32, #tpu.memory_space<vmem>>
      %dma_wait3A_423 = arith.constant 0 : i32
      %dma_wait3A_424 = arith.constant 0 : i32
      %dma_wait3A_425 = tpu.memref_slice %arg9[%dma_wait3A_423, %dma_wait3A_424] : memref<10240x64xf32, #tpu.memory_space<vmem_shared>> -> memref<10240x64xf32, #tpu.memory_space<vmem_shared>>
      %dma_wait3A_426 = tpu.memref_slice %arg12[%dma_wait3A_415] : memref<4x!tpu.dma_semaphore, #tpu.memory_space<semaphore_mem>> -> memref<1x!tpu.dma_semaphore, #tpu.memory_space<semaphore_mem>>
      %dma_wait3A_427 = tpu.memref_squeeze %dma_wait3A_426 : memref<1x!tpu.dma_semaphore, #tpu.memory_space<semaphore_mem>> -> memref<!tpu.dma_semaphore, #tpu.memory_space<semaphore_mem>>
      tpu.wait_indirect_dma semaphore(%dma_wait3A_427 : memref<!tpu.dma_semaphore, #tpu.memory_space<semaphore_mem>>) src(%dma_wait3A_419 : memref<128x64xf32, #tpu.memory_space<vmem>>) dst(%dma_wait3A_425 : memref<10240x64xf32, #tpu.memory_space<vmem_shared>>)
      %add3A_428 = arith.constant 0 : i32
      %add3A_429 = arith.addi %mul3A_285, %add3A_428 : i32
      %add3A_430 = arith.constant 4 : i32
      %add3A_431 = arith.addi %add3A_429, %add3A_430 : i32
      %lt3A_432 = arith.constant 40 : i32
      %lt3A_433 = arith.cmpi slt, %add3A_431, %lt3A_432 : i32
      %convert_element_type3A_434 = arith.extui %lt3A_433 : i1 to i32
      %cond3A_435 = arith.constant 0 : i32
      %cond3A_436 = arith.cmpi ne, %convert_element_type3A_434, %cond3A_435 : i32
      scf.if %cond3A_436 {
        %add3A_512 = arith.constant 0 : i32
        %add3A_513 = arith.addi %mul3A_285, %add3A_512 : i32
        %add3A_514 = arith.constant 4 : i32
        %add3A_515 = arith.addi %add3A_513, %add3A_514 : i32
        %dma_start3A_516 = arith.constant 0 : i32
        %dma_start3A_517 = arith.constant 0 : i32
        %dma_start3A_518 = arith.constant 0 : i32
        %dma_start3A_519 = arith.constant 0 : i32
        %dma_start3A_520 = tpu.memref_slice %arg8[%dma_start3A_516, %dma_start3A_518, %dma_start3A_519] : memref<4x128x64xf32, #tpu.memory_space<vmem>> -> memref<1x128x64xf32, #tpu.memory_space<vmem>>
        %dma_start3A_521 = tpu.memref_squeeze %dma_start3A_520 : memref<1x128x64xf32, #tpu.memory_space<vmem>> -> memref<128x64xf32, #tpu.memory_space<vmem>>
        %dma_start3A_522 = arith.constant 0 : i32
        %dma_start3A_523 = tpu.memref_slice %arg6[%add3A_515, %dma_start3A_522] : memref<40x128xi32, #tpu.memory_space<vmem>> -> memref<1x128xi32, #tpu.memory_space<vmem>>
        %dma_start3A_524 = tpu.memref_squeeze %dma_start3A_523 : memref<1x128xi32, #tpu.memory_space<vmem>> -> memref<128xi32, #tpu.memory_space<vmem>>
        %dma_start3A_525 = arith.constant 0 : i32
        %dma_start3A_526 = arith.constant 0 : i32
        %dma_start3A_527 = tpu.memref_slice %arg10[%dma_start3A_525, %dma_start3A_526] : memref<10000x64xf32, #tpu.memory_space<vmem_shared>> -> memref<10000x64xf32, #tpu.memory_space<vmem_shared>>
        %dma_start3A_528 = tpu.memref_slice %arg11[%dma_start3A_517] : memref<4x!tpu.dma_semaphore, #tpu.memory_space<semaphore_mem>> -> memref<1x!tpu.dma_semaphore, #tpu.memory_space<semaphore_mem>>
        %dma_start3A_529 = tpu.memref_squeeze %dma_start3A_528 : memref<1x!tpu.dma_semaphore, #tpu.memory_space<semaphore_mem>> -> memref<!tpu.dma_semaphore, #tpu.memory_space<semaphore_mem>>
        tpu.enqueue_indirect_dma source(%dma_start3A_527 : memref<10000x64xf32, #tpu.memory_space<vmem_shared>>) target(%dma_start3A_521 : memref<128x64xf32, #tpu.memory_space<vmem>>) offsets(%dma_start3A_524 : memref<128xi32, #tpu.memory_space<vmem>>) semaphore(%dma_start3A_529 : memref<!tpu.dma_semaphore, #tpu.memory_space<semaphore_mem>>)
      } else {
      }
      %add3A_437 = arith.constant 1 : i32
      %add3A_438 = arith.addi %mul3A_285, %add3A_437 : i32
      %dma_wait3A_439 = arith.constant 1 : i32
      %dma_wait3A_440 = arith.constant 1 : i32
      %dma_wait3A_441 = arith.constant 0 : i32
      %dma_wait3A_442 = arith.constant 0 : i32
      %dma_wait3A_443 = tpu.memref_slice %arg8[%dma_wait3A_439, %dma_wait3A_441, %dma_wait3A_442] : memref<4x128x64xf32, #tpu.memory_space<vmem>> -> memref<1x128x64xf32, #tpu.memory_space<vmem>>
      %dma_wait3A_444 = tpu.memref_squeeze %dma_wait3A_443 : memref<1x128x64xf32, #tpu.memory_space<vmem>> -> memref<128x64xf32, #tpu.memory_space<vmem>>
      %dma_wait3A_445 = arith.constant 0 : i32
      %dma_wait3A_446 = tpu.memref_slice %arg7[%add3A_438, %dma_wait3A_445] : memref<40x128xi32, #tpu.memory_space<vmem>> -> memref<1x128xi32, #tpu.memory_space<vmem>>
      %dma_wait3A_447 = tpu.memref_squeeze %dma_wait3A_446 : memref<1x128xi32, #tpu.memory_space<vmem>> -> memref<128xi32, #tpu.memory_space<vmem>>
      %dma_wait3A_448 = arith.constant 0 : i32
      %dma_wait3A_449 = arith.constant 0 : i32
      %dma_wait3A_450 = tpu.memref_slice %arg9[%dma_wait3A_448, %dma_wait3A_449] : memref<10240x64xf32, #tpu.memory_space<vmem_shared>> -> memref<10240x64xf32, #tpu.memory_space<vmem_shared>>
      %dma_wait3A_451 = tpu.memref_slice %arg12[%dma_wait3A_440] : memref<4x!tpu.dma_semaphore, #tpu.memory_space<semaphore_mem>> -> memref<1x!tpu.dma_semaphore, #tpu.memory_space<semaphore_mem>>
      %dma_wait3A_452 = tpu.memref_squeeze %dma_wait3A_451 : memref<1x!tpu.dma_semaphore, #tpu.memory_space<semaphore_mem>> -> memref<!tpu.dma_semaphore, #tpu.memory_space<semaphore_mem>>
      tpu.wait_indirect_dma semaphore(%dma_wait3A_452 : memref<!tpu.dma_semaphore, #tpu.memory_space<semaphore_mem>>) src(%dma_wait3A_444 : memref<128x64xf32, #tpu.memory_space<vmem>>) dst(%dma_wait3A_450 : memref<10240x64xf32, #tpu.memory_space<vmem_shared>>)
      %add3A_453 = arith.constant 1 : i32
      %add3A_454 = arith.addi %mul3A_285, %add3A_453 : i32
      %add3A_455 = arith.constant 4 : i32
      %add3A_456 = arith.addi %add3A_454, %add3A_455 : i32
      %lt3A_457 = arith.constant 40 : i32
      %lt3A_458 = arith.cmpi slt, %add3A_456, %lt3A_457 : i32
      %convert_element_type3A_459 = arith.extui %lt3A_458 : i1 to i32
      %cond3A_460 = arith.constant 0 : i32
      %cond3A_461 = arith.cmpi ne, %convert_element_type3A_459, %cond3A_460 : i32
      scf.if %cond3A_461 {
        %add3A_512 = arith.constant 1 : i32
        %add3A_513 = arith.addi %mul3A_285, %add3A_512 : i32
        %add3A_514 = arith.constant 4 : i32
        %add3A_515 = arith.addi %add3A_513, %add3A_514 : i32
        %dma_start3A_516 = arith.constant 1 : i32
        %dma_start3A_517 = arith.constant 1 : i32
        %dma_start3A_518 = arith.constant 0 : i32
        %dma_start3A_519 = arith.constant 0 : i32
        %dma_start3A_520 = tpu.memref_slice %arg8[%dma_start3A_516, %dma_start3A_518, %dma_start3A_519] : memref<4x128x64xf32, #tpu.memory_space<vmem>> -> memref<1x128x64xf32, #tpu.memory_space<vmem>>
        %dma_start3A_521 = tpu.memref_squeeze %dma_start3A_520 : memref<1x128x64xf32, #tpu.memory_space<vmem>> -> memref<128x64xf32, #tpu.memory_space<vmem>>
        %dma_start3A_522 = arith.constant 0 : i32
        %dma_start3A_523 = tpu.memref_slice %arg6[%add3A_515, %dma_start3A_522] : memref<40x128xi32, #tpu.memory_space<vmem>> -> memref<1x128xi32, #tpu.memory_space<vmem>>
        %dma_start3A_524 = tpu.memref_squeeze %dma_start3A_523 : memref<1x128xi32, #tpu.memory_space<vmem>> -> memref<128xi32, #tpu.memory_space<vmem>>
        %dma_start3A_525 = arith.constant 0 : i32
        %dma_start3A_526 = arith.constant 0 : i32
        %dma_start3A_527 = tpu.memref_slice %arg10[%dma_start3A_525, %dma_start3A_526] : memref<10000x64xf32, #tpu.memory_space<vmem_shared>> -> memref<10000x64xf32, #tpu.memory_space<vmem_shared>>
        %dma_start3A_528 = tpu.memref_slice %arg11[%dma_start3A_517] : memref<4x!tpu.dma_semaphore, #tpu.memory_space<semaphore_mem>> -> memref<1x!tpu.dma_semaphore, #tpu.memory_space<semaphore_mem>>
        %dma_start3A_529 = tpu.memref_squeeze %dma_start3A_528 : memref<1x!tpu.dma_semaphore, #tpu.memory_space<semaphore_mem>> -> memref<!tpu.dma_semaphore, #tpu.memory_space<semaphore_mem>>
        tpu.enqueue_indirect_dma source(%dma_start3A_527 : memref<10000x64xf32, #tpu.memory_space<vmem_shared>>) target(%dma_start3A_521 : memref<128x64xf32, #tpu.memory_space<vmem>>) offsets(%dma_start3A_524 : memref<128xi32, #tpu.memory_space<vmem>>) semaphore(%dma_start3A_529 : memref<!tpu.dma_semaphore, #tpu.memory_space<semaphore_mem>>)
      } else {
      }
      %add3A_462 = arith.constant 2 : i32
      %add3A_463 = arith.addi %mul3A_285, %add3A_462 : i32
      %dma_wait3A_464 = arith.constant 2 : i32
      %dma_wait3A_465 = arith.constant 2 : i32
      %dma_wait3A_466 = arith.constant 0 : i32
      %dma_wait3A_467 = arith.constant 0 : i32
      %dma_wait3A_468 = tpu.memref_slice %arg8[%dma_wait3A_464, %dma_wait3A_466, %dma_wait3A_467] : memref<4x128x64xf32, #tpu.memory_space<vmem>> -> memref<1x128x64xf32, #tpu.memory_space<vmem>>
      %dma_wait3A_469 = tpu.memref_squeeze %dma_wait3A_468 : memref<1x128x64xf32, #tpu.memory_space<vmem>> -> memref<128x64xf32, #tpu.memory_space<vmem>>
      %dma_wait3A_470 = arith.constant 0 : i32
      %dma_wait3A_471 = tpu.memref_slice %arg7[%add3A_463, %dma_wait3A_470] : memref<40x128xi32, #tpu.memory_space<vmem>> -> memref<1x128xi32, #tpu.memory_space<vmem>>
      %dma_wait3A_472 = tpu.memref_squeeze %dma_wait3A_471 : memref<1x128xi32, #tpu.memory_space<vmem>> -> memref<128xi32, #tpu.memory_space<vmem>>
      %dma_wait3A_473 = arith.constant 0 : i32
      %dma_wait3A_474 = arith.constant 0 : i32
      %dma_wait3A_475 = tpu.memref_slice %arg9[%dma_wait3A_473, %dma_wait3A_474] : memref<10240x64xf32, #tpu.memory_space<vmem_shared>> -> memref<10240x64xf32, #tpu.memory_space<vmem_shared>>
      %dma_wait3A_476 = tpu.memref_slice %arg12[%dma_wait3A_465] : memref<4x!tpu.dma_semaphore, #tpu.memory_space<semaphore_mem>> -> memref<1x!tpu.dma_semaphore, #tpu.memory_space<semaphore_mem>>
      %dma_wait3A_477 = tpu.memref_squeeze %dma_wait3A_476 : memref<1x!tpu.dma_semaphore, #tpu.memory_space<semaphore_mem>> -> memref<!tpu.dma_semaphore, #tpu.memory_space<semaphore_mem>>
      tpu.wait_indirect_dma semaphore(%dma_wait3A_477 : memref<!tpu.dma_semaphore, #tpu.memory_space<semaphore_mem>>) src(%dma_wait3A_469 : memref<128x64xf32, #tpu.memory_space<vmem>>) dst(%dma_wait3A_475 : memref<10240x64xf32, #tpu.memory_space<vmem_shared>>)
      %add3A_478 = arith.constant 2 : i32
      %add3A_479 = arith.addi %mul3A_285, %add3A_478 : i32
      %add3A_480 = arith.constant 4 : i32
      %add3A_481 = arith.addi %add3A_479, %add3A_480 : i32
      %lt3A_482 = arith.constant 40 : i32
      %lt3A_483 = arith.cmpi slt, %add3A_481, %lt3A_482 : i32
      %convert_element_type3A_484 = arith.extui %lt3A_483 : i1 to i32
      %cond3A_485 = arith.constant 0 : i32
      %cond3A_486 = arith.cmpi ne, %convert_element_type3A_484, %cond3A_485 : i32
      scf.if %cond3A_486 {
        %add3A_512 = arith.constant 2 : i32
        %add3A_513 = arith.addi %mul3A_285, %add3A_512 : i32
        %add3A_514 = arith.constant 4 : i32
        %add3A_515 = arith.addi %add3A_513, %add3A_514 : i32
        %dma_start3A_516 = arith.constant 2 : i32
        %dma_start3A_517 = arith.constant 2 : i32
        %dma_start3A_518 = arith.constant 0 : i32
        %dma_start3A_519 = arith.constant 0 : i32
        %dma_start3A_520 = tpu.memref_slice %arg8[%dma_start3A_516, %dma_start3A_518, %dma_start3A_519] : memref<4x128x64xf32, #tpu.memory_space<vmem>> -> memref<1x128x64xf32, #tpu.memory_space<vmem>>
        %dma_start3A_521 = tpu.memref_squeeze %dma_start3A_520 : memref<1x128x64xf32, #tpu.memory_space<vmem>> -> memref<128x64xf32, #tpu.memory_space<vmem>>
        %dma_start3A_522 = arith.constant 0 : i32
        %dma_start3A_523 = tpu.memref_slice %arg6[%add3A_515, %dma_start3A_522] : memref<40x128xi32, #tpu.memory_space<vmem>> -> memref<1x128xi32, #tpu.memory_space<vmem>>
        %dma_start3A_524 = tpu.memref_squeeze %dma_start3A_523 : memref<1x128xi32, #tpu.memory_space<vmem>> -> memref<128xi32, #tpu.memory_space<vmem>>
        %dma_start3A_525 = arith.constant 0 : i32
        %dma_start3A_526 = arith.constant 0 : i32
        %dma_start3A_527 = tpu.memref_slice %arg10[%dma_start3A_525, %dma_start3A_526] : memref<10000x64xf32, #tpu.memory_space<vmem_shared>> -> memref<10000x64xf32, #tpu.memory_space<vmem_shared>>
        %dma_start3A_528 = tpu.memref_slice %arg11[%dma_start3A_517] : memref<4x!tpu.dma_semaphore, #tpu.memory_space<semaphore_mem>> -> memref<1x!tpu.dma_semaphore, #tpu.memory_space<semaphore_mem>>
        %dma_start3A_529 = tpu.memref_squeeze %dma_start3A_528 : memref<1x!tpu.dma_semaphore, #tpu.memory_space<semaphore_mem>> -> memref<!tpu.dma_semaphore, #tpu.memory_space<semaphore_mem>>
        tpu.enqueue_indirect_dma source(%dma_start3A_527 : memref<10000x64xf32, #tpu.memory_space<vmem_shared>>) target(%dma_start3A_521 : memref<128x64xf32, #tpu.memory_space<vmem>>) offsets(%dma_start3A_524 : memref<128xi32, #tpu.memory_space<vmem>>) semaphore(%dma_start3A_529 : memref<!tpu.dma_semaphore, #tpu.memory_space<semaphore_mem>>)
      } else {
      }
      %add3A_487 = arith.constant 3 : i32
      %add3A_488 = arith.addi %mul3A_285, %add3A_487 : i32
      %dma_wait3A_489 = arith.constant 3 : i32
      %dma_wait3A_490 = arith.constant 3 : i32
      %dma_wait3A_491 = arith.constant 0 : i32
      %dma_wait3A_492 = arith.constant 0 : i32
      %dma_wait3A_493 = tpu.memref_slice %arg8[%dma_wait3A_489, %dma_wait3A_491, %dma_wait3A_492] : memref<4x128x64xf32, #tpu.memory_space<vmem>> -> memref<1x128x64xf32, #tpu.memory_space<vmem>>
      %dma_wait3A_494 = tpu.memref_squeeze %dma_wait3A_493 : memref<1x128x64xf32, #tpu.memory_space<vmem>> -> memref<128x64xf32, #tpu.memory_space<vmem>>
      %dma_wait3A_495 = arith.constant 0 : i32
      %dma_wait3A_496 = tpu.memref_slice %arg7[%add3A_488, %dma_wait3A_495] : memref<40x128xi32, #tpu.memory_space<vmem>> -> memref<1x128xi32, #tpu.memory_space<vmem>>
      %dma_wait3A_497 = tpu.memref_squeeze %dma_wait3A_496 : memref<1x128xi32, #tpu.memory_space<vmem>> -> memref<128xi32, #tpu.memory_space<vmem>>
      %dma_wait3A_498 = arith.constant 0 : i32
      %dma_wait3A_499 = arith.constant 0 : i32
      %dma_wait3A_500 = tpu.memref_slice %arg9[%dma_wait3A_498, %dma_wait3A_499] : memref<10240x64xf32, #tpu.memory_space<vmem_shared>> -> memref<10240x64xf32, #tpu.memory_space<vmem_shared>>
      %dma_wait3A_501 = tpu.memref_slice %arg12[%dma_wait3A_490] : memref<4x!tpu.dma_semaphore, #tpu.memory_space<semaphore_mem>> -> memref<1x!tpu.dma_semaphore, #tpu.memory_space<semaphore_mem>>
      %dma_wait3A_502 = tpu.memref_squeeze %dma_wait3A_501 : memref<1x!tpu.dma_semaphore, #tpu.memory_space<semaphore_mem>> -> memref<!tpu.dma_semaphore, #tpu.memory_space<semaphore_mem>>
      tpu.wait_indirect_dma semaphore(%dma_wait3A_502 : memref<!tpu.dma_semaphore, #tpu.memory_space<semaphore_mem>>) src(%dma_wait3A_494 : memref<128x64xf32, #tpu.memory_space<vmem>>) dst(%dma_wait3A_500 : memref<10240x64xf32, #tpu.memory_space<vmem_shared>>)
      %add3A_503 = arith.constant 3 : i32
      %add3A_504 = arith.addi %mul3A_285, %add3A_503 : i32
      %add3A_505 = arith.constant 4 : i32
      %add3A_506 = arith.addi %add3A_504, %add3A_505 : i32
      %lt3A_507 = arith.constant 40 : i32
      %lt3A_508 = arith.cmpi slt, %add3A_506, %lt3A_507 : i32
      %convert_element_type3A_509 = arith.extui %lt3A_508 : i1 to i32
      %cond3A_510 = arith.constant 0 : i32
      %cond3A_511 = arith.cmpi ne, %convert_element_type3A_509, %cond3A_510 : i32
      scf.if %cond3A_511 {
        %add3A_512 = arith.constant 3 : i32
        %add3A_513 = arith.addi %mul3A_285, %add3A_512 : i32
        %add3A_514 = arith.constant 4 : i32
        %add3A_515 = arith.addi %add3A_513, %add3A_514 : i32
        %dma_start3A_516 = arith.constant 3 : i32
        %dma_start3A_517 = arith.constant 3 : i32
        %dma_start3A_518 = arith.constant 0 : i32
        %dma_start3A_519 = arith.constant 0 : i32
        %dma_start3A_520 = tpu.memref_slice %arg8[%dma_start3A_516, %dma_start3A_518, %dma_start3A_519] : memref<4x128x64xf32, #tpu.memory_space<vmem>> -> memref<1x128x64xf32, #tpu.memory_space<vmem>>
        %dma_start3A_521 = tpu.memref_squeeze %dma_start3A_520 : memref<1x128x64xf32, #tpu.memory_space<vmem>> -> memref<128x64xf32, #tpu.memory_space<vmem>>
        %dma_start3A_522 = arith.constant 0 : i32
        %dma_start3A_523 = tpu.memref_slice %arg6[%add3A_515, %dma_start3A_522] : memref<40x128xi32, #tpu.memory_space<vmem>> -> memref<1x128xi32, #tpu.memory_space<vmem>>
        %dma_start3A_524 = tpu.memref_squeeze %dma_start3A_523 : memref<1x128xi32, #tpu.memory_space<vmem>> -> memref<128xi32, #tpu.memory_space<vmem>>
        %dma_start3A_525 = arith.constant 0 : i32
        %dma_start3A_526 = arith.constant 0 : i32
        %dma_start3A_527 = tpu.memref_slice %arg10[%dma_start3A_525, %dma_start3A_526] : memref<10000x64xf32, #tpu.memory_space<vmem_shared>> -> memref<10000x64xf32, #tpu.memory_space<vmem_shared>>
        %dma_start3A_528 = tpu.memref_slice %arg11[%dma_start3A_517] : memref<4x!tpu.dma_semaphore, #tpu.memory_space<semaphore_mem>> -> memref<1x!tpu.dma_semaphore, #tpu.memory_space<semaphore_mem>>
        %dma_start3A_529 = tpu.memref_squeeze %dma_start3A_528 : memref<1x!tpu.dma_semaphore, #tpu.memory_space<semaphore_mem>> -> memref<!tpu.dma_semaphore, #tpu.memory_space<semaphore_mem>>
        tpu.enqueue_indirect_dma source(%dma_start3A_527 : memref<10000x64xf32, #tpu.memory_space<vmem_shared>>) target(%dma_start3A_521 : memref<128x64xf32, #tpu.memory_space<vmem>>) offsets(%dma_start3A_524 : memref<128xi32, #tpu.memory_space<vmem>>) semaphore(%dma_start3A_529 : memref<!tpu.dma_semaphore, #tpu.memory_space<semaphore_mem>>)
      } else {
      }
    }
    %scan3A_73 = arith.constant 10 : i32
    "tpu.region"() ({
      %run_scoped3A = tpu.sem_alloc : memref<!tpu.dma_semaphore, #tpu.memory_space<semaphore_mem>>
      %dma_start3A_283 = arith.constant 40 : i32
      %dma_start3A_284 = arith.constant 0 : i32
      %dma_start3A_285 = tpu.memref_slice %arg2[%arg1, %dma_start3A_283, %dma_start3A_284] : memref<16x160x128xi32, #tpu.memory_space<hbm>> -> memref<1x40x128xi32, #tpu.memory_space<hbm>>
      %dma_start3A_286 = tpu.memref_squeeze %dma_start3A_285 : memref<1x40x128xi32, #tpu.memory_space<hbm>> -> memref<40x128xi32, #tpu.memory_space<hbm>>
      %dma_start3A_287 = arith.constant 40 : i32
      %dma_start3A_288 = arith.constant 0 : i32
      %dma_start3A_289 = tpu.memref_slice %arg2[%arg1, %dma_start3A_287, %dma_start3A_288] : memref<16x160x128xi32, #tpu.memory_space<hbm>> -> memref<1x40x128xi32, #tpu.memory_space<hbm>>
      %dma_start3A_290 = tpu.memref_squeeze %dma_start3A_289 : memref<1x40x128xi32, #tpu.memory_space<hbm>> -> memref<40x128xi32, #tpu.memory_space<hbm>>
      tpu.enqueue_dma source(%dma_start3A_290 : memref<40x128xi32, #tpu.memory_space<hbm>>) target(%arg6 : memref<40x128xi32, #tpu.memory_space<vmem>>) target_semaphore(%run_scoped3A : memref<!tpu.dma_semaphore, #tpu.memory_space<semaphore_mem>>)
      %dma_wait3A = arith.constant 40 : i32
      %dma_wait3A_291 = arith.constant 0 : i32
      %dma_wait3A_292 = tpu.memref_slice %arg2[%arg1, %dma_wait3A, %dma_wait3A_291] : memref<16x160x128xi32, #tpu.memory_space<hbm>> -> memref<1x40x128xi32, #tpu.memory_space<hbm>>
      %dma_wait3A_293 = tpu.memref_squeeze %dma_wait3A_292 : memref<1x40x128xi32, #tpu.memory_space<hbm>> -> memref<40x128xi32, #tpu.memory_space<hbm>>
      %dma_wait3A_294 = arith.constant 40 : i32
      %dma_wait3A_295 = arith.constant 0 : i32
      %dma_wait3A_296 = tpu.memref_slice %arg2[%arg1, %dma_wait3A_294, %dma_wait3A_295] : memref<16x160x128xi32, #tpu.memory_space<hbm>> -> memref<1x40x128xi32, #tpu.memory_space<hbm>>
      %dma_wait3A_297 = tpu.memref_squeeze %dma_wait3A_296 : memref<1x40x128xi32, #tpu.memory_space<hbm>> -> memref<40x128xi32, #tpu.memory_space<hbm>>
      tpu.wait_dma2 semaphore(%run_scoped3A : memref<!tpu.dma_semaphore, #tpu.memory_space<semaphore_mem>>) src(%dma_wait3A_297 : memref<40x128xi32, #tpu.memory_space<hbm>>) dst(%arg6 : memref<40x128xi32, #tpu.memory_space<vmem>>)
      tpu.yield
    }) : () -> ()
    "tpu.region"() ({
      %run_scoped3A = tpu.sem_alloc : memref<!tpu.dma_semaphore, #tpu.memory_space<semaphore_mem>>
      %dma_start3A_283 = arith.constant 40 : i32
      %dma_start3A_284 = arith.constant 0 : i32
      %dma_start3A_285 = tpu.memref_slice %arg3[%arg1, %dma_start3A_283, %dma_start3A_284] : memref<16x160x128xi32, #tpu.memory_space<hbm>> -> memref<1x40x128xi32, #tpu.memory_space<hbm>>
      %dma_start3A_286 = tpu.memref_squeeze %dma_start3A_285 : memref<1x40x128xi32, #tpu.memory_space<hbm>> -> memref<40x128xi32, #tpu.memory_space<hbm>>
      %dma_start3A_287 = arith.constant 40 : i32
      %dma_start3A_288 = arith.constant 0 : i32
      %dma_start3A_289 = tpu.memref_slice %arg3[%arg1, %dma_start3A_287, %dma_start3A_288] : memref<16x160x128xi32, #tpu.memory_space<hbm>> -> memref<1x40x128xi32, #tpu.memory_space<hbm>>
      %dma_start3A_290 = tpu.memref_squeeze %dma_start3A_289 : memref<1x40x128xi32, #tpu.memory_space<hbm>> -> memref<40x128xi32, #tpu.memory_space<hbm>>
      tpu.enqueue_dma source(%dma_start3A_290 : memref<40x128xi32, #tpu.memory_space<hbm>>) target(%arg7 : memref<40x128xi32, #tpu.memory_space<vmem>>) target_semaphore(%run_scoped3A : memref<!tpu.dma_semaphore, #tpu.memory_space<semaphore_mem>>)
      %dma_wait3A = arith.constant 40 : i32
      %dma_wait3A_291 = arith.constant 0 : i32
      %dma_wait3A_292 = tpu.memref_slice %arg3[%arg1, %dma_wait3A, %dma_wait3A_291] : memref<16x160x128xi32, #tpu.memory_space<hbm>> -> memref<1x40x128xi32, #tpu.memory_space<hbm>>
      %dma_wait3A_293 = tpu.memref_squeeze %dma_wait3A_292 : memref<1x40x128xi32, #tpu.memory_space<hbm>> -> memref<40x128xi32, #tpu.memory_space<hbm>>
      %dma_wait3A_294 = arith.constant 40 : i32
      %dma_wait3A_295 = arith.constant 0 : i32
      %dma_wait3A_296 = tpu.memref_slice %arg3[%arg1, %dma_wait3A_294, %dma_wait3A_295] : memref<16x160x128xi32, #tpu.memory_space<hbm>> -> memref<1x40x128xi32, #tpu.memory_space<hbm>>
      %dma_wait3A_297 = tpu.memref_squeeze %dma_wait3A_296 : memref<1x40x128xi32, #tpu.memory_space<hbm>> -> memref<40x128xi32, #tpu.memory_space<hbm>>
      tpu.wait_dma2 semaphore(%run_scoped3A : memref<!tpu.dma_semaphore, #tpu.memory_space<semaphore_mem>>) src(%dma_wait3A_297 : memref<40x128xi32, #tpu.memory_space<hbm>>) dst(%arg7 : memref<40x128xi32, #tpu.memory_space<vmem>>)
      tpu.yield
    }) : () -> ()
    %dma_start3A_74 = arith.constant 0 : i32
    %dma_start3A_75 = arith.constant 0 : i32
    %dma_start3A_76 = arith.constant 0 : i32
    %dma_start3A_77 = arith.constant 0 : i32
    %dma_start3A_78 = arith.constant 0 : i32
    %dma_start3A_79 = tpu.memref_slice %arg8[%dma_start3A_75, %dma_start3A_77, %dma_start3A_78] : memref<4x128x64xf32, #tpu.memory_space<vmem>> -> memref<1x128x64xf32, #tpu.memory_space<vmem>>
    %dma_start3A_80 = tpu.memref_squeeze %dma_start3A_79 : memref<1x128x64xf32, #tpu.memory_space<vmem>> -> memref<128x64xf32, #tpu.memory_space<vmem>>
    %dma_start3A_81 = arith.constant 0 : i32
    %dma_start3A_82 = tpu.memref_slice %arg6[%dma_start3A_74, %dma_start3A_81] : memref<40x128xi32, #tpu.memory_space<vmem>> -> memref<1x128xi32, #tpu.memory_space<vmem>>
    %dma_start3A_83 = tpu.memref_squeeze %dma_start3A_82 : memref<1x128xi32, #tpu.memory_space<vmem>> -> memref<128xi32, #tpu.memory_space<vmem>>
    %dma_start3A_84 = arith.constant 0 : i32
    %dma_start3A_85 = arith.constant 0 : i32
    %dma_start3A_86 = tpu.memref_slice %arg10[%dma_start3A_84, %dma_start3A_85] : memref<10000x64xf32, #tpu.memory_space<vmem_shared>> -> memref<10000x64xf32, #tpu.memory_space<vmem_shared>>
    %dma_start3A_87 = tpu.memref_slice %arg11[%dma_start3A_76] : memref<4x!tpu.dma_semaphore, #tpu.memory_space<semaphore_mem>> -> memref<1x!tpu.dma_semaphore, #tpu.memory_space<semaphore_mem>>
    %dma_start3A_88 = tpu.memref_squeeze %dma_start3A_87 : memref<1x!tpu.dma_semaphore, #tpu.memory_space<semaphore_mem>> -> memref<!tpu.dma_semaphore, #tpu.memory_space<semaphore_mem>>
    tpu.enqueue_indirect_dma source(%dma_start3A_86 : memref<10000x64xf32, #tpu.memory_space<vmem_shared>>) target(%dma_start3A_80 : memref<128x64xf32, #tpu.memory_space<vmem>>) offsets(%dma_start3A_83 : memref<128xi32, #tpu.memory_space<vmem>>) semaphore(%dma_start3A_88 : memref<!tpu.dma_semaphore, #tpu.memory_space<semaphore_mem>>)
    %dma_start3A_89 = arith.constant 1 : i32
    %dma_start3A_90 = arith.constant 1 : i32
    %dma_start3A_91 = arith.constant 1 : i32
    %dma_start3A_92 = arith.constant 0 : i32
    %dma_start3A_93 = arith.constant 0 : i32
    %dma_start3A_94 = tpu.memref_slice %arg8[%dma_start3A_90, %dma_start3A_92, %dma_start3A_93] : memref<4x128x64xf32, #tpu.memory_space<vmem>> -> memref<1x128x64xf32, #tpu.memory_space<vmem>>
    %dma_start3A_95 = tpu.memref_squeeze %dma_start3A_94 : memref<1x128x64xf32, #tpu.memory_space<vmem>> -> memref<128x64xf32, #tpu.memory_space<vmem>>
    %dma_start3A_96 = arith.constant 0 : i32
    %dma_start3A_97 = tpu.memref_slice %arg6[%dma_start3A_89, %dma_start3A_96] : memref<40x128xi32, #tpu.memory_space<vmem>> -> memref<1x128xi32, #tpu.memory_space<vmem>>
    %dma_start3A_98 = tpu.memref_squeeze %dma_start3A_97 : memref<1x128xi32, #tpu.memory_space<vmem>> -> memref<128xi32, #tpu.memory_space<vmem>>
    %dma_start3A_99 = arith.constant 0 : i32
    %dma_start3A_100 = arith.constant 0 : i32
    %dma_start3A_101 = tpu.memref_slice %arg10[%dma_start3A_99, %dma_start3A_100] : memref<10000x64xf32, #tpu.memory_space<vmem_shared>> -> memref<10000x64xf32, #tpu.memory_space<vmem_shared>>
    %dma_start3A_102 = tpu.memref_slice %arg11[%dma_start3A_91] : memref<4x!tpu.dma_semaphore, #tpu.memory_space<semaphore_mem>> -> memref<1x!tpu.dma_semaphore, #tpu.memory_space<semaphore_mem>>
    %dma_start3A_103 = tpu.memref_squeeze %dma_start3A_102 : memref<1x!tpu.dma_semaphore, #tpu.memory_space<semaphore_mem>> -> memref<!tpu.dma_semaphore, #tpu.memory_space<semaphore_mem>>
    tpu.enqueue_indirect_dma source(%dma_start3A_101 : memref<10000x64xf32, #tpu.memory_space<vmem_shared>>) target(%dma_start3A_95 : memref<128x64xf32, #tpu.memory_space<vmem>>) offsets(%dma_start3A_98 : memref<128xi32, #tpu.memory_space<vmem>>) semaphore(%dma_start3A_103 : memref<!tpu.dma_semaphore, #tpu.memory_space<semaphore_mem>>)
    %dma_start3A_104 = arith.constant 2 : i32
    %dma_start3A_105 = arith.constant 2 : i32
    %dma_start3A_106 = arith.constant 2 : i32
    %dma_start3A_107 = arith.constant 0 : i32
    %dma_start3A_108 = arith.constant 0 : i32
    %dma_start3A_109 = tpu.memref_slice %arg8[%dma_start3A_105, %dma_start3A_107, %dma_start3A_108] : memref<4x128x64xf32, #tpu.memory_space<vmem>> -> memref<1x128x64xf32, #tpu.memory_space<vmem>>
    %dma_start3A_110 = tpu.memref_squeeze %dma_start3A_109 : memref<1x128x64xf32, #tpu.memory_space<vmem>> -> memref<128x64xf32, #tpu.memory_space<vmem>>
    %dma_start3A_111 = arith.constant 0 : i32
    %dma_start3A_112 = tpu.memref_slice %arg6[%dma_start3A_104, %dma_start3A_111] : memref<40x128xi32, #tpu.memory_space<vmem>> -> memref<1x128xi32, #tpu.memory_space<vmem>>
    %dma_start3A_113 = tpu.memref_squeeze %dma_start3A_112 : memref<1x128xi32, #tpu.memory_space<vmem>> -> memref<128xi32, #tpu.memory_space<vmem>>
    %dma_start3A_114 = arith.constant 0 : i32
    %dma_start3A_115 = arith.constant 0 : i32
    %dma_start3A_116 = tpu.memref_slice %arg10[%dma_start3A_114, %dma_start3A_115] : memref<10000x64xf32, #tpu.memory_space<vmem_shared>> -> memref<10000x64xf32, #tpu.memory_space<vmem_shared>>
    %dma_start3A_117 = tpu.memref_slice %arg11[%dma_start3A_106] : memref<4x!tpu.dma_semaphore, #tpu.memory_space<semaphore_mem>> -> memref<1x!tpu.dma_semaphore, #tpu.memory_space<semaphore_mem>>
    %dma_start3A_118 = tpu.memref_squeeze %dma_start3A_117 : memref<1x!tpu.dma_semaphore, #tpu.memory_space<semaphore_mem>> -> memref<!tpu.dma_semaphore, #tpu.memory_space<semaphore_mem>>
    tpu.enqueue_indirect_dma source(%dma_start3A_116 : memref<10000x64xf32, #tpu.memory_space<vmem_shared>>) target(%dma_start3A_110 : memref<128x64xf32, #tpu.memory_space<vmem>>) offsets(%dma_start3A_113 : memref<128xi32, #tpu.memory_space<vmem>>) semaphore(%dma_start3A_118 : memref<!tpu.dma_semaphore, #tpu.memory_space<semaphore_mem>>)
    %dma_start3A_119 = arith.constant 3 : i32
    %dma_start3A_120 = arith.constant 3 : i32
    %dma_start3A_121 = arith.constant 3 : i32
    %dma_start3A_122 = arith.constant 0 : i32
    %dma_start3A_123 = arith.constant 0 : i32
    %dma_start3A_124 = tpu.memref_slice %arg8[%dma_start3A_120, %dma_start3A_122, %dma_start3A_123] : memref<4x128x64xf32, #tpu.memory_space<vmem>> -> memref<1x128x64xf32, #tpu.memory_space<vmem>>
    %dma_start3A_125 = tpu.memref_squeeze %dma_start3A_124 : memref<1x128x64xf32, #tpu.memory_space<vmem>> -> memref<128x64xf32, #tpu.memory_space<vmem>>
    %dma_start3A_126 = arith.constant 0 : i32
    %dma_start3A_127 = tpu.memref_slice %arg6[%dma_start3A_119, %dma_start3A_126] : memref<40x128xi32, #tpu.memory_space<vmem>> -> memref<1x128xi32, #tpu.memory_space<vmem>>
    %dma_start3A_128 = tpu.memref_squeeze %dma_start3A_127 : memref<1x128xi32, #tpu.memory_space<vmem>> -> memref<128xi32, #tpu.memory_space<vmem>>
    %dma_start3A_129 = arith.constant 0 : i32
    %dma_start3A_130 = arith.constant 0 : i32
    %dma_start3A_131 = tpu.memref_slice %arg10[%dma_start3A_129, %dma_start3A_130] : memref<10000x64xf32, #tpu.memory_space<vmem_shared>> -> memref<10000x64xf32, #tpu.memory_space<vmem_shared>>
    %dma_start3A_132 = tpu.memref_slice %arg11[%dma_start3A_121] : memref<4x!tpu.dma_semaphore, #tpu.memory_space<semaphore_mem>> -> memref<1x!tpu.dma_semaphore, #tpu.memory_space<semaphore_mem>>
    %dma_start3A_133 = tpu.memref_squeeze %dma_start3A_132 : memref<1x!tpu.dma_semaphore, #tpu.memory_space<semaphore_mem>> -> memref<!tpu.dma_semaphore, #tpu.memory_space<semaphore_mem>>
    tpu.enqueue_indirect_dma source(%dma_start3A_131 : memref<10000x64xf32, #tpu.memory_space<vmem_shared>>) target(%dma_start3A_125 : memref<128x64xf32, #tpu.memory_space<vmem>>) offsets(%dma_start3A_128 : memref<128xi32, #tpu.memory_space<vmem>>) semaphore(%dma_start3A_133 : memref<!tpu.dma_semaphore, #tpu.memory_space<semaphore_mem>>)
    %scan3A_134 = arith.constant 0 : i32
    %scan3A_135 = arith.constant 0 : i32
    %scan3A_136 = arith.constant 10 : i32
    %scan3A_137 = arith.addi %scan3A_135, %scan3A_136 : i32
    %scan3A_138 = arith.constant 1 : i32
    scf.for %scan3A_283 = %scan3A_135 to %scan3A_137 step %scan3A_138  : i32 {
      %mul3A_284 = arith.constant 4 : i32
      %mul3A_285 = arith.muli %scan3A_283, %mul3A_284 : i32
      %add3A = arith.constant 0 : i32
      %add3A_286 = arith.addi %mul3A_285, %add3A : i32
      %dma_wait3A = arith.constant 0 : i32
      %dma_wait3A_287 = arith.constant 0 : i32
      %dma_wait3A_288 = arith.constant 0 : i32
      %dma_wait3A_289 = arith.constant 0 : i32
      %dma_wait3A_290 = tpu.memref_slice %arg8[%dma_wait3A, %dma_wait3A_288, %dma_wait3A_289] : memref<4x128x64xf32, #tpu.memory_space<vmem>> -> memref<1x128x64xf32, #tpu.memory_space<vmem>>
      %dma_wait3A_291 = tpu.memref_squeeze %dma_wait3A_290 : memref<1x128x64xf32, #tpu.memory_space<vmem>> -> memref<128x64xf32, #tpu.memory_space<vmem>>
      %dma_wait3A_292 = arith.constant 0 : i32
      %dma_wait3A_293 = tpu.memref_slice %arg6[%add3A_286, %dma_wait3A_292] : memref<40x128xi32, #tpu.memory_space<vmem>> -> memref<1x128xi32, #tpu.memory_space<vmem>>
      %dma_wait3A_294 = tpu.memref_squeeze %dma_wait3A_293 : memref<1x128xi32, #tpu.memory_space<vmem>> -> memref<128xi32, #tpu.memory_space<vmem>>
      %dma_wait3A_295 = arith.constant 0 : i32
      %dma_wait3A_296 = arith.constant 0 : i32
      %dma_wait3A_297 = tpu.memref_slice %arg10[%dma_wait3A_295, %dma_wait3A_296] : memref<10000x64xf32, #tpu.memory_space<vmem_shared>> -> memref<10000x64xf32, #tpu.memory_space<vmem_shared>>
      %dma_wait3A_298 = tpu.memref_slice %arg11[%dma_wait3A_287] : memref<4x!tpu.dma_semaphore, #tpu.memory_space<semaphore_mem>> -> memref<1x!tpu.dma_semaphore, #tpu.memory_space<semaphore_mem>>
      %dma_wait3A_299 = tpu.memref_squeeze %dma_wait3A_298 : memref<1x!tpu.dma_semaphore, #tpu.memory_space<semaphore_mem>> -> memref<!tpu.dma_semaphore, #tpu.memory_space<semaphore_mem>>
      tpu.wait_indirect_dma semaphore(%dma_wait3A_299 : memref<!tpu.dma_semaphore, #tpu.memory_space<semaphore_mem>>) src(%dma_wait3A_297 : memref<10000x64xf32, #tpu.memory_space<vmem_shared>>) dst(%dma_wait3A_291 : memref<128x64xf32, #tpu.memory_space<vmem>>)
      %add3A_300 = arith.constant 0 : i32
      %add3A_301 = arith.addi %mul3A_285, %add3A_300 : i32
      %dma_start3A_302 = arith.constant 0 : i32
      %dma_start3A_303 = arith.constant 0 : i32
      %dma_start3A_304 = arith.constant 0 : i32
      %dma_start3A_305 = arith.constant 0 : i32
      %dma_start3A_306 = tpu.memref_slice %arg8[%dma_start3A_302, %dma_start3A_304, %dma_start3A_305] : memref<4x128x64xf32, #tpu.memory_space<vmem>> -> memref<1x128x64xf32, #tpu.memory_space<vmem>>
      %dma_start3A_307 = tpu.memref_squeeze %dma_start3A_306 : memref<1x128x64xf32, #tpu.memory_space<vmem>> -> memref<128x64xf32, #tpu.memory_space<vmem>>
      %dma_start3A_308 = arith.constant 0 : i32
      %dma_start3A_309 = tpu.memref_slice %arg7[%add3A_301, %dma_start3A_308] : memref<40x128xi32, #tpu.memory_space<vmem>> -> memref<1x128xi32, #tpu.memory_space<vmem>>
      %dma_start3A_310 = tpu.memref_squeeze %dma_start3A_309 : memref<1x128xi32, #tpu.memory_space<vmem>> -> memref<128xi32, #tpu.memory_space<vmem>>
      %dma_start3A_311 = arith.constant 0 : i32
      %dma_start3A_312 = arith.constant 0 : i32
      %dma_start3A_313 = tpu.memref_slice %arg9[%dma_start3A_311, %dma_start3A_312] : memref<10240x64xf32, #tpu.memory_space<vmem_shared>> -> memref<10240x64xf32, #tpu.memory_space<vmem_shared>>
      %dma_start3A_314 = tpu.memref_slice %arg12[%dma_start3A_303] : memref<4x!tpu.dma_semaphore, #tpu.memory_space<semaphore_mem>> -> memref<1x!tpu.dma_semaphore, #tpu.memory_space<semaphore_mem>>
      %dma_start3A_315 = tpu.memref_squeeze %dma_start3A_314 : memref<1x!tpu.dma_semaphore, #tpu.memory_space<semaphore_mem>> -> memref<!tpu.dma_semaphore, #tpu.memory_space<semaphore_mem>>
      tpu.enqueue_indirect_dma source(%dma_start3A_307 : memref<128x64xf32, #tpu.memory_space<vmem>>) target(%dma_start3A_313 : memref<10240x64xf32, #tpu.memory_space<vmem_shared>>) offsets(%dma_start3A_310 : memref<128xi32, #tpu.memory_space<vmem>>) semaphore(%dma_start3A_315 : memref<!tpu.dma_semaphore, #tpu.memory_space<semaphore_mem>>) {add = true}
      %add3A_316 = arith.constant 1 : i32
      %add3A_317 = arith.addi %mul3A_285, %add3A_316 : i32
      %dma_wait3A_318 = arith.constant 1 : i32
      %dma_wait3A_319 = arith.constant 1 : i32
      %dma_wait3A_320 = arith.constant 0 : i32
      %dma_wait3A_321 = arith.constant 0 : i32
      %dma_wait3A_322 = tpu.memref_slice %arg8[%dma_wait3A_318, %dma_wait3A_320, %dma_wait3A_321] : memref<4x128x64xf32, #tpu.memory_space<vmem>> -> memref<1x128x64xf32, #tpu.memory_space<vmem>>
      %dma_wait3A_323 = tpu.memref_squeeze %dma_wait3A_322 : memref<1x128x64xf32, #tpu.memory_space<vmem>> -> memref<128x64xf32, #tpu.memory_space<vmem>>
      %dma_wait3A_324 = arith.constant 0 : i32
      %dma_wait3A_325 = tpu.memref_slice %arg6[%add3A_317, %dma_wait3A_324] : memref<40x128xi32, #tpu.memory_space<vmem>> -> memref<1x128xi32, #tpu.memory_space<vmem>>
      %dma_wait3A_326 = tpu.memref_squeeze %dma_wait3A_325 : memref<1x128xi32, #tpu.memory_space<vmem>> -> memref<128xi32, #tpu.memory_space<vmem>>
      %dma_wait3A_327 = arith.constant 0 : i32
      %dma_wait3A_328 = arith.constant 0 : i32
      %dma_wait3A_329 = tpu.memref_slice %arg10[%dma_wait3A_327, %dma_wait3A_328] : memref<10000x64xf32, #tpu.memory_space<vmem_shared>> -> memref<10000x64xf32, #tpu.memory_space<vmem_shared>>
      %dma_wait3A_330 = tpu.memref_slice %arg11[%dma_wait3A_319] : memref<4x!tpu.dma_semaphore, #tpu.memory_space<semaphore_mem>> -> memref<1x!tpu.dma_semaphore, #tpu.memory_space<semaphore_mem>>
      %dma_wait3A_331 = tpu.memref_squeeze %dma_wait3A_330 : memref<1x!tpu.dma_semaphore, #tpu.memory_space<semaphore_mem>> -> memref<!tpu.dma_semaphore, #tpu.memory_space<semaphore_mem>>
      tpu.wait_indirect_dma semaphore(%dma_wait3A_331 : memref<!tpu.dma_semaphore, #tpu.memory_space<semaphore_mem>>) src(%dma_wait3A_329 : memref<10000x64xf32, #tpu.memory_space<vmem_shared>>) dst(%dma_wait3A_323 : memref<128x64xf32, #tpu.memory_space<vmem>>)
      %add3A_332 = arith.constant 1 : i32
      %add3A_333 = arith.addi %mul3A_285, %add3A_332 : i32
      %dma_start3A_334 = arith.constant 1 : i32
      %dma_start3A_335 = arith.constant 1 : i32
      %dma_start3A_336 = arith.constant 0 : i32
      %dma_start3A_337 = arith.constant 0 : i32
      %dma_start3A_338 = tpu.memref_slice %arg8[%dma_start3A_334, %dma_start3A_336, %dma_start3A_337] : memref<4x128x64xf32, #tpu.memory_space<vmem>> -> memref<1x128x64xf32, #tpu.memory_space<vmem>>
      %dma_start3A_339 = tpu.memref_squeeze %dma_start3A_338 : memref<1x128x64xf32, #tpu.memory_space<vmem>> -> memref<128x64xf32, #tpu.memory_space<vmem>>
      %dma_start3A_340 = arith.constant 0 : i32
      %dma_start3A_341 = tpu.memref_slice %arg7[%add3A_333, %dma_start3A_340] : memref<40x128xi32, #tpu.memory_space<vmem>> -> memref<1x128xi32, #tpu.memory_space<vmem>>
      %dma_start3A_342 = tpu.memref_squeeze %dma_start3A_341 : memref<1x128xi32, #tpu.memory_space<vmem>> -> memref<128xi32, #tpu.memory_space<vmem>>
      %dma_start3A_343 = arith.constant 0 : i32
      %dma_start3A_344 = arith.constant 0 : i32
      %dma_start3A_345 = tpu.memref_slice %arg9[%dma_start3A_343, %dma_start3A_344] : memref<10240x64xf32, #tpu.memory_space<vmem_shared>> -> memref<10240x64xf32, #tpu.memory_space<vmem_shared>>
      %dma_start3A_346 = tpu.memref_slice %arg12[%dma_start3A_335] : memref<4x!tpu.dma_semaphore, #tpu.memory_space<semaphore_mem>> -> memref<1x!tpu.dma_semaphore, #tpu.memory_space<semaphore_mem>>
      %dma_start3A_347 = tpu.memref_squeeze %dma_start3A_346 : memref<1x!tpu.dma_semaphore, #tpu.memory_space<semaphore_mem>> -> memref<!tpu.dma_semaphore, #tpu.memory_space<semaphore_mem>>
      tpu.enqueue_indirect_dma source(%dma_start3A_339 : memref<128x64xf32, #tpu.memory_space<vmem>>) target(%dma_start3A_345 : memref<10240x64xf32, #tpu.memory_space<vmem_shared>>) offsets(%dma_start3A_342 : memref<128xi32, #tpu.memory_space<vmem>>) semaphore(%dma_start3A_347 : memref<!tpu.dma_semaphore, #tpu.memory_space<semaphore_mem>>) {add = true}
      %add3A_348 = arith.constant 2 : i32
      %add3A_349 = arith.addi %mul3A_285, %add3A_348 : i32
      %dma_wait3A_350 = arith.constant 2 : i32
      %dma_wait3A_351 = arith.constant 2 : i32
      %dma_wait3A_352 = arith.constant 0 : i32
      %dma_wait3A_353 = arith.constant 0 : i32
      %dma_wait3A_354 = tpu.memref_slice %arg8[%dma_wait3A_350, %dma_wait3A_352, %dma_wait3A_353] : memref<4x128x64xf32, #tpu.memory_space<vmem>> -> memref<1x128x64xf32, #tpu.memory_space<vmem>>
      %dma_wait3A_355 = tpu.memref_squeeze %dma_wait3A_354 : memref<1x128x64xf32, #tpu.memory_space<vmem>> -> memref<128x64xf32, #tpu.memory_space<vmem>>
      %dma_wait3A_356 = arith.constant 0 : i32
      %dma_wait3A_357 = tpu.memref_slice %arg6[%add3A_349, %dma_wait3A_356] : memref<40x128xi32, #tpu.memory_space<vmem>> -> memref<1x128xi32, #tpu.memory_space<vmem>>
      %dma_wait3A_358 = tpu.memref_squeeze %dma_wait3A_357 : memref<1x128xi32, #tpu.memory_space<vmem>> -> memref<128xi32, #tpu.memory_space<vmem>>
      %dma_wait3A_359 = arith.constant 0 : i32
      %dma_wait3A_360 = arith.constant 0 : i32
      %dma_wait3A_361 = tpu.memref_slice %arg10[%dma_wait3A_359, %dma_wait3A_360] : memref<10000x64xf32, #tpu.memory_space<vmem_shared>> -> memref<10000x64xf32, #tpu.memory_space<vmem_shared>>
      %dma_wait3A_362 = tpu.memref_slice %arg11[%dma_wait3A_351] : memref<4x!tpu.dma_semaphore, #tpu.memory_space<semaphore_mem>> -> memref<1x!tpu.dma_semaphore, #tpu.memory_space<semaphore_mem>>
      %dma_wait3A_363 = tpu.memref_squeeze %dma_wait3A_362 : memref<1x!tpu.dma_semaphore, #tpu.memory_space<semaphore_mem>> -> memref<!tpu.dma_semaphore, #tpu.memory_space<semaphore_mem>>
      tpu.wait_indirect_dma semaphore(%dma_wait3A_363 : memref<!tpu.dma_semaphore, #tpu.memory_space<semaphore_mem>>) src(%dma_wait3A_361 : memref<10000x64xf32, #tpu.memory_space<vmem_shared>>) dst(%dma_wait3A_355 : memref<128x64xf32, #tpu.memory_space<vmem>>)
      %add3A_364 = arith.constant 2 : i32
      %add3A_365 = arith.addi %mul3A_285, %add3A_364 : i32
      %dma_start3A_366 = arith.constant 2 : i32
      %dma_start3A_367 = arith.constant 2 : i32
      %dma_start3A_368 = arith.constant 0 : i32
      %dma_start3A_369 = arith.constant 0 : i32
      %dma_start3A_370 = tpu.memref_slice %arg8[%dma_start3A_366, %dma_start3A_368, %dma_start3A_369] : memref<4x128x64xf32, #tpu.memory_space<vmem>> -> memref<1x128x64xf32, #tpu.memory_space<vmem>>
      %dma_start3A_371 = tpu.memref_squeeze %dma_start3A_370 : memref<1x128x64xf32, #tpu.memory_space<vmem>> -> memref<128x64xf32, #tpu.memory_space<vmem>>
      %dma_start3A_372 = arith.constant 0 : i32
      %dma_start3A_373 = tpu.memref_slice %arg7[%add3A_365, %dma_start3A_372] : memref<40x128xi32, #tpu.memory_space<vmem>> -> memref<1x128xi32, #tpu.memory_space<vmem>>
      %dma_start3A_374 = tpu.memref_squeeze %dma_start3A_373 : memref<1x128xi32, #tpu.memory_space<vmem>> -> memref<128xi32, #tpu.memory_space<vmem>>
      %dma_start3A_375 = arith.constant 0 : i32
      %dma_start3A_376 = arith.constant 0 : i32
      %dma_start3A_377 = tpu.memref_slice %arg9[%dma_start3A_375, %dma_start3A_376] : memref<10240x64xf32, #tpu.memory_space<vmem_shared>> -> memref<10240x64xf32, #tpu.memory_space<vmem_shared>>
      %dma_start3A_378 = tpu.memref_slice %arg12[%dma_start3A_367] : memref<4x!tpu.dma_semaphore, #tpu.memory_space<semaphore_mem>> -> memref<1x!tpu.dma_semaphore, #tpu.memory_space<semaphore_mem>>
      %dma_start3A_379 = tpu.memref_squeeze %dma_start3A_378 : memref<1x!tpu.dma_semaphore, #tpu.memory_space<semaphore_mem>> -> memref<!tpu.dma_semaphore, #tpu.memory_space<semaphore_mem>>
      tpu.enqueue_indirect_dma source(%dma_start3A_371 : memref<128x64xf32, #tpu.memory_space<vmem>>) target(%dma_start3A_377 : memref<10240x64xf32, #tpu.memory_space<vmem_shared>>) offsets(%dma_start3A_374 : memref<128xi32, #tpu.memory_space<vmem>>) semaphore(%dma_start3A_379 : memref<!tpu.dma_semaphore, #tpu.memory_space<semaphore_mem>>) {add = true}
      %add3A_380 = arith.constant 3 : i32
      %add3A_381 = arith.addi %mul3A_285, %add3A_380 : i32
      %dma_wait3A_382 = arith.constant 3 : i32
      %dma_wait3A_383 = arith.constant 3 : i32
      %dma_wait3A_384 = arith.constant 0 : i32
      %dma_wait3A_385 = arith.constant 0 : i32
      %dma_wait3A_386 = tpu.memref_slice %arg8[%dma_wait3A_382, %dma_wait3A_384, %dma_wait3A_385] : memref<4x128x64xf32, #tpu.memory_space<vmem>> -> memref<1x128x64xf32, #tpu.memory_space<vmem>>
      %dma_wait3A_387 = tpu.memref_squeeze %dma_wait3A_386 : memref<1x128x64xf32, #tpu.memory_space<vmem>> -> memref<128x64xf32, #tpu.memory_space<vmem>>
      %dma_wait3A_388 = arith.constant 0 : i32
      %dma_wait3A_389 = tpu.memref_slice %arg6[%add3A_381, %dma_wait3A_388] : memref<40x128xi32, #tpu.memory_space<vmem>> -> memref<1x128xi32, #tpu.memory_space<vmem>>
      %dma_wait3A_390 = tpu.memref_squeeze %dma_wait3A_389 : memref<1x128xi32, #tpu.memory_space<vmem>> -> memref<128xi32, #tpu.memory_space<vmem>>
      %dma_wait3A_391 = arith.constant 0 : i32
      %dma_wait3A_392 = arith.constant 0 : i32
      %dma_wait3A_393 = tpu.memref_slice %arg10[%dma_wait3A_391, %dma_wait3A_392] : memref<10000x64xf32, #tpu.memory_space<vmem_shared>> -> memref<10000x64xf32, #tpu.memory_space<vmem_shared>>
      %dma_wait3A_394 = tpu.memref_slice %arg11[%dma_wait3A_383] : memref<4x!tpu.dma_semaphore, #tpu.memory_space<semaphore_mem>> -> memref<1x!tpu.dma_semaphore, #tpu.memory_space<semaphore_mem>>
      %dma_wait3A_395 = tpu.memref_squeeze %dma_wait3A_394 : memref<1x!tpu.dma_semaphore, #tpu.memory_space<semaphore_mem>> -> memref<!tpu.dma_semaphore, #tpu.memory_space<semaphore_mem>>
      tpu.wait_indirect_dma semaphore(%dma_wait3A_395 : memref<!tpu.dma_semaphore, #tpu.memory_space<semaphore_mem>>) src(%dma_wait3A_393 : memref<10000x64xf32, #tpu.memory_space<vmem_shared>>) dst(%dma_wait3A_387 : memref<128x64xf32, #tpu.memory_space<vmem>>)
      %add3A_396 = arith.constant 3 : i32
      %add3A_397 = arith.addi %mul3A_285, %add3A_396 : i32
      %dma_start3A_398 = arith.constant 3 : i32
      %dma_start3A_399 = arith.constant 3 : i32
      %dma_start3A_400 = arith.constant 0 : i32
      %dma_start3A_401 = arith.constant 0 : i32
      %dma_start3A_402 = tpu.memref_slice %arg8[%dma_start3A_398, %dma_start3A_400, %dma_start3A_401] : memref<4x128x64xf32, #tpu.memory_space<vmem>> -> memref<1x128x64xf32, #tpu.memory_space<vmem>>
      %dma_start3A_403 = tpu.memref_squeeze %dma_start3A_402 : memref<1x128x64xf32, #tpu.memory_space<vmem>> -> memref<128x64xf32, #tpu.memory_space<vmem>>
      %dma_start3A_404 = arith.constant 0 : i32
      %dma_start3A_405 = tpu.memref_slice %arg7[%add3A_397, %dma_start3A_404] : memref<40x128xi32, #tpu.memory_space<vmem>> -> memref<1x128xi32, #tpu.memory_space<vmem>>
      %dma_start3A_406 = tpu.memref_squeeze %dma_start3A_405 : memref<1x128xi32, #tpu.memory_space<vmem>> -> memref<128xi32, #tpu.memory_space<vmem>>
      %dma_start3A_407 = arith.constant 0 : i32
      %dma_start3A_408 = arith.constant 0 : i32
      %dma_start3A_409 = tpu.memref_slice %arg9[%dma_start3A_407, %dma_start3A_408] : memref<10240x64xf32, #tpu.memory_space<vmem_shared>> -> memref<10240x64xf32, #tpu.memory_space<vmem_shared>>
      %dma_start3A_410 = tpu.memref_slice %arg12[%dma_start3A_399] : memref<4x!tpu.dma_semaphore, #tpu.memory_space<semaphore_mem>> -> memref<1x!tpu.dma_semaphore, #tpu.memory_space<semaphore_mem>>
      %dma_start3A_411 = tpu.memref_squeeze %dma_start3A_410 : memref<1x!tpu.dma_semaphore, #tpu.memory_space<semaphore_mem>> -> memref<!tpu.dma_semaphore, #tpu.memory_space<semaphore_mem>>
      tpu.enqueue_indirect_dma source(%dma_start3A_403 : memref<128x64xf32, #tpu.memory_space<vmem>>) target(%dma_start3A_409 : memref<10240x64xf32, #tpu.memory_space<vmem_shared>>) offsets(%dma_start3A_406 : memref<128xi32, #tpu.memory_space<vmem>>) semaphore(%dma_start3A_411 : memref<!tpu.dma_semaphore, #tpu.memory_space<semaphore_mem>>) {add = true}
      %add3A_412 = arith.constant 0 : i32
      %add3A_413 = arith.addi %mul3A_285, %add3A_412 : i32
      %dma_wait3A_414 = arith.constant 0 : i32
      %dma_wait3A_415 = arith.constant 0 : i32
      %dma_wait3A_416 = arith.constant 0 : i32
      %dma_wait3A_417 = arith.constant 0 : i32
      %dma_wait3A_418 = tpu.memref_slice %arg8[%dma_wait3A_414, %dma_wait3A_416, %dma_wait3A_417] : memref<4x128x64xf32, #tpu.memory_space<vmem>> -> memref<1x128x64xf32, #tpu.memory_space<vmem>>
      %dma_wait3A_419 = tpu.memref_squeeze %dma_wait3A_418 : memref<1x128x64xf32, #tpu.memory_space<vmem>> -> memref<128x64xf32, #tpu.memory_space<vmem>>
      %dma_wait3A_420 = arith.constant 0 : i32
      %dma_wait3A_421 = tpu.memref_slice %arg7[%add3A_413, %dma_wait3A_420] : memref<40x128xi32, #tpu.memory_space<vmem>> -> memref<1x128xi32, #tpu.memory_space<vmem>>
      %dma_wait3A_422 = tpu.memref_squeeze %dma_wait3A_421 : memref<1x128xi32, #tpu.memory_space<vmem>> -> memref<128xi32, #tpu.memory_space<vmem>>
      %dma_wait3A_423 = arith.constant 0 : i32
      %dma_wait3A_424 = arith.constant 0 : i32
      %dma_wait3A_425 = tpu.memref_slice %arg9[%dma_wait3A_423, %dma_wait3A_424] : memref<10240x64xf32, #tpu.memory_space<vmem_shared>> -> memref<10240x64xf32, #tpu.memory_space<vmem_shared>>
      %dma_wait3A_426 = tpu.memref_slice %arg12[%dma_wait3A_415] : memref<4x!tpu.dma_semaphore, #tpu.memory_space<semaphore_mem>> -> memref<1x!tpu.dma_semaphore, #tpu.memory_space<semaphore_mem>>
      %dma_wait3A_427 = tpu.memref_squeeze %dma_wait3A_426 : memref<1x!tpu.dma_semaphore, #tpu.memory_space<semaphore_mem>> -> memref<!tpu.dma_semaphore, #tpu.memory_space<semaphore_mem>>
      tpu.wait_indirect_dma semaphore(%dma_wait3A_427 : memref<!tpu.dma_semaphore, #tpu.memory_space<semaphore_mem>>) src(%dma_wait3A_419 : memref<128x64xf32, #tpu.memory_space<vmem>>) dst(%dma_wait3A_425 : memref<10240x64xf32, #tpu.memory_space<vmem_shared>>)
      %add3A_428 = arith.constant 0 : i32
      %add3A_429 = arith.addi %mul3A_285, %add3A_428 : i32
      %add3A_430 = arith.constant 4 : i32
      %add3A_431 = arith.addi %add3A_429, %add3A_430 : i32
      %lt3A_432 = arith.constant 40 : i32
      %lt3A_433 = arith.cmpi slt, %add3A_431, %lt3A_432 : i32
      %convert_element_type3A_434 = arith.extui %lt3A_433 : i1 to i32
      %cond3A_435 = arith.constant 0 : i32
      %cond3A_436 = arith.cmpi ne, %convert_element_type3A_434, %cond3A_435 : i32
      scf.if %cond3A_436 {
        %add3A_512 = arith.constant 0 : i32
        %add3A_513 = arith.addi %mul3A_285, %add3A_512 : i32
        %add3A_514 = arith.constant 4 : i32
        %add3A_515 = arith.addi %add3A_513, %add3A_514 : i32
        %dma_start3A_516 = arith.constant 0 : i32
        %dma_start3A_517 = arith.constant 0 : i32
        %dma_start3A_518 = arith.constant 0 : i32
        %dma_start3A_519 = arith.constant 0 : i32
        %dma_start3A_520 = tpu.memref_slice %arg8[%dma_start3A_516, %dma_start3A_518, %dma_start3A_519] : memref<4x128x64xf32, #tpu.memory_space<vmem>> -> memref<1x128x64xf32, #tpu.memory_space<vmem>>
        %dma_start3A_521 = tpu.memref_squeeze %dma_start3A_520 : memref<1x128x64xf32, #tpu.memory_space<vmem>> -> memref<128x64xf32, #tpu.memory_space<vmem>>
        %dma_start3A_522 = arith.constant 0 : i32
        %dma_start3A_523 = tpu.memref_slice %arg6[%add3A_515, %dma_start3A_522] : memref<40x128xi32, #tpu.memory_space<vmem>> -> memref<1x128xi32, #tpu.memory_space<vmem>>
        %dma_start3A_524 = tpu.memref_squeeze %dma_start3A_523 : memref<1x128xi32, #tpu.memory_space<vmem>> -> memref<128xi32, #tpu.memory_space<vmem>>
        %dma_start3A_525 = arith.constant 0 : i32
        %dma_start3A_526 = arith.constant 0 : i32
        %dma_start3A_527 = tpu.memref_slice %arg10[%dma_start3A_525, %dma_start3A_526] : memref<10000x64xf32, #tpu.memory_space<vmem_shared>> -> memref<10000x64xf32, #tpu.memory_space<vmem_shared>>
        %dma_start3A_528 = tpu.memref_slice %arg11[%dma_start3A_517] : memref<4x!tpu.dma_semaphore, #tpu.memory_space<semaphore_mem>> -> memref<1x!tpu.dma_semaphore, #tpu.memory_space<semaphore_mem>>
        %dma_start3A_529 = tpu.memref_squeeze %dma_start3A_528 : memref<1x!tpu.dma_semaphore, #tpu.memory_space<semaphore_mem>> -> memref<!tpu.dma_semaphore, #tpu.memory_space<semaphore_mem>>
        tpu.enqueue_indirect_dma source(%dma_start3A_527 : memref<10000x64xf32, #tpu.memory_space<vmem_shared>>) target(%dma_start3A_521 : memref<128x64xf32, #tpu.memory_space<vmem>>) offsets(%dma_start3A_524 : memref<128xi32, #tpu.memory_space<vmem>>) semaphore(%dma_start3A_529 : memref<!tpu.dma_semaphore, #tpu.memory_space<semaphore_mem>>)
      } else {
      }
      %add3A_437 = arith.constant 1 : i32
      %add3A_438 = arith.addi %mul3A_285, %add3A_437 : i32
      %dma_wait3A_439 = arith.constant 1 : i32
      %dma_wait3A_440 = arith.constant 1 : i32
      %dma_wait3A_441 = arith.constant 0 : i32
      %dma_wait3A_442 = arith.constant 0 : i32
      %dma_wait3A_443 = tpu.memref_slice %arg8[%dma_wait3A_439, %dma_wait3A_441, %dma_wait3A_442] : memref<4x128x64xf32, #tpu.memory_space<vmem>> -> memref<1x128x64xf32, #tpu.memory_space<vmem>>
      %dma_wait3A_444 = tpu.memref_squeeze %dma_wait3A_443 : memref<1x128x64xf32, #tpu.memory_space<vmem>> -> memref<128x64xf32, #tpu.memory_space<vmem>>
      %dma_wait3A_445 = arith.constant 0 : i32
      %dma_wait3A_446 = tpu.memref_slice %arg7[%add3A_438, %dma_wait3A_445] : memref<40x128xi32, #tpu.memory_space<vmem>> -> memref<1x128xi32, #tpu.memory_space<vmem>>
      %dma_wait3A_447 = tpu.memref_squeeze %dma_wait3A_446 : memref<1x128xi32, #tpu.memory_space<vmem>> -> memref<128xi32, #tpu.memory_space<vmem>>
      %dma_wait3A_448 = arith.constant 0 : i32
      %dma_wait3A_449 = arith.constant 0 : i32
      %dma_wait3A_450 = tpu.memref_slice %arg9[%dma_wait3A_448, %dma_wait3A_449] : memref<10240x64xf32, #tpu.memory_space<vmem_shared>> -> memref<10240x64xf32, #tpu.memory_space<vmem_shared>>
      %dma_wait3A_451 = tpu.memref_slice %arg12[%dma_wait3A_440] : memref<4x!tpu.dma_semaphore, #tpu.memory_space<semaphore_mem>> -> memref<1x!tpu.dma_semaphore, #tpu.memory_space<semaphore_mem>>
      %dma_wait3A_452 = tpu.memref_squeeze %dma_wait3A_451 : memref<1x!tpu.dma_semaphore, #tpu.memory_space<semaphore_mem>> -> memref<!tpu.dma_semaphore, #tpu.memory_space<semaphore_mem>>
      tpu.wait_indirect_dma semaphore(%dma_wait3A_452 : memref<!tpu.dma_semaphore, #tpu.memory_space<semaphore_mem>>) src(%dma_wait3A_444 : memref<128x64xf32, #tpu.memory_space<vmem>>) dst(%dma_wait3A_450 : memref<10240x64xf32, #tpu.memory_space<vmem_shared>>)
      %add3A_453 = arith.constant 1 : i32
      %add3A_454 = arith.addi %mul3A_285, %add3A_453 : i32
      %add3A_455 = arith.constant 4 : i32
      %add3A_456 = arith.addi %add3A_454, %add3A_455 : i32
      %lt3A_457 = arith.constant 40 : i32
      %lt3A_458 = arith.cmpi slt, %add3A_456, %lt3A_457 : i32
      %convert_element_type3A_459 = arith.extui %lt3A_458 : i1 to i32
      %cond3A_460 = arith.constant 0 : i32
      %cond3A_461 = arith.cmpi ne, %convert_element_type3A_459, %cond3A_460 : i32
      scf.if %cond3A_461 {
        %add3A_512 = arith.constant 1 : i32
        %add3A_513 = arith.addi %mul3A_285, %add3A_512 : i32
        %add3A_514 = arith.constant 4 : i32
        %add3A_515 = arith.addi %add3A_513, %add3A_514 : i32
        %dma_start3A_516 = arith.constant 1 : i32
        %dma_start3A_517 = arith.constant 1 : i32
        %dma_start3A_518 = arith.constant 0 : i32
        %dma_start3A_519 = arith.constant 0 : i32
        %dma_start3A_520 = tpu.memref_slice %arg8[%dma_start3A_516, %dma_start3A_518, %dma_start3A_519] : memref<4x128x64xf32, #tpu.memory_space<vmem>> -> memref<1x128x64xf32, #tpu.memory_space<vmem>>
        %dma_start3A_521 = tpu.memref_squeeze %dma_start3A_520 : memref<1x128x64xf32, #tpu.memory_space<vmem>> -> memref<128x64xf32, #tpu.memory_space<vmem>>
        %dma_start3A_522 = arith.constant 0 : i32
        %dma_start3A_523 = tpu.memref_slice %arg6[%add3A_515, %dma_start3A_522] : memref<40x128xi32, #tpu.memory_space<vmem>> -> memref<1x128xi32, #tpu.memory_space<vmem>>
        %dma_start3A_524 = tpu.memref_squeeze %dma_start3A_523 : memref<1x128xi32, #tpu.memory_space<vmem>> -> memref<128xi32, #tpu.memory_space<vmem>>
        %dma_start3A_525 = arith.constant 0 : i32
        %dma_start3A_526 = arith.constant 0 : i32
        %dma_start3A_527 = tpu.memref_slice %arg10[%dma_start3A_525, %dma_start3A_526] : memref<10000x64xf32, #tpu.memory_space<vmem_shared>> -> memref<10000x64xf32, #tpu.memory_space<vmem_shared>>
        %dma_start3A_528 = tpu.memref_slice %arg11[%dma_start3A_517] : memref<4x!tpu.dma_semaphore, #tpu.memory_space<semaphore_mem>> -> memref<1x!tpu.dma_semaphore, #tpu.memory_space<semaphore_mem>>
        %dma_start3A_529 = tpu.memref_squeeze %dma_start3A_528 : memref<1x!tpu.dma_semaphore, #tpu.memory_space<semaphore_mem>> -> memref<!tpu.dma_semaphore, #tpu.memory_space<semaphore_mem>>
        tpu.enqueue_indirect_dma source(%dma_start3A_527 : memref<10000x64xf32, #tpu.memory_space<vmem_shared>>) target(%dma_start3A_521 : memref<128x64xf32, #tpu.memory_space<vmem>>) offsets(%dma_start3A_524 : memref<128xi32, #tpu.memory_space<vmem>>) semaphore(%dma_start3A_529 : memref<!tpu.dma_semaphore, #tpu.memory_space<semaphore_mem>>)
      } else {
      }
      %add3A_462 = arith.constant 2 : i32
      %add3A_463 = arith.addi %mul3A_285, %add3A_462 : i32
      %dma_wait3A_464 = arith.constant 2 : i32
      %dma_wait3A_465 = arith.constant 2 : i32
      %dma_wait3A_466 = arith.constant 0 : i32
      %dma_wait3A_467 = arith.constant 0 : i32
      %dma_wait3A_468 = tpu.memref_slice %arg8[%dma_wait3A_464, %dma_wait3A_466, %dma_wait3A_467] : memref<4x128x64xf32, #tpu.memory_space<vmem>> -> memref<1x128x64xf32, #tpu.memory_space<vmem>>
      %dma_wait3A_469 = tpu.memref_squeeze %dma_wait3A_468 : memref<1x128x64xf32, #tpu.memory_space<vmem>> -> memref<128x64xf32, #tpu.memory_space<vmem>>
      %dma_wait3A_470 = arith.constant 0 : i32
      %dma_wait3A_471 = tpu.memref_slice %arg7[%add3A_463, %dma_wait3A_470] : memref<40x128xi32, #tpu.memory_space<vmem>> -> memref<1x128xi32, #tpu.memory_space<vmem>>
      %dma_wait3A_472 = tpu.memref_squeeze %dma_wait3A_471 : memref<1x128xi32, #tpu.memory_space<vmem>> -> memref<128xi32, #tpu.memory_space<vmem>>
      %dma_wait3A_473 = arith.constant 0 : i32
      %dma_wait3A_474 = arith.constant 0 : i32
      %dma_wait3A_475 = tpu.memref_slice %arg9[%dma_wait3A_473, %dma_wait3A_474] : memref<10240x64xf32, #tpu.memory_space<vmem_shared>> -> memref<10240x64xf32, #tpu.memory_space<vmem_shared>>
      %dma_wait3A_476 = tpu.memref_slice %arg12[%dma_wait3A_465] : memref<4x!tpu.dma_semaphore, #tpu.memory_space<semaphore_mem>> -> memref<1x!tpu.dma_semaphore, #tpu.memory_space<semaphore_mem>>
      %dma_wait3A_477 = tpu.memref_squeeze %dma_wait3A_476 : memref<1x!tpu.dma_semaphore, #tpu.memory_space<semaphore_mem>> -> memref<!tpu.dma_semaphore, #tpu.memory_space<semaphore_mem>>
      tpu.wait_indirect_dma semaphore(%dma_wait3A_477 : memref<!tpu.dma_semaphore, #tpu.memory_space<semaphore_mem>>) src(%dma_wait3A_469 : memref<128x64xf32, #tpu.memory_space<vmem>>) dst(%dma_wait3A_475 : memref<10240x64xf32, #tpu.memory_space<vmem_shared>>)
      %add3A_478 = arith.constant 2 : i32
      %add3A_479 = arith.addi %mul3A_285, %add3A_478 : i32
      %add3A_480 = arith.constant 4 : i32
      %add3A_481 = arith.addi %add3A_479, %add3A_480 : i32
      %lt3A_482 = arith.constant 40 : i32
      %lt3A_483 = arith.cmpi slt, %add3A_481, %lt3A_482 : i32
      %convert_element_type3A_484 = arith.extui %lt3A_483 : i1 to i32
      %cond3A_485 = arith.constant 0 : i32
      %cond3A_486 = arith.cmpi ne, %convert_element_type3A_484, %cond3A_485 : i32
      scf.if %cond3A_486 {
        %add3A_512 = arith.constant 2 : i32
        %add3A_513 = arith.addi %mul3A_285, %add3A_512 : i32
        %add3A_514 = arith.constant 4 : i32
        %add3A_515 = arith.addi %add3A_513, %add3A_514 : i32
        %dma_start3A_516 = arith.constant 2 : i32
        %dma_start3A_517 = arith.constant 2 : i32
        %dma_start3A_518 = arith.constant 0 : i32
        %dma_start3A_519 = arith.constant 0 : i32
        %dma_start3A_520 = tpu.memref_slice %arg8[%dma_start3A_516, %dma_start3A_518, %dma_start3A_519] : memref<4x128x64xf32, #tpu.memory_space<vmem>> -> memref<1x128x64xf32, #tpu.memory_space<vmem>>
        %dma_start3A_521 = tpu.memref_squeeze %dma_start3A_520 : memref<1x128x64xf32, #tpu.memory_space<vmem>> -> memref<128x64xf32, #tpu.memory_space<vmem>>
        %dma_start3A_522 = arith.constant 0 : i32
        %dma_start3A_523 = tpu.memref_slice %arg6[%add3A_515, %dma_start3A_522] : memref<40x128xi32, #tpu.memory_space<vmem>> -> memref<1x128xi32, #tpu.memory_space<vmem>>
        %dma_start3A_524 = tpu.memref_squeeze %dma_start3A_523 : memref<1x128xi32, #tpu.memory_space<vmem>> -> memref<128xi32, #tpu.memory_space<vmem>>
        %dma_start3A_525 = arith.constant 0 : i32
        %dma_start3A_526 = arith.constant 0 : i32
        %dma_start3A_527 = tpu.memref_slice %arg10[%dma_start3A_525, %dma_start3A_526] : memref<10000x64xf32, #tpu.memory_space<vmem_shared>> -> memref<10000x64xf32, #tpu.memory_space<vmem_shared>>
        %dma_start3A_528 = tpu.memref_slice %arg11[%dma_start3A_517] : memref<4x!tpu.dma_semaphore, #tpu.memory_space<semaphore_mem>> -> memref<1x!tpu.dma_semaphore, #tpu.memory_space<semaphore_mem>>
        %dma_start3A_529 = tpu.memref_squeeze %dma_start3A_528 : memref<1x!tpu.dma_semaphore, #tpu.memory_space<semaphore_mem>> -> memref<!tpu.dma_semaphore, #tpu.memory_space<semaphore_mem>>
        tpu.enqueue_indirect_dma source(%dma_start3A_527 : memref<10000x64xf32, #tpu.memory_space<vmem_shared>>) target(%dma_start3A_521 : memref<128x64xf32, #tpu.memory_space<vmem>>) offsets(%dma_start3A_524 : memref<128xi32, #tpu.memory_space<vmem>>) semaphore(%dma_start3A_529 : memref<!tpu.dma_semaphore, #tpu.memory_space<semaphore_mem>>)
      } else {
      }
      %add3A_487 = arith.constant 3 : i32
      %add3A_488 = arith.addi %mul3A_285, %add3A_487 : i32
      %dma_wait3A_489 = arith.constant 3 : i32
      %dma_wait3A_490 = arith.constant 3 : i32
      %dma_wait3A_491 = arith.constant 0 : i32
      %dma_wait3A_492 = arith.constant 0 : i32
      %dma_wait3A_493 = tpu.memref_slice %arg8[%dma_wait3A_489, %dma_wait3A_491, %dma_wait3A_492] : memref<4x128x64xf32, #tpu.memory_space<vmem>> -> memref<1x128x64xf32, #tpu.memory_space<vmem>>
      %dma_wait3A_494 = tpu.memref_squeeze %dma_wait3A_493 : memref<1x128x64xf32, #tpu.memory_space<vmem>> -> memref<128x64xf32, #tpu.memory_space<vmem>>
      %dma_wait3A_495 = arith.constant 0 : i32
      %dma_wait3A_496 = tpu.memref_slice %arg7[%add3A_488, %dma_wait3A_495] : memref<40x128xi32, #tpu.memory_space<vmem>> -> memref<1x128xi32, #tpu.memory_space<vmem>>
      %dma_wait3A_497 = tpu.memref_squeeze %dma_wait3A_496 : memref<1x128xi32, #tpu.memory_space<vmem>> -> memref<128xi32, #tpu.memory_space<vmem>>
      %dma_wait3A_498 = arith.constant 0 : i32
      %dma_wait3A_499 = arith.constant 0 : i32
      %dma_wait3A_500 = tpu.memref_slice %arg9[%dma_wait3A_498, %dma_wait3A_499] : memref<10240x64xf32, #tpu.memory_space<vmem_shared>> -> memref<10240x64xf32, #tpu.memory_space<vmem_shared>>
      %dma_wait3A_501 = tpu.memref_slice %arg12[%dma_wait3A_490] : memref<4x!tpu.dma_semaphore, #tpu.memory_space<semaphore_mem>> -> memref<1x!tpu.dma_semaphore, #tpu.memory_space<semaphore_mem>>
      %dma_wait3A_502 = tpu.memref_squeeze %dma_wait3A_501 : memref<1x!tpu.dma_semaphore, #tpu.memory_space<semaphore_mem>> -> memref<!tpu.dma_semaphore, #tpu.memory_space<semaphore_mem>>
      tpu.wait_indirect_dma semaphore(%dma_wait3A_502 : memref<!tpu.dma_semaphore, #tpu.memory_space<semaphore_mem>>) src(%dma_wait3A_494 : memref<128x64xf32, #tpu.memory_space<vmem>>) dst(%dma_wait3A_500 : memref<10240x64xf32, #tpu.memory_space<vmem_shared>>)
      %add3A_503 = arith.constant 3 : i32
      %add3A_504 = arith.addi %mul3A_285, %add3A_503 : i32
      %add3A_505 = arith.constant 4 : i32
      %add3A_506 = arith.addi %add3A_504, %add3A_505 : i32
      %lt3A_507 = arith.constant 40 : i32
      %lt3A_508 = arith.cmpi slt, %add3A_506, %lt3A_507 : i32
      %convert_element_type3A_509 = arith.extui %lt3A_508 : i1 to i32
      %cond3A_510 = arith.constant 0 : i32
      %cond3A_511 = arith.cmpi ne, %convert_element_type3A_509, %cond3A_510 : i32
      scf.if %cond3A_511 {
        %add3A_512 = arith.constant 3 : i32
        %add3A_513 = arith.addi %mul3A_285, %add3A_512 : i32
        %add3A_514 = arith.constant 4 : i32
        %add3A_515 = arith.addi %add3A_513, %add3A_514 : i32
        %dma_start3A_516 = arith.constant 3 : i32
        %dma_start3A_517 = arith.constant 3 : i32
        %dma_start3A_518 = arith.constant 0 : i32
        %dma_start3A_519 = arith.constant 0 : i32
        %dma_start3A_520 = tpu.memref_slice %arg8[%dma_start3A_516, %dma_start3A_518, %dma_start3A_519] : memref<4x128x64xf32, #tpu.memory_space<vmem>> -> memref<1x128x64xf32, #tpu.memory_space<vmem>>
        %dma_start3A_521 = tpu.memref_squeeze %dma_start3A_520 : memref<1x128x64xf32, #tpu.memory_space<vmem>> -> memref<128x64xf32, #tpu.memory_space<vmem>>
        %dma_start3A_522 = arith.constant 0 : i32
        %dma_start3A_523 = tpu.memref_slice %arg6[%add3A_515, %dma_start3A_522] : memref<40x128xi32, #tpu.memory_space<vmem>> -> memref<1x128xi32, #tpu.memory_space<vmem>>
        %dma_start3A_524 = tpu.memref_squeeze %dma_start3A_523 : memref<1x128xi32, #tpu.memory_space<vmem>> -> memref<128xi32, #tpu.memory_space<vmem>>
        %dma_start3A_525 = arith.constant 0 : i32
        %dma_start3A_526 = arith.constant 0 : i32
        %dma_start3A_527 = tpu.memref_slice %arg10[%dma_start3A_525, %dma_start3A_526] : memref<10000x64xf32, #tpu.memory_space<vmem_shared>> -> memref<10000x64xf32, #tpu.memory_space<vmem_shared>>
        %dma_start3A_528 = tpu.memref_slice %arg11[%dma_start3A_517] : memref<4x!tpu.dma_semaphore, #tpu.memory_space<semaphore_mem>> -> memref<1x!tpu.dma_semaphore, #tpu.memory_space<semaphore_mem>>
        %dma_start3A_529 = tpu.memref_squeeze %dma_start3A_528 : memref<1x!tpu.dma_semaphore, #tpu.memory_space<semaphore_mem>> -> memref<!tpu.dma_semaphore, #tpu.memory_space<semaphore_mem>>
        tpu.enqueue_indirect_dma source(%dma_start3A_527 : memref<10000x64xf32, #tpu.memory_space<vmem_shared>>) target(%dma_start3A_521 : memref<128x64xf32, #tpu.memory_space<vmem>>) offsets(%dma_start3A_524 : memref<128xi32, #tpu.memory_space<vmem>>) semaphore(%dma_start3A_529 : memref<!tpu.dma_semaphore, #tpu.memory_space<semaphore_mem>>)
      } else {
      }
    }
    %scan3A_139 = arith.constant 10 : i32
    "tpu.region"() ({
      %run_scoped3A = tpu.sem_alloc : memref<!tpu.dma_semaphore, #tpu.memory_space<semaphore_mem>>
      %dma_start3A_283 = arith.constant 80 : i32
      %dma_start3A_284 = arith.constant 0 : i32
      %dma_start3A_285 = tpu.memref_slice %arg2[%arg1, %dma_start3A_283, %dma_start3A_284] : memref<16x160x128xi32, #tpu.memory_space<hbm>> -> memref<1x40x128xi32, #tpu.memory_space<hbm>>
      %dma_start3A_286 = tpu.memref_squeeze %dma_start3A_285 : memref<1x40x128xi32, #tpu.memory_space<hbm>> -> memref<40x128xi32, #tpu.memory_space<hbm>>
      %dma_start3A_287 = arith.constant 80 : i32
      %dma_start3A_288 = arith.constant 0 : i32
      %dma_start3A_289 = tpu.memref_slice %arg2[%arg1, %dma_start3A_287, %dma_start3A_288] : memref<16x160x128xi32, #tpu.memory_space<hbm>> -> memref<1x40x128xi32, #tpu.memory_space<hbm>>
      %dma_start3A_290 = tpu.memref_squeeze %dma_start3A_289 : memref<1x40x128xi32, #tpu.memory_space<hbm>> -> memref<40x128xi32, #tpu.memory_space<hbm>>
      tpu.enqueue_dma source(%dma_start3A_290 : memref<40x128xi32, #tpu.memory_space<hbm>>) target(%arg6 : memref<40x128xi32, #tpu.memory_space<vmem>>) target_semaphore(%run_scoped3A : memref<!tpu.dma_semaphore, #tpu.memory_space<semaphore_mem>>)
      %dma_wait3A = arith.constant 80 : i32
      %dma_wait3A_291 = arith.constant 0 : i32
      %dma_wait3A_292 = tpu.memref_slice %arg2[%arg1, %dma_wait3A, %dma_wait3A_291] : memref<16x160x128xi32, #tpu.memory_space<hbm>> -> memref<1x40x128xi32, #tpu.memory_space<hbm>>
      %dma_wait3A_293 = tpu.memref_squeeze %dma_wait3A_292 : memref<1x40x128xi32, #tpu.memory_space<hbm>> -> memref<40x128xi32, #tpu.memory_space<hbm>>
      %dma_wait3A_294 = arith.constant 80 : i32
      %dma_wait3A_295 = arith.constant 0 : i32
      %dma_wait3A_296 = tpu.memref_slice %arg2[%arg1, %dma_wait3A_294, %dma_wait3A_295] : memref<16x160x128xi32, #tpu.memory_space<hbm>> -> memref<1x40x128xi32, #tpu.memory_space<hbm>>
      %dma_wait3A_297 = tpu.memref_squeeze %dma_wait3A_296 : memref<1x40x128xi32, #tpu.memory_space<hbm>> -> memref<40x128xi32, #tpu.memory_space<hbm>>
      tpu.wait_dma2 semaphore(%run_scoped3A : memref<!tpu.dma_semaphore, #tpu.memory_space<semaphore_mem>>) src(%dma_wait3A_297 : memref<40x128xi32, #tpu.memory_space<hbm>>) dst(%arg6 : memref<40x128xi32, #tpu.memory_space<vmem>>)
      tpu.yield
    }) : () -> ()
    "tpu.region"() ({
      %run_scoped3A = tpu.sem_alloc : memref<!tpu.dma_semaphore, #tpu.memory_space<semaphore_mem>>
      %dma_start3A_283 = arith.constant 80 : i32
      %dma_start3A_284 = arith.constant 0 : i32
      %dma_start3A_285 = tpu.memref_slice %arg3[%arg1, %dma_start3A_283, %dma_start3A_284] : memref<16x160x128xi32, #tpu.memory_space<hbm>> -> memref<1x40x128xi32, #tpu.memory_space<hbm>>
      %dma_start3A_286 = tpu.memref_squeeze %dma_start3A_285 : memref<1x40x128xi32, #tpu.memory_space<hbm>> -> memref<40x128xi32, #tpu.memory_space<hbm>>
      %dma_start3A_287 = arith.constant 80 : i32
      %dma_start3A_288 = arith.constant 0 : i32
      %dma_start3A_289 = tpu.memref_slice %arg3[%arg1, %dma_start3A_287, %dma_start3A_288] : memref<16x160x128xi32, #tpu.memory_space<hbm>> -> memref<1x40x128xi32, #tpu.memory_space<hbm>>
      %dma_start3A_290 = tpu.memref_squeeze %dma_start3A_289 : memref<1x40x128xi32, #tpu.memory_space<hbm>> -> memref<40x128xi32, #tpu.memory_space<hbm>>
      tpu.enqueue_dma source(%dma_start3A_290 : memref<40x128xi32, #tpu.memory_space<hbm>>) target(%arg7 : memref<40x128xi32, #tpu.memory_space<vmem>>) target_semaphore(%run_scoped3A : memref<!tpu.dma_semaphore, #tpu.memory_space<semaphore_mem>>)
      %dma_wait3A = arith.constant 80 : i32
      %dma_wait3A_291 = arith.constant 0 : i32
      %dma_wait3A_292 = tpu.memref_slice %arg3[%arg1, %dma_wait3A, %dma_wait3A_291] : memref<16x160x128xi32, #tpu.memory_space<hbm>> -> memref<1x40x128xi32, #tpu.memory_space<hbm>>
      %dma_wait3A_293 = tpu.memref_squeeze %dma_wait3A_292 : memref<1x40x128xi32, #tpu.memory_space<hbm>> -> memref<40x128xi32, #tpu.memory_space<hbm>>
      %dma_wait3A_294 = arith.constant 80 : i32
      %dma_wait3A_295 = arith.constant 0 : i32
      %dma_wait3A_296 = tpu.memref_slice %arg3[%arg1, %dma_wait3A_294, %dma_wait3A_295] : memref<16x160x128xi32, #tpu.memory_space<hbm>> -> memref<1x40x128xi32, #tpu.memory_space<hbm>>
      %dma_wait3A_297 = tpu.memref_squeeze %dma_wait3A_296 : memref<1x40x128xi32, #tpu.memory_space<hbm>> -> memref<40x128xi32, #tpu.memory_space<hbm>>
      tpu.wait_dma2 semaphore(%run_scoped3A : memref<!tpu.dma_semaphore, #tpu.memory_space<semaphore_mem>>) src(%dma_wait3A_297 : memref<40x128xi32, #tpu.memory_space<hbm>>) dst(%arg7 : memref<40x128xi32, #tpu.memory_space<vmem>>)
      tpu.yield
    }) : () -> ()
    %dma_start3A_140 = arith.constant 0 : i32
    %dma_start3A_141 = arith.constant 0 : i32
    %dma_start3A_142 = arith.constant 0 : i32
    %dma_start3A_143 = arith.constant 0 : i32
    %dma_start3A_144 = arith.constant 0 : i32
    %dma_start3A_145 = tpu.memref_slice %arg8[%dma_start3A_141, %dma_start3A_143, %dma_start3A_144] : memref<4x128x64xf32, #tpu.memory_space<vmem>> -> memref<1x128x64xf32, #tpu.memory_space<vmem>>
    %dma_start3A_146 = tpu.memref_squeeze %dma_start3A_145 : memref<1x128x64xf32, #tpu.memory_space<vmem>> -> memref<128x64xf32, #tpu.memory_space<vmem>>
    %dma_start3A_147 = arith.constant 0 : i32
    %dma_start3A_148 = tpu.memref_slice %arg6[%dma_start3A_140, %dma_start3A_147] : memref<40x128xi32, #tpu.memory_space<vmem>> -> memref<1x128xi32, #tpu.memory_space<vmem>>
    %dma_start3A_149 = tpu.memref_squeeze %dma_start3A_148 : memref<1x128xi32, #tpu.memory_space<vmem>> -> memref<128xi32, #tpu.memory_space<vmem>>
    %dma_start3A_150 = arith.constant 0 : i32
    %dma_start3A_151 = arith.constant 0 : i32
    %dma_start3A_152 = tpu.memref_slice %arg10[%dma_start3A_150, %dma_start3A_151] : memref<10000x64xf32, #tpu.memory_space<vmem_shared>> -> memref<10000x64xf32, #tpu.memory_space<vmem_shared>>
    %dma_start3A_153 = tpu.memref_slice %arg11[%dma_start3A_142] : memref<4x!tpu.dma_semaphore, #tpu.memory_space<semaphore_mem>> -> memref<1x!tpu.dma_semaphore, #tpu.memory_space<semaphore_mem>>
    %dma_start3A_154 = tpu.memref_squeeze %dma_start3A_153 : memref<1x!tpu.dma_semaphore, #tpu.memory_space<semaphore_mem>> -> memref<!tpu.dma_semaphore, #tpu.memory_space<semaphore_mem>>
    tpu.enqueue_indirect_dma source(%dma_start3A_152 : memref<10000x64xf32, #tpu.memory_space<vmem_shared>>) target(%dma_start3A_146 : memref<128x64xf32, #tpu.memory_space<vmem>>) offsets(%dma_start3A_149 : memref<128xi32, #tpu.memory_space<vmem>>) semaphore(%dma_start3A_154 : memref<!tpu.dma_semaphore, #tpu.memory_space<semaphore_mem>>)
    %dma_start3A_155 = arith.constant 1 : i32
    %dma_start3A_156 = arith.constant 1 : i32
    %dma_start3A_157 = arith.constant 1 : i32
    %dma_start3A_158 = arith.constant 0 : i32
    %dma_start3A_159 = arith.constant 0 : i32
    %dma_start3A_160 = tpu.memref_slice %arg8[%dma_start3A_156, %dma_start3A_158, %dma_start3A_159] : memref<4x128x64xf32, #tpu.memory_space<vmem>> -> memref<1x128x64xf32, #tpu.memory_space<vmem>>
    %dma_start3A_161 = tpu.memref_squeeze %dma_start3A_160 : memref<1x128x64xf32, #tpu.memory_space<vmem>> -> memref<128x64xf32, #tpu.memory_space<vmem>>
    %dma_start3A_162 = arith.constant 0 : i32
    %dma_start3A_163 = tpu.memref_slice %arg6[%dma_start3A_155, %dma_start3A_162] : memref<40x128xi32, #tpu.memory_space<vmem>> -> memref<1x128xi32, #tpu.memory_space<vmem>>
    %dma_start3A_164 = tpu.memref_squeeze %dma_start3A_163 : memref<1x128xi32, #tpu.memory_space<vmem>> -> memref<128xi32, #tpu.memory_space<vmem>>
    %dma_start3A_165 = arith.constant 0 : i32
    %dma_start3A_166 = arith.constant 0 : i32
    %dma_start3A_167 = tpu.memref_slice %arg10[%dma_start3A_165, %dma_start3A_166] : memref<10000x64xf32, #tpu.memory_space<vmem_shared>> -> memref<10000x64xf32, #tpu.memory_space<vmem_shared>>
    %dma_start3A_168 = tpu.memref_slice %arg11[%dma_start3A_157] : memref<4x!tpu.dma_semaphore, #tpu.memory_space<semaphore_mem>> -> memref<1x!tpu.dma_semaphore, #tpu.memory_space<semaphore_mem>>
    %dma_start3A_169 = tpu.memref_squeeze %dma_start3A_168 : memref<1x!tpu.dma_semaphore, #tpu.memory_space<semaphore_mem>> -> memref<!tpu.dma_semaphore, #tpu.memory_space<semaphore_mem>>
    tpu.enqueue_indirect_dma source(%dma_start3A_167 : memref<10000x64xf32, #tpu.memory_space<vmem_shared>>) target(%dma_start3A_161 : memref<128x64xf32, #tpu.memory_space<vmem>>) offsets(%dma_start3A_164 : memref<128xi32, #tpu.memory_space<vmem>>) semaphore(%dma_start3A_169 : memref<!tpu.dma_semaphore, #tpu.memory_space<semaphore_mem>>)
    %dma_start3A_170 = arith.constant 2 : i32
    %dma_start3A_171 = arith.constant 2 : i32
    %dma_start3A_172 = arith.constant 2 : i32
    %dma_start3A_173 = arith.constant 0 : i32
    %dma_start3A_174 = arith.constant 0 : i32
    %dma_start3A_175 = tpu.memref_slice %arg8[%dma_start3A_171, %dma_start3A_173, %dma_start3A_174] : memref<4x128x64xf32, #tpu.memory_space<vmem>> -> memref<1x128x64xf32, #tpu.memory_space<vmem>>
    %dma_start3A_176 = tpu.memref_squeeze %dma_start3A_175 : memref<1x128x64xf32, #tpu.memory_space<vmem>> -> memref<128x64xf32, #tpu.memory_space<vmem>>
    %dma_start3A_177 = arith.constant 0 : i32
    %dma_start3A_178 = tpu.memref_slice %arg6[%dma_start3A_170, %dma_start3A_177] : memref<40x128xi32, #tpu.memory_space<vmem>> -> memref<1x128xi32, #tpu.memory_space<vmem>>
    %dma_start3A_179 = tpu.memref_squeeze %dma_start3A_178 : memref<1x128xi32, #tpu.memory_space<vmem>> -> memref<128xi32, #tpu.memory_space<vmem>>
    %dma_start3A_180 = arith.constant 0 : i32
    %dma_start3A_181 = arith.constant 0 : i32
    %dma_start3A_182 = tpu.memref_slice %arg10[%dma_start3A_180, %dma_start3A_181] : memref<10000x64xf32, #tpu.memory_space<vmem_shared>> -> memref<10000x64xf32, #tpu.memory_space<vmem_shared>>
    %dma_start3A_183 = tpu.memref_slice %arg11[%dma_start3A_172] : memref<4x!tpu.dma_semaphore, #tpu.memory_space<semaphore_mem>> -> memref<1x!tpu.dma_semaphore, #tpu.memory_space<semaphore_mem>>
    %dma_start3A_184 = tpu.memref_squeeze %dma_start3A_183 : memref<1x!tpu.dma_semaphore, #tpu.memory_space<semaphore_mem>> -> memref<!tpu.dma_semaphore, #tpu.memory_space<semaphore_mem>>
    tpu.enqueue_indirect_dma source(%dma_start3A_182 : memref<10000x64xf32, #tpu.memory_space<vmem_shared>>) target(%dma_start3A_176 : memref<128x64xf32, #tpu.memory_space<vmem>>) offsets(%dma_start3A_179 : memref<128xi32, #tpu.memory_space<vmem>>) semaphore(%dma_start3A_184 : memref<!tpu.dma_semaphore, #tpu.memory_space<semaphore_mem>>)
    %dma_start3A_185 = arith.constant 3 : i32
    %dma_start3A_186 = arith.constant 3 : i32
    %dma_start3A_187 = arith.constant 3 : i32
    %dma_start3A_188 = arith.constant 0 : i32
    %dma_start3A_189 = arith.constant 0 : i32
    %dma_start3A_190 = tpu.memref_slice %arg8[%dma_start3A_186, %dma_start3A_188, %dma_start3A_189] : memref<4x128x64xf32, #tpu.memory_space<vmem>> -> memref<1x128x64xf32, #tpu.memory_space<vmem>>
    %dma_start3A_191 = tpu.memref_squeeze %dma_start3A_190 : memref<1x128x64xf32, #tpu.memory_space<vmem>> -> memref<128x64xf32, #tpu.memory_space<vmem>>
    %dma_start3A_192 = arith.constant 0 : i32
    %dma_start3A_193 = tpu.memref_slice %arg6[%dma_start3A_185, %dma_start3A_192] : memref<40x128xi32, #tpu.memory_space<vmem>> -> memref<1x128xi32, #tpu.memory_space<vmem>>
    %dma_start3A_194 = tpu.memref_squeeze %dma_start3A_193 : memref<1x128xi32, #tpu.memory_space<vmem>> -> memref<128xi32, #tpu.memory_space<vmem>>
    %dma_start3A_195 = arith.constant 0 : i32
    %dma_start3A_196 = arith.constant 0 : i32
    %dma_start3A_197 = tpu.memref_slice %arg10[%dma_start3A_195, %dma_start3A_196] : memref<10000x64xf32, #tpu.memory_space<vmem_shared>> -> memref<10000x64xf32, #tpu.memory_space<vmem_shared>>
    %dma_start3A_198 = tpu.memref_slice %arg11[%dma_start3A_187] : memref<4x!tpu.dma_semaphore, #tpu.memory_space<semaphore_mem>> -> memref<1x!tpu.dma_semaphore, #tpu.memory_space<semaphore_mem>>
    %dma_start3A_199 = tpu.memref_squeeze %dma_start3A_198 : memref<1x!tpu.dma_semaphore, #tpu.memory_space<semaphore_mem>> -> memref<!tpu.dma_semaphore, #tpu.memory_space<semaphore_mem>>
    tpu.enqueue_indirect_dma source(%dma_start3A_197 : memref<10000x64xf32, #tpu.memory_space<vmem_shared>>) target(%dma_start3A_191 : memref<128x64xf32, #tpu.memory_space<vmem>>) offsets(%dma_start3A_194 : memref<128xi32, #tpu.memory_space<vmem>>) semaphore(%dma_start3A_199 : memref<!tpu.dma_semaphore, #tpu.memory_space<semaphore_mem>>)
    %scan3A_200 = arith.constant 0 : i32
    %scan3A_201 = arith.constant 0 : i32
    %scan3A_202 = arith.constant 10 : i32
    %scan3A_203 = arith.addi %scan3A_201, %scan3A_202 : i32
    %scan3A_204 = arith.constant 1 : i32
    scf.for %scan3A_283 = %scan3A_201 to %scan3A_203 step %scan3A_204  : i32 {
      %mul3A_284 = arith.constant 4 : i32
      %mul3A_285 = arith.muli %scan3A_283, %mul3A_284 : i32
      %add3A = arith.constant 0 : i32
      %add3A_286 = arith.addi %mul3A_285, %add3A : i32
      %dma_wait3A = arith.constant 0 : i32
      %dma_wait3A_287 = arith.constant 0 : i32
      %dma_wait3A_288 = arith.constant 0 : i32
      %dma_wait3A_289 = arith.constant 0 : i32
      %dma_wait3A_290 = tpu.memref_slice %arg8[%dma_wait3A, %dma_wait3A_288, %dma_wait3A_289] : memref<4x128x64xf32, #tpu.memory_space<vmem>> -> memref<1x128x64xf32, #tpu.memory_space<vmem>>
      %dma_wait3A_291 = tpu.memref_squeeze %dma_wait3A_290 : memref<1x128x64xf32, #tpu.memory_space<vmem>> -> memref<128x64xf32, #tpu.memory_space<vmem>>
      %dma_wait3A_292 = arith.constant 0 : i32
      %dma_wait3A_293 = tpu.memref_slice %arg6[%add3A_286, %dma_wait3A_292] : memref<40x128xi32, #tpu.memory_space<vmem>> -> memref<1x128xi32, #tpu.memory_space<vmem>>
      %dma_wait3A_294 = tpu.memref_squeeze %dma_wait3A_293 : memref<1x128xi32, #tpu.memory_space<vmem>> -> memref<128xi32, #tpu.memory_space<vmem>>
      %dma_wait3A_295 = arith.constant 0 : i32
      %dma_wait3A_296 = arith.constant 0 : i32
      %dma_wait3A_297 = tpu.memref_slice %arg10[%dma_wait3A_295, %dma_wait3A_296] : memref<10000x64xf32, #tpu.memory_space<vmem_shared>> -> memref<10000x64xf32, #tpu.memory_space<vmem_shared>>
      %dma_wait3A_298 = tpu.memref_slice %arg11[%dma_wait3A_287] : memref<4x!tpu.dma_semaphore, #tpu.memory_space<semaphore_mem>> -> memref<1x!tpu.dma_semaphore, #tpu.memory_space<semaphore_mem>>
      %dma_wait3A_299 = tpu.memref_squeeze %dma_wait3A_298 : memref<1x!tpu.dma_semaphore, #tpu.memory_space<semaphore_mem>> -> memref<!tpu.dma_semaphore, #tpu.memory_space<semaphore_mem>>
      tpu.wait_indirect_dma semaphore(%dma_wait3A_299 : memref<!tpu.dma_semaphore, #tpu.memory_space<semaphore_mem>>) src(%dma_wait3A_297 : memref<10000x64xf32, #tpu.memory_space<vmem_shared>>) dst(%dma_wait3A_291 : memref<128x64xf32, #tpu.memory_space<vmem>>)
      %add3A_300 = arith.constant 0 : i32
      %add3A_301 = arith.addi %mul3A_285, %add3A_300 : i32
      %dma_start3A_302 = arith.constant 0 : i32
      %dma_start3A_303 = arith.constant 0 : i32
      %dma_start3A_304 = arith.constant 0 : i32
      %dma_start3A_305 = arith.constant 0 : i32
      %dma_start3A_306 = tpu.memref_slice %arg8[%dma_start3A_302, %dma_start3A_304, %dma_start3A_305] : memref<4x128x64xf32, #tpu.memory_space<vmem>> -> memref<1x128x64xf32, #tpu.memory_space<vmem>>
      %dma_start3A_307 = tpu.memref_squeeze %dma_start3A_306 : memref<1x128x64xf32, #tpu.memory_space<vmem>> -> memref<128x64xf32, #tpu.memory_space<vmem>>
      %dma_start3A_308 = arith.constant 0 : i32
      %dma_start3A_309 = tpu.memref_slice %arg7[%add3A_301, %dma_start3A_308] : memref<40x128xi32, #tpu.memory_space<vmem>> -> memref<1x128xi32, #tpu.memory_space<vmem>>
      %dma_start3A_310 = tpu.memref_squeeze %dma_start3A_309 : memref<1x128xi32, #tpu.memory_space<vmem>> -> memref<128xi32, #tpu.memory_space<vmem>>
      %dma_start3A_311 = arith.constant 0 : i32
      %dma_start3A_312 = arith.constant 0 : i32
      %dma_start3A_313 = tpu.memref_slice %arg9[%dma_start3A_311, %dma_start3A_312] : memref<10240x64xf32, #tpu.memory_space<vmem_shared>> -> memref<10240x64xf32, #tpu.memory_space<vmem_shared>>
      %dma_start3A_314 = tpu.memref_slice %arg12[%dma_start3A_303] : memref<4x!tpu.dma_semaphore, #tpu.memory_space<semaphore_mem>> -> memref<1x!tpu.dma_semaphore, #tpu.memory_space<semaphore_mem>>
      %dma_start3A_315 = tpu.memref_squeeze %dma_start3A_314 : memref<1x!tpu.dma_semaphore, #tpu.memory_space<semaphore_mem>> -> memref<!tpu.dma_semaphore, #tpu.memory_space<semaphore_mem>>
      tpu.enqueue_indirect_dma source(%dma_start3A_307 : memref<128x64xf32, #tpu.memory_space<vmem>>) target(%dma_start3A_313 : memref<10240x64xf32, #tpu.memory_space<vmem_shared>>) offsets(%dma_start3A_310 : memref<128xi32, #tpu.memory_space<vmem>>) semaphore(%dma_start3A_315 : memref<!tpu.dma_semaphore, #tpu.memory_space<semaphore_mem>>) {add = true}
      %add3A_316 = arith.constant 1 : i32
      %add3A_317 = arith.addi %mul3A_285, %add3A_316 : i32
      %dma_wait3A_318 = arith.constant 1 : i32
      %dma_wait3A_319 = arith.constant 1 : i32
      %dma_wait3A_320 = arith.constant 0 : i32
      %dma_wait3A_321 = arith.constant 0 : i32
      %dma_wait3A_322 = tpu.memref_slice %arg8[%dma_wait3A_318, %dma_wait3A_320, %dma_wait3A_321] : memref<4x128x64xf32, #tpu.memory_space<vmem>> -> memref<1x128x64xf32, #tpu.memory_space<vmem>>
      %dma_wait3A_323 = tpu.memref_squeeze %dma_wait3A_322 : memref<1x128x64xf32, #tpu.memory_space<vmem>> -> memref<128x64xf32, #tpu.memory_space<vmem>>
      %dma_wait3A_324 = arith.constant 0 : i32
      %dma_wait3A_325 = tpu.memref_slice %arg6[%add3A_317, %dma_wait3A_324] : memref<40x128xi32, #tpu.memory_space<vmem>> -> memref<1x128xi32, #tpu.memory_space<vmem>>
      %dma_wait3A_326 = tpu.memref_squeeze %dma_wait3A_325 : memref<1x128xi32, #tpu.memory_space<vmem>> -> memref<128xi32, #tpu.memory_space<vmem>>
      %dma_wait3A_327 = arith.constant 0 : i32
      %dma_wait3A_328 = arith.constant 0 : i32
      %dma_wait3A_329 = tpu.memref_slice %arg10[%dma_wait3A_327, %dma_wait3A_328] : memref<10000x64xf32, #tpu.memory_space<vmem_shared>> -> memref<10000x64xf32, #tpu.memory_space<vmem_shared>>
      %dma_wait3A_330 = tpu.memref_slice %arg11[%dma_wait3A_319] : memref<4x!tpu.dma_semaphore, #tpu.memory_space<semaphore_mem>> -> memref<1x!tpu.dma_semaphore, #tpu.memory_space<semaphore_mem>>
      %dma_wait3A_331 = tpu.memref_squeeze %dma_wait3A_330 : memref<1x!tpu.dma_semaphore, #tpu.memory_space<semaphore_mem>> -> memref<!tpu.dma_semaphore, #tpu.memory_space<semaphore_mem>>
      tpu.wait_indirect_dma semaphore(%dma_wait3A_331 : memref<!tpu.dma_semaphore, #tpu.memory_space<semaphore_mem>>) src(%dma_wait3A_329 : memref<10000x64xf32, #tpu.memory_space<vmem_shared>>) dst(%dma_wait3A_323 : memref<128x64xf32, #tpu.memory_space<vmem>>)
      %add3A_332 = arith.constant 1 : i32
      %add3A_333 = arith.addi %mul3A_285, %add3A_332 : i32
      %dma_start3A_334 = arith.constant 1 : i32
      %dma_start3A_335 = arith.constant 1 : i32
      %dma_start3A_336 = arith.constant 0 : i32
      %dma_start3A_337 = arith.constant 0 : i32
      %dma_start3A_338 = tpu.memref_slice %arg8[%dma_start3A_334, %dma_start3A_336, %dma_start3A_337] : memref<4x128x64xf32, #tpu.memory_space<vmem>> -> memref<1x128x64xf32, #tpu.memory_space<vmem>>
      %dma_start3A_339 = tpu.memref_squeeze %dma_start3A_338 : memref<1x128x64xf32, #tpu.memory_space<vmem>> -> memref<128x64xf32, #tpu.memory_space<vmem>>
      %dma_start3A_340 = arith.constant 0 : i32
      %dma_start3A_341 = tpu.memref_slice %arg7[%add3A_333, %dma_start3A_340] : memref<40x128xi32, #tpu.memory_space<vmem>> -> memref<1x128xi32, #tpu.memory_space<vmem>>
      %dma_start3A_342 = tpu.memref_squeeze %dma_start3A_341 : memref<1x128xi32, #tpu.memory_space<vmem>> -> memref<128xi32, #tpu.memory_space<vmem>>
      %dma_start3A_343 = arith.constant 0 : i32
      %dma_start3A_344 = arith.constant 0 : i32
      %dma_start3A_345 = tpu.memref_slice %arg9[%dma_start3A_343, %dma_start3A_344] : memref<10240x64xf32, #tpu.memory_space<vmem_shared>> -> memref<10240x64xf32, #tpu.memory_space<vmem_shared>>
      %dma_start3A_346 = tpu.memref_slice %arg12[%dma_start3A_335] : memref<4x!tpu.dma_semaphore, #tpu.memory_space<semaphore_mem>> -> memref<1x!tpu.dma_semaphore, #tpu.memory_space<semaphore_mem>>
      %dma_start3A_347 = tpu.memref_squeeze %dma_start3A_346 : memref<1x!tpu.dma_semaphore, #tpu.memory_space<semaphore_mem>> -> memref<!tpu.dma_semaphore, #tpu.memory_space<semaphore_mem>>
      tpu.enqueue_indirect_dma source(%dma_start3A_339 : memref<128x64xf32, #tpu.memory_space<vmem>>) target(%dma_start3A_345 : memref<10240x64xf32, #tpu.memory_space<vmem_shared>>) offsets(%dma_start3A_342 : memref<128xi32, #tpu.memory_space<vmem>>) semaphore(%dma_start3A_347 : memref<!tpu.dma_semaphore, #tpu.memory_space<semaphore_mem>>) {add = true}
      %add3A_348 = arith.constant 2 : i32
      %add3A_349 = arith.addi %mul3A_285, %add3A_348 : i32
      %dma_wait3A_350 = arith.constant 2 : i32
      %dma_wait3A_351 = arith.constant 2 : i32
      %dma_wait3A_352 = arith.constant 0 : i32
      %dma_wait3A_353 = arith.constant 0 : i32
      %dma_wait3A_354 = tpu.memref_slice %arg8[%dma_wait3A_350, %dma_wait3A_352, %dma_wait3A_353] : memref<4x128x64xf32, #tpu.memory_space<vmem>> -> memref<1x128x64xf32, #tpu.memory_space<vmem>>
      %dma_wait3A_355 = tpu.memref_squeeze %dma_wait3A_354 : memref<1x128x64xf32, #tpu.memory_space<vmem>> -> memref<128x64xf32, #tpu.memory_space<vmem>>
      %dma_wait3A_356 = arith.constant 0 : i32
      %dma_wait3A_357 = tpu.memref_slice %arg6[%add3A_349, %dma_wait3A_356] : memref<40x128xi32, #tpu.memory_space<vmem>> -> memref<1x128xi32, #tpu.memory_space<vmem>>
      %dma_wait3A_358 = tpu.memref_squeeze %dma_wait3A_357 : memref<1x128xi32, #tpu.memory_space<vmem>> -> memref<128xi32, #tpu.memory_space<vmem>>
      %dma_wait3A_359 = arith.constant 0 : i32
      %dma_wait3A_360 = arith.constant 0 : i32
      %dma_wait3A_361 = tpu.memref_slice %arg10[%dma_wait3A_359, %dma_wait3A_360] : memref<10000x64xf32, #tpu.memory_space<vmem_shared>> -> memref<10000x64xf32, #tpu.memory_space<vmem_shared>>
      %dma_wait3A_362 = tpu.memref_slice %arg11[%dma_wait3A_351] : memref<4x!tpu.dma_semaphore, #tpu.memory_space<semaphore_mem>> -> memref<1x!tpu.dma_semaphore, #tpu.memory_space<semaphore_mem>>
      %dma_wait3A_363 = tpu.memref_squeeze %dma_wait3A_362 : memref<1x!tpu.dma_semaphore, #tpu.memory_space<semaphore_mem>> -> memref<!tpu.dma_semaphore, #tpu.memory_space<semaphore_mem>>
      tpu.wait_indirect_dma semaphore(%dma_wait3A_363 : memref<!tpu.dma_semaphore, #tpu.memory_space<semaphore_mem>>) src(%dma_wait3A_361 : memref<10000x64xf32, #tpu.memory_space<vmem_shared>>) dst(%dma_wait3A_355 : memref<128x64xf32, #tpu.memory_space<vmem>>)
      %add3A_364 = arith.constant 2 : i32
      %add3A_365 = arith.addi %mul3A_285, %add3A_364 : i32
      %dma_start3A_366 = arith.constant 2 : i32
      %dma_start3A_367 = arith.constant 2 : i32
      %dma_start3A_368 = arith.constant 0 : i32
      %dma_start3A_369 = arith.constant 0 : i32
      %dma_start3A_370 = tpu.memref_slice %arg8[%dma_start3A_366, %dma_start3A_368, %dma_start3A_369] : memref<4x128x64xf32, #tpu.memory_space<vmem>> -> memref<1x128x64xf32, #tpu.memory_space<vmem>>
      %dma_start3A_371 = tpu.memref_squeeze %dma_start3A_370 : memref<1x128x64xf32, #tpu.memory_space<vmem>> -> memref<128x64xf32, #tpu.memory_space<vmem>>
      %dma_start3A_372 = arith.constant 0 : i32
      %dma_start3A_373 = tpu.memref_slice %arg7[%add3A_365, %dma_start3A_372] : memref<40x128xi32, #tpu.memory_space<vmem>> -> memref<1x128xi32, #tpu.memory_space<vmem>>
      %dma_start3A_374 = tpu.memref_squeeze %dma_start3A_373 : memref<1x128xi32, #tpu.memory_space<vmem>> -> memref<128xi32, #tpu.memory_space<vmem>>
      %dma_start3A_375 = arith.constant 0 : i32
      %dma_start3A_376 = arith.constant 0 : i32
      %dma_start3A_377 = tpu.memref_slice %arg9[%dma_start3A_375, %dma_start3A_376] : memref<10240x64xf32, #tpu.memory_space<vmem_shared>> -> memref<10240x64xf32, #tpu.memory_space<vmem_shared>>
      %dma_start3A_378 = tpu.memref_slice %arg12[%dma_start3A_367] : memref<4x!tpu.dma_semaphore, #tpu.memory_space<semaphore_mem>> -> memref<1x!tpu.dma_semaphore, #tpu.memory_space<semaphore_mem>>
      %dma_start3A_379 = tpu.memref_squeeze %dma_start3A_378 : memref<1x!tpu.dma_semaphore, #tpu.memory_space<semaphore_mem>> -> memref<!tpu.dma_semaphore, #tpu.memory_space<semaphore_mem>>
      tpu.enqueue_indirect_dma source(%dma_start3A_371 : memref<128x64xf32, #tpu.memory_space<vmem>>) target(%dma_start3A_377 : memref<10240x64xf32, #tpu.memory_space<vmem_shared>>) offsets(%dma_start3A_374 : memref<128xi32, #tpu.memory_space<vmem>>) semaphore(%dma_start3A_379 : memref<!tpu.dma_semaphore, #tpu.memory_space<semaphore_mem>>) {add = true}
      %add3A_380 = arith.constant 3 : i32
      %add3A_381 = arith.addi %mul3A_285, %add3A_380 : i32
      %dma_wait3A_382 = arith.constant 3 : i32
      %dma_wait3A_383 = arith.constant 3 : i32
      %dma_wait3A_384 = arith.constant 0 : i32
      %dma_wait3A_385 = arith.constant 0 : i32
      %dma_wait3A_386 = tpu.memref_slice %arg8[%dma_wait3A_382, %dma_wait3A_384, %dma_wait3A_385] : memref<4x128x64xf32, #tpu.memory_space<vmem>> -> memref<1x128x64xf32, #tpu.memory_space<vmem>>
      %dma_wait3A_387 = tpu.memref_squeeze %dma_wait3A_386 : memref<1x128x64xf32, #tpu.memory_space<vmem>> -> memref<128x64xf32, #tpu.memory_space<vmem>>
      %dma_wait3A_388 = arith.constant 0 : i32
      %dma_wait3A_389 = tpu.memref_slice %arg6[%add3A_381, %dma_wait3A_388] : memref<40x128xi32, #tpu.memory_space<vmem>> -> memref<1x128xi32, #tpu.memory_space<vmem>>
      %dma_wait3A_390 = tpu.memref_squeeze %dma_wait3A_389 : memref<1x128xi32, #tpu.memory_space<vmem>> -> memref<128xi32, #tpu.memory_space<vmem>>
      %dma_wait3A_391 = arith.constant 0 : i32
      %dma_wait3A_392 = arith.constant 0 : i32
      %dma_wait3A_393 = tpu.memref_slice %arg10[%dma_wait3A_391, %dma_wait3A_392] : memref<10000x64xf32, #tpu.memory_space<vmem_shared>> -> memref<10000x64xf32, #tpu.memory_space<vmem_shared>>
      %dma_wait3A_394 = tpu.memref_slice %arg11[%dma_wait3A_383] : memref<4x!tpu.dma_semaphore, #tpu.memory_space<semaphore_mem>> -> memref<1x!tpu.dma_semaphore, #tpu.memory_space<semaphore_mem>>
      %dma_wait3A_395 = tpu.memref_squeeze %dma_wait3A_394 : memref<1x!tpu.dma_semaphore, #tpu.memory_space<semaphore_mem>> -> memref<!tpu.dma_semaphore, #tpu.memory_space<semaphore_mem>>
      tpu.wait_indirect_dma semaphore(%dma_wait3A_395 : memref<!tpu.dma_semaphore, #tpu.memory_space<semaphore_mem>>) src(%dma_wait3A_393 : memref<10000x64xf32, #tpu.memory_space<vmem_shared>>) dst(%dma_wait3A_387 : memref<128x64xf32, #tpu.memory_space<vmem>>)
      %add3A_396 = arith.constant 3 : i32
      %add3A_397 = arith.addi %mul3A_285, %add3A_396 : i32
      %dma_start3A_398 = arith.constant 3 : i32
      %dma_start3A_399 = arith.constant 3 : i32
      %dma_start3A_400 = arith.constant 0 : i32
      %dma_start3A_401 = arith.constant 0 : i32
      %dma_start3A_402 = tpu.memref_slice %arg8[%dma_start3A_398, %dma_start3A_400, %dma_start3A_401] : memref<4x128x64xf32, #tpu.memory_space<vmem>> -> memref<1x128x64xf32, #tpu.memory_space<vmem>>
      %dma_start3A_403 = tpu.memref_squeeze %dma_start3A_402 : memref<1x128x64xf32, #tpu.memory_space<vmem>> -> memref<128x64xf32, #tpu.memory_space<vmem>>
      %dma_start3A_404 = arith.constant 0 : i32
      %dma_start3A_405 = tpu.memref_slice %arg7[%add3A_397, %dma_start3A_404] : memref<40x128xi32, #tpu.memory_space<vmem>> -> memref<1x128xi32, #tpu.memory_space<vmem>>
      %dma_start3A_406 = tpu.memref_squeeze %dma_start3A_405 : memref<1x128xi32, #tpu.memory_space<vmem>> -> memref<128xi32, #tpu.memory_space<vmem>>
      %dma_start3A_407 = arith.constant 0 : i32
      %dma_start3A_408 = arith.constant 0 : i32
      %dma_start3A_409 = tpu.memref_slice %arg9[%dma_start3A_407, %dma_start3A_408] : memref<10240x64xf32, #tpu.memory_space<vmem_shared>> -> memref<10240x64xf32, #tpu.memory_space<vmem_shared>>
      %dma_start3A_410 = tpu.memref_slice %arg12[%dma_start3A_399] : memref<4x!tpu.dma_semaphore, #tpu.memory_space<semaphore_mem>> -> memref<1x!tpu.dma_semaphore, #tpu.memory_space<semaphore_mem>>
      %dma_start3A_411 = tpu.memref_squeeze %dma_start3A_410 : memref<1x!tpu.dma_semaphore, #tpu.memory_space<semaphore_mem>> -> memref<!tpu.dma_semaphore, #tpu.memory_space<semaphore_mem>>
      tpu.enqueue_indirect_dma source(%dma_start3A_403 : memref<128x64xf32, #tpu.memory_space<vmem>>) target(%dma_start3A_409 : memref<10240x64xf32, #tpu.memory_space<vmem_shared>>) offsets(%dma_start3A_406 : memref<128xi32, #tpu.memory_space<vmem>>) semaphore(%dma_start3A_411 : memref<!tpu.dma_semaphore, #tpu.memory_space<semaphore_mem>>) {add = true}
      %add3A_412 = arith.constant 0 : i32
      %add3A_413 = arith.addi %mul3A_285, %add3A_412 : i32
      %dma_wait3A_414 = arith.constant 0 : i32
      %dma_wait3A_415 = arith.constant 0 : i32
      %dma_wait3A_416 = arith.constant 0 : i32
      %dma_wait3A_417 = arith.constant 0 : i32
      %dma_wait3A_418 = tpu.memref_slice %arg8[%dma_wait3A_414, %dma_wait3A_416, %dma_wait3A_417] : memref<4x128x64xf32, #tpu.memory_space<vmem>> -> memref<1x128x64xf32, #tpu.memory_space<vmem>>
      %dma_wait3A_419 = tpu.memref_squeeze %dma_wait3A_418 : memref<1x128x64xf32, #tpu.memory_space<vmem>> -> memref<128x64xf32, #tpu.memory_space<vmem>>
      %dma_wait3A_420 = arith.constant 0 : i32
      %dma_wait3A_421 = tpu.memref_slice %arg7[%add3A_413, %dma_wait3A_420] : memref<40x128xi32, #tpu.memory_space<vmem>> -> memref<1x128xi32, #tpu.memory_space<vmem>>
      %dma_wait3A_422 = tpu.memref_squeeze %dma_wait3A_421 : memref<1x128xi32, #tpu.memory_space<vmem>> -> memref<128xi32, #tpu.memory_space<vmem>>
      %dma_wait3A_423 = arith.constant 0 : i32
      %dma_wait3A_424 = arith.constant 0 : i32
      %dma_wait3A_425 = tpu.memref_slice %arg9[%dma_wait3A_423, %dma_wait3A_424] : memref<10240x64xf32, #tpu.memory_space<vmem_shared>> -> memref<10240x64xf32, #tpu.memory_space<vmem_shared>>
      %dma_wait3A_426 = tpu.memref_slice %arg12[%dma_wait3A_415] : memref<4x!tpu.dma_semaphore, #tpu.memory_space<semaphore_mem>> -> memref<1x!tpu.dma_semaphore, #tpu.memory_space<semaphore_mem>>
      %dma_wait3A_427 = tpu.memref_squeeze %dma_wait3A_426 : memref<1x!tpu.dma_semaphore, #tpu.memory_space<semaphore_mem>> -> memref<!tpu.dma_semaphore, #tpu.memory_space<semaphore_mem>>
      tpu.wait_indirect_dma semaphore(%dma_wait3A_427 : memref<!tpu.dma_semaphore, #tpu.memory_space<semaphore_mem>>) src(%dma_wait3A_419 : memref<128x64xf32, #tpu.memory_space<vmem>>) dst(%dma_wait3A_425 : memref<10240x64xf32, #tpu.memory_space<vmem_shared>>)
      %add3A_428 = arith.constant 0 : i32
      %add3A_429 = arith.addi %mul3A_285, %add3A_428 : i32
      %add3A_430 = arith.constant 4 : i32
      %add3A_431 = arith.addi %add3A_429, %add3A_430 : i32
      %lt3A_432 = arith.constant 40 : i32
      %lt3A_433 = arith.cmpi slt, %add3A_431, %lt3A_432 : i32
      %convert_element_type3A_434 = arith.extui %lt3A_433 : i1 to i32
      %cond3A_435 = arith.constant 0 : i32
      %cond3A_436 = arith.cmpi ne, %convert_element_type3A_434, %cond3A_435 : i32
      scf.if %cond3A_436 {
        %add3A_512 = arith.constant 0 : i32
        %add3A_513 = arith.addi %mul3A_285, %add3A_512 : i32
        %add3A_514 = arith.constant 4 : i32
        %add3A_515 = arith.addi %add3A_513, %add3A_514 : i32
        %dma_start3A_516 = arith.constant 0 : i32
        %dma_start3A_517 = arith.constant 0 : i32
        %dma_start3A_518 = arith.constant 0 : i32
        %dma_start3A_519 = arith.constant 0 : i32
        %dma_start3A_520 = tpu.memref_slice %arg8[%dma_start3A_516, %dma_start3A_518, %dma_start3A_519] : memref<4x128x64xf32, #tpu.memory_space<vmem>> -> memref<1x128x64xf32, #tpu.memory_space<vmem>>
        %dma_start3A_521 = tpu.memref_squeeze %dma_start3A_520 : memref<1x128x64xf32, #tpu.memory_space<vmem>> -> memref<128x64xf32, #tpu.memory_space<vmem>>
        %dma_start3A_522 = arith.constant 0 : i32
        %dma_start3A_523 = tpu.memref_slice %arg6[%add3A_515, %dma_start3A_522] : memref<40x128xi32, #tpu.memory_space<vmem>> -> memref<1x128xi32, #tpu.memory_space<vmem>>
        %dma_start3A_524 = tpu.memref_squeeze %dma_start3A_523 : memref<1x128xi32, #tpu.memory_space<vmem>> -> memref<128xi32, #tpu.memory_space<vmem>>
        %dma_start3A_525 = arith.constant 0 : i32
        %dma_start3A_526 = arith.constant 0 : i32
        %dma_start3A_527 = tpu.memref_slice %arg10[%dma_start3A_525, %dma_start3A_526] : memref<10000x64xf32, #tpu.memory_space<vmem_shared>> -> memref<10000x64xf32, #tpu.memory_space<vmem_shared>>
        %dma_start3A_528 = tpu.memref_slice %arg11[%dma_start3A_517] : memref<4x!tpu.dma_semaphore, #tpu.memory_space<semaphore_mem>> -> memref<1x!tpu.dma_semaphore, #tpu.memory_space<semaphore_mem>>
        %dma_start3A_529 = tpu.memref_squeeze %dma_start3A_528 : memref<1x!tpu.dma_semaphore, #tpu.memory_space<semaphore_mem>> -> memref<!tpu.dma_semaphore, #tpu.memory_space<semaphore_mem>>
        tpu.enqueue_indirect_dma source(%dma_start3A_527 : memref<10000x64xf32, #tpu.memory_space<vmem_shared>>) target(%dma_start3A_521 : memref<128x64xf32, #tpu.memory_space<vmem>>) offsets(%dma_start3A_524 : memref<128xi32, #tpu.memory_space<vmem>>) semaphore(%dma_start3A_529 : memref<!tpu.dma_semaphore, #tpu.memory_space<semaphore_mem>>)
      } else {
      }
      %add3A_437 = arith.constant 1 : i32
      %add3A_438 = arith.addi %mul3A_285, %add3A_437 : i32
      %dma_wait3A_439 = arith.constant 1 : i32
      %dma_wait3A_440 = arith.constant 1 : i32
      %dma_wait3A_441 = arith.constant 0 : i32
      %dma_wait3A_442 = arith.constant 0 : i32
      %dma_wait3A_443 = tpu.memref_slice %arg8[%dma_wait3A_439, %dma_wait3A_441, %dma_wait3A_442] : memref<4x128x64xf32, #tpu.memory_space<vmem>> -> memref<1x128x64xf32, #tpu.memory_space<vmem>>
      %dma_wait3A_444 = tpu.memref_squeeze %dma_wait3A_443 : memref<1x128x64xf32, #tpu.memory_space<vmem>> -> memref<128x64xf32, #tpu.memory_space<vmem>>
      %dma_wait3A_445 = arith.constant 0 : i32
      %dma_wait3A_446 = tpu.memref_slice %arg7[%add3A_438, %dma_wait3A_445] : memref<40x128xi32, #tpu.memory_space<vmem>> -> memref<1x128xi32, #tpu.memory_space<vmem>>
      %dma_wait3A_447 = tpu.memref_squeeze %dma_wait3A_446 : memref<1x128xi32, #tpu.memory_space<vmem>> -> memref<128xi32, #tpu.memory_space<vmem>>
      %dma_wait3A_448 = arith.constant 0 : i32
      %dma_wait3A_449 = arith.constant 0 : i32
      %dma_wait3A_450 = tpu.memref_slice %arg9[%dma_wait3A_448, %dma_wait3A_449] : memref<10240x64xf32, #tpu.memory_space<vmem_shared>> -> memref<10240x64xf32, #tpu.memory_space<vmem_shared>>
      %dma_wait3A_451 = tpu.memref_slice %arg12[%dma_wait3A_440] : memref<4x!tpu.dma_semaphore, #tpu.memory_space<semaphore_mem>> -> memref<1x!tpu.dma_semaphore, #tpu.memory_space<semaphore_mem>>
      %dma_wait3A_452 = tpu.memref_squeeze %dma_wait3A_451 : memref<1x!tpu.dma_semaphore, #tpu.memory_space<semaphore_mem>> -> memref<!tpu.dma_semaphore, #tpu.memory_space<semaphore_mem>>
      tpu.wait_indirect_dma semaphore(%dma_wait3A_452 : memref<!tpu.dma_semaphore, #tpu.memory_space<semaphore_mem>>) src(%dma_wait3A_444 : memref<128x64xf32, #tpu.memory_space<vmem>>) dst(%dma_wait3A_450 : memref<10240x64xf32, #tpu.memory_space<vmem_shared>>)
      %add3A_453 = arith.constant 1 : i32
      %add3A_454 = arith.addi %mul3A_285, %add3A_453 : i32
      %add3A_455 = arith.constant 4 : i32
      %add3A_456 = arith.addi %add3A_454, %add3A_455 : i32
      %lt3A_457 = arith.constant 40 : i32
      %lt3A_458 = arith.cmpi slt, %add3A_456, %lt3A_457 : i32
      %convert_element_type3A_459 = arith.extui %lt3A_458 : i1 to i32
      %cond3A_460 = arith.constant 0 : i32
      %cond3A_461 = arith.cmpi ne, %convert_element_type3A_459, %cond3A_460 : i32
      scf.if %cond3A_461 {
        %add3A_512 = arith.constant 1 : i32
        %add3A_513 = arith.addi %mul3A_285, %add3A_512 : i32
        %add3A_514 = arith.constant 4 : i32
        %add3A_515 = arith.addi %add3A_513, %add3A_514 : i32
        %dma_start3A_516 = arith.constant 1 : i32
        %dma_start3A_517 = arith.constant 1 : i32
        %dma_start3A_518 = arith.constant 0 : i32
        %dma_start3A_519 = arith.constant 0 : i32
        %dma_start3A_520 = tpu.memref_slice %arg8[%dma_start3A_516, %dma_start3A_518, %dma_start3A_519] : memref<4x128x64xf32, #tpu.memory_space<vmem>> -> memref<1x128x64xf32, #tpu.memory_space<vmem>>
        %dma_start3A_521 = tpu.memref_squeeze %dma_start3A_520 : memref<1x128x64xf32, #tpu.memory_space<vmem>> -> memref<128x64xf32, #tpu.memory_space<vmem>>
        %dma_start3A_522 = arith.constant 0 : i32
        %dma_start3A_523 = tpu.memref_slice %arg6[%add3A_515, %dma_start3A_522] : memref<40x128xi32, #tpu.memory_space<vmem>> -> memref<1x128xi32, #tpu.memory_space<vmem>>
        %dma_start3A_524 = tpu.memref_squeeze %dma_start3A_523 : memref<1x128xi32, #tpu.memory_space<vmem>> -> memref<128xi32, #tpu.memory_space<vmem>>
        %dma_start3A_525 = arith.constant 0 : i32
        %dma_start3A_526 = arith.constant 0 : i32
        %dma_start3A_527 = tpu.memref_slice %arg10[%dma_start3A_525, %dma_start3A_526] : memref<10000x64xf32, #tpu.memory_space<vmem_shared>> -> memref<10000x64xf32, #tpu.memory_space<vmem_shared>>
        %dma_start3A_528 = tpu.memref_slice %arg11[%dma_start3A_517] : memref<4x!tpu.dma_semaphore, #tpu.memory_space<semaphore_mem>> -> memref<1x!tpu.dma_semaphore, #tpu.memory_space<semaphore_mem>>
        %dma_start3A_529 = tpu.memref_squeeze %dma_start3A_528 : memref<1x!tpu.dma_semaphore, #tpu.memory_space<semaphore_mem>> -> memref<!tpu.dma_semaphore, #tpu.memory_space<semaphore_mem>>
        tpu.enqueue_indirect_dma source(%dma_start3A_527 : memref<10000x64xf32, #tpu.memory_space<vmem_shared>>) target(%dma_start3A_521 : memref<128x64xf32, #tpu.memory_space<vmem>>) offsets(%dma_start3A_524 : memref<128xi32, #tpu.memory_space<vmem>>) semaphore(%dma_start3A_529 : memref<!tpu.dma_semaphore, #tpu.memory_space<semaphore_mem>>)
      } else {
      }
      %add3A_462 = arith.constant 2 : i32
      %add3A_463 = arith.addi %mul3A_285, %add3A_462 : i32
      %dma_wait3A_464 = arith.constant 2 : i32
      %dma_wait3A_465 = arith.constant 2 : i32
      %dma_wait3A_466 = arith.constant 0 : i32
      %dma_wait3A_467 = arith.constant 0 : i32
      %dma_wait3A_468 = tpu.memref_slice %arg8[%dma_wait3A_464, %dma_wait3A_466, %dma_wait3A_467] : memref<4x128x64xf32, #tpu.memory_space<vmem>> -> memref<1x128x64xf32, #tpu.memory_space<vmem>>
      %dma_wait3A_469 = tpu.memref_squeeze %dma_wait3A_468 : memref<1x128x64xf32, #tpu.memory_space<vmem>> -> memref<128x64xf32, #tpu.memory_space<vmem>>
      %dma_wait3A_470 = arith.constant 0 : i32
      %dma_wait3A_471 = tpu.memref_slice %arg7[%add3A_463, %dma_wait3A_470] : memref<40x128xi32, #tpu.memory_space<vmem>> -> memref<1x128xi32, #tpu.memory_space<vmem>>
      %dma_wait3A_472 = tpu.memref_squeeze %dma_wait3A_471 : memref<1x128xi32, #tpu.memory_space<vmem>> -> memref<128xi32, #tpu.memory_space<vmem>>
      %dma_wait3A_473 = arith.constant 0 : i32
      %dma_wait3A_474 = arith.constant 0 : i32
      %dma_wait3A_475 = tpu.memref_slice %arg9[%dma_wait3A_473, %dma_wait3A_474] : memref<10240x64xf32, #tpu.memory_space<vmem_shared>> -> memref<10240x64xf32, #tpu.memory_space<vmem_shared>>
      %dma_wait3A_476 = tpu.memref_slice %arg12[%dma_wait3A_465] : memref<4x!tpu.dma_semaphore, #tpu.memory_space<semaphore_mem>> -> memref<1x!tpu.dma_semaphore, #tpu.memory_space<semaphore_mem>>
      %dma_wait3A_477 = tpu.memref_squeeze %dma_wait3A_476 : memref<1x!tpu.dma_semaphore, #tpu.memory_space<semaphore_mem>> -> memref<!tpu.dma_semaphore, #tpu.memory_space<semaphore_mem>>
      tpu.wait_indirect_dma semaphore(%dma_wait3A_477 : memref<!tpu.dma_semaphore, #tpu.memory_space<semaphore_mem>>) src(%dma_wait3A_469 : memref<128x64xf32, #tpu.memory_space<vmem>>) dst(%dma_wait3A_475 : memref<10240x64xf32, #tpu.memory_space<vmem_shared>>)
      %add3A_478 = arith.constant 2 : i32
      %add3A_479 = arith.addi %mul3A_285, %add3A_478 : i32
      %add3A_480 = arith.constant 4 : i32
      %add3A_481 = arith.addi %add3A_479, %add3A_480 : i32
      %lt3A_482 = arith.constant 40 : i32
      %lt3A_483 = arith.cmpi slt, %add3A_481, %lt3A_482 : i32
      %convert_element_type3A_484 = arith.extui %lt3A_483 : i1 to i32
      %cond3A_485 = arith.constant 0 : i32
      %cond3A_486 = arith.cmpi ne, %convert_element_type3A_484, %cond3A_485 : i32
      scf.if %cond3A_486 {
        %add3A_512 = arith.constant 2 : i32
        %add3A_513 = arith.addi %mul3A_285, %add3A_512 : i32
        %add3A_514 = arith.constant 4 : i32
        %add3A_515 = arith.addi %add3A_513, %add3A_514 : i32
        %dma_start3A_516 = arith.constant 2 : i32
        %dma_start3A_517 = arith.constant 2 : i32
        %dma_start3A_518 = arith.constant 0 : i32
        %dma_start3A_519 = arith.constant 0 : i32
        %dma_start3A_520 = tpu.memref_slice %arg8[%dma_start3A_516, %dma_start3A_518, %dma_start3A_519] : memref<4x128x64xf32, #tpu.memory_space<vmem>> -> memref<1x128x64xf32, #tpu.memory_space<vmem>>
        %dma_start3A_521 = tpu.memref_squeeze %dma_start3A_520 : memref<1x128x64xf32, #tpu.memory_space<vmem>> -> memref<128x64xf32, #tpu.memory_space<vmem>>
        %dma_start3A_522 = arith.constant 0 : i32
        %dma_start3A_523 = tpu.memref_slice %arg6[%add3A_515, %dma_start3A_522] : memref<40x128xi32, #tpu.memory_space<vmem>> -> memref<1x128xi32, #tpu.memory_space<vmem>>
        %dma_start3A_524 = tpu.memref_squeeze %dma_start3A_523 : memref<1x128xi32, #tpu.memory_space<vmem>> -> memref<128xi32, #tpu.memory_space<vmem>>
        %dma_start3A_525 = arith.constant 0 : i32
        %dma_start3A_526 = arith.constant 0 : i32
        %dma_start3A_527 = tpu.memref_slice %arg10[%dma_start3A_525, %dma_start3A_526] : memref<10000x64xf32, #tpu.memory_space<vmem_shared>> -> memref<10000x64xf32, #tpu.memory_space<vmem_shared>>
        %dma_start3A_528 = tpu.memref_slice %arg11[%dma_start3A_517] : memref<4x!tpu.dma_semaphore, #tpu.memory_space<semaphore_mem>> -> memref<1x!tpu.dma_semaphore, #tpu.memory_space<semaphore_mem>>
        %dma_start3A_529 = tpu.memref_squeeze %dma_start3A_528 : memref<1x!tpu.dma_semaphore, #tpu.memory_space<semaphore_mem>> -> memref<!tpu.dma_semaphore, #tpu.memory_space<semaphore_mem>>
        tpu.enqueue_indirect_dma source(%dma_start3A_527 : memref<10000x64xf32, #tpu.memory_space<vmem_shared>>) target(%dma_start3A_521 : memref<128x64xf32, #tpu.memory_space<vmem>>) offsets(%dma_start3A_524 : memref<128xi32, #tpu.memory_space<vmem>>) semaphore(%dma_start3A_529 : memref<!tpu.dma_semaphore, #tpu.memory_space<semaphore_mem>>)
      } else {
      }
      %add3A_487 = arith.constant 3 : i32
      %add3A_488 = arith.addi %mul3A_285, %add3A_487 : i32
      %dma_wait3A_489 = arith.constant 3 : i32
      %dma_wait3A_490 = arith.constant 3 : i32
      %dma_wait3A_491 = arith.constant 0 : i32
      %dma_wait3A_492 = arith.constant 0 : i32
      %dma_wait3A_493 = tpu.memref_slice %arg8[%dma_wait3A_489, %dma_wait3A_491, %dma_wait3A_492] : memref<4x128x64xf32, #tpu.memory_space<vmem>> -> memref<1x128x64xf32, #tpu.memory_space<vmem>>
      %dma_wait3A_494 = tpu.memref_squeeze %dma_wait3A_493 : memref<1x128x64xf32, #tpu.memory_space<vmem>> -> memref<128x64xf32, #tpu.memory_space<vmem>>
      %dma_wait3A_495 = arith.constant 0 : i32
      %dma_wait3A_496 = tpu.memref_slice %arg7[%add3A_488, %dma_wait3A_495] : memref<40x128xi32, #tpu.memory_space<vmem>> -> memref<1x128xi32, #tpu.memory_space<vmem>>
      %dma_wait3A_497 = tpu.memref_squeeze %dma_wait3A_496 : memref<1x128xi32, #tpu.memory_space<vmem>> -> memref<128xi32, #tpu.memory_space<vmem>>
      %dma_wait3A_498 = arith.constant 0 : i32
      %dma_wait3A_499 = arith.constant 0 : i32
      %dma_wait3A_500 = tpu.memref_slice %arg9[%dma_wait3A_498, %dma_wait3A_499] : memref<10240x64xf32, #tpu.memory_space<vmem_shared>> -> memref<10240x64xf32, #tpu.memory_space<vmem_shared>>
      %dma_wait3A_501 = tpu.memref_slice %arg12[%dma_wait3A_490] : memref<4x!tpu.dma_semaphore, #tpu.memory_space<semaphore_mem>> -> memref<1x!tpu.dma_semaphore, #tpu.memory_space<semaphore_mem>>
      %dma_wait3A_502 = tpu.memref_squeeze %dma_wait3A_501 : memref<1x!tpu.dma_semaphore, #tpu.memory_space<semaphore_mem>> -> memref<!tpu.dma_semaphore, #tpu.memory_space<semaphore_mem>>
      tpu.wait_indirect_dma semaphore(%dma_wait3A_502 : memref<!tpu.dma_semaphore, #tpu.memory_space<semaphore_mem>>) src(%dma_wait3A_494 : memref<128x64xf32, #tpu.memory_space<vmem>>) dst(%dma_wait3A_500 : memref<10240x64xf32, #tpu.memory_space<vmem_shared>>)
      %add3A_503 = arith.constant 3 : i32
      %add3A_504 = arith.addi %mul3A_285, %add3A_503 : i32
      %add3A_505 = arith.constant 4 : i32
      %add3A_506 = arith.addi %add3A_504, %add3A_505 : i32
      %lt3A_507 = arith.constant 40 : i32
      %lt3A_508 = arith.cmpi slt, %add3A_506, %lt3A_507 : i32
      %convert_element_type3A_509 = arith.extui %lt3A_508 : i1 to i32
      %cond3A_510 = arith.constant 0 : i32
      %cond3A_511 = arith.cmpi ne, %convert_element_type3A_509, %cond3A_510 : i32
      scf.if %cond3A_511 {
        %add3A_512 = arith.constant 3 : i32
        %add3A_513 = arith.addi %mul3A_285, %add3A_512 : i32
        %add3A_514 = arith.constant 4 : i32
        %add3A_515 = arith.addi %add3A_513, %add3A_514 : i32
        %dma_start3A_516 = arith.constant 3 : i32
        %dma_start3A_517 = arith.constant 3 : i32
        %dma_start3A_518 = arith.constant 0 : i32
        %dma_start3A_519 = arith.constant 0 : i32
        %dma_start3A_520 = tpu.memref_slice %arg8[%dma_start3A_516, %dma_start3A_518, %dma_start3A_519] : memref<4x128x64xf32, #tpu.memory_space<vmem>> -> memref<1x128x64xf32, #tpu.memory_space<vmem>>
        %dma_start3A_521 = tpu.memref_squeeze %dma_start3A_520 : memref<1x128x64xf32, #tpu.memory_space<vmem>> -> memref<128x64xf32, #tpu.memory_space<vmem>>
        %dma_start3A_522 = arith.constant 0 : i32
        %dma_start3A_523 = tpu.memref_slice %arg6[%add3A_515, %dma_start3A_522] : memref<40x128xi32, #tpu.memory_space<vmem>> -> memref<1x128xi32, #tpu.memory_space<vmem>>
        %dma_start3A_524 = tpu.memref_squeeze %dma_start3A_523 : memref<1x128xi32, #tpu.memory_space<vmem>> -> memref<128xi32, #tpu.memory_space<vmem>>
        %dma_start3A_525 = arith.constant 0 : i32
        %dma_start3A_526 = arith.constant 0 : i32
        %dma_start3A_527 = tpu.memref_slice %arg10[%dma_start3A_525, %dma_start3A_526] : memref<10000x64xf32, #tpu.memory_space<vmem_shared>> -> memref<10000x64xf32, #tpu.memory_space<vmem_shared>>
        %dma_start3A_528 = tpu.memref_slice %arg11[%dma_start3A_517] : memref<4x!tpu.dma_semaphore, #tpu.memory_space<semaphore_mem>> -> memref<1x!tpu.dma_semaphore, #tpu.memory_space<semaphore_mem>>
        %dma_start3A_529 = tpu.memref_squeeze %dma_start3A_528 : memref<1x!tpu.dma_semaphore, #tpu.memory_space<semaphore_mem>> -> memref<!tpu.dma_semaphore, #tpu.memory_space<semaphore_mem>>
        tpu.enqueue_indirect_dma source(%dma_start3A_527 : memref<10000x64xf32, #tpu.memory_space<vmem_shared>>) target(%dma_start3A_521 : memref<128x64xf32, #tpu.memory_space<vmem>>) offsets(%dma_start3A_524 : memref<128xi32, #tpu.memory_space<vmem>>) semaphore(%dma_start3A_529 : memref<!tpu.dma_semaphore, #tpu.memory_space<semaphore_mem>>)
      } else {
      }
    }
    %scan3A_205 = arith.constant 10 : i32
    "tpu.region"() ({
      %run_scoped3A = tpu.sem_alloc : memref<!tpu.dma_semaphore, #tpu.memory_space<semaphore_mem>>
      %dma_start3A_283 = arith.constant 120 : i32
      %dma_start3A_284 = arith.constant 0 : i32
      %dma_start3A_285 = tpu.memref_slice %arg2[%arg1, %dma_start3A_283, %dma_start3A_284] : memref<16x160x128xi32, #tpu.memory_space<hbm>> -> memref<1x40x128xi32, #tpu.memory_space<hbm>>
      %dma_start3A_286 = tpu.memref_squeeze %dma_start3A_285 : memref<1x40x128xi32, #tpu.memory_space<hbm>> -> memref<40x128xi32, #tpu.memory_space<hbm>>
      %dma_start3A_287 = arith.constant 120 : i32
      %dma_start3A_288 = arith.constant 0 : i32
      %dma_start3A_289 = tpu.memref_slice %arg2[%arg1, %dma_start3A_287, %dma_start3A_288] : memref<16x160x128xi32, #tpu.memory_space<hbm>> -> memref<1x40x128xi32, #tpu.memory_space<hbm>>
      %dma_start3A_290 = tpu.memref_squeeze %dma_start3A_289 : memref<1x40x128xi32, #tpu.memory_space<hbm>> -> memref<40x128xi32, #tpu.memory_space<hbm>>
      tpu.enqueue_dma source(%dma_start3A_290 : memref<40x128xi32, #tpu.memory_space<hbm>>) target(%arg6 : memref<40x128xi32, #tpu.memory_space<vmem>>) target_semaphore(%run_scoped3A : memref<!tpu.dma_semaphore, #tpu.memory_space<semaphore_mem>>)
      %dma_wait3A = arith.constant 120 : i32
      %dma_wait3A_291 = arith.constant 0 : i32
      %dma_wait3A_292 = tpu.memref_slice %arg2[%arg1, %dma_wait3A, %dma_wait3A_291] : memref<16x160x128xi32, #tpu.memory_space<hbm>> -> memref<1x40x128xi32, #tpu.memory_space<hbm>>
      %dma_wait3A_293 = tpu.memref_squeeze %dma_wait3A_292 : memref<1x40x128xi32, #tpu.memory_space<hbm>> -> memref<40x128xi32, #tpu.memory_space<hbm>>
      %dma_wait3A_294 = arith.constant 120 : i32
      %dma_wait3A_295 = arith.constant 0 : i32
      %dma_wait3A_296 = tpu.memref_slice %arg2[%arg1, %dma_wait3A_294, %dma_wait3A_295] : memref<16x160x128xi32, #tpu.memory_space<hbm>> -> memref<1x40x128xi32, #tpu.memory_space<hbm>>
      %dma_wait3A_297 = tpu.memref_squeeze %dma_wait3A_296 : memref<1x40x128xi32, #tpu.memory_space<hbm>> -> memref<40x128xi32, #tpu.memory_space<hbm>>
      tpu.wait_dma2 semaphore(%run_scoped3A : memref<!tpu.dma_semaphore, #tpu.memory_space<semaphore_mem>>) src(%dma_wait3A_297 : memref<40x128xi32, #tpu.memory_space<hbm>>) dst(%arg6 : memref<40x128xi32, #tpu.memory_space<vmem>>)
      tpu.yield
    }) : () -> ()
    "tpu.region"() ({
      %run_scoped3A = tpu.sem_alloc : memref<!tpu.dma_semaphore, #tpu.memory_space<semaphore_mem>>
      %dma_start3A_283 = arith.constant 120 : i32
      %dma_start3A_284 = arith.constant 0 : i32
      %dma_start3A_285 = tpu.memref_slice %arg3[%arg1, %dma_start3A_283, %dma_start3A_284] : memref<16x160x128xi32, #tpu.memory_space<hbm>> -> memref<1x40x128xi32, #tpu.memory_space<hbm>>
      %dma_start3A_286 = tpu.memref_squeeze %dma_start3A_285 : memref<1x40x128xi32, #tpu.memory_space<hbm>> -> memref<40x128xi32, #tpu.memory_space<hbm>>
      %dma_start3A_287 = arith.constant 120 : i32
      %dma_start3A_288 = arith.constant 0 : i32
      %dma_start3A_289 = tpu.memref_slice %arg3[%arg1, %dma_start3A_287, %dma_start3A_288] : memref<16x160x128xi32, #tpu.memory_space<hbm>> -> memref<1x40x128xi32, #tpu.memory_space<hbm>>
      %dma_start3A_290 = tpu.memref_squeeze %dma_start3A_289 : memref<1x40x128xi32, #tpu.memory_space<hbm>> -> memref<40x128xi32, #tpu.memory_space<hbm>>
      tpu.enqueue_dma source(%dma_start3A_290 : memref<40x128xi32, #tpu.memory_space<hbm>>) target(%arg7 : memref<40x128xi32, #tpu.memory_space<vmem>>) target_semaphore(%run_scoped3A : memref<!tpu.dma_semaphore, #tpu.memory_space<semaphore_mem>>)
      %dma_wait3A = arith.constant 120 : i32
      %dma_wait3A_291 = arith.constant 0 : i32
      %dma_wait3A_292 = tpu.memref_slice %arg3[%arg1, %dma_wait3A, %dma_wait3A_291] : memref<16x160x128xi32, #tpu.memory_space<hbm>> -> memref<1x40x128xi32, #tpu.memory_space<hbm>>
      %dma_wait3A_293 = tpu.memref_squeeze %dma_wait3A_292 : memref<1x40x128xi32, #tpu.memory_space<hbm>> -> memref<40x128xi32, #tpu.memory_space<hbm>>
      %dma_wait3A_294 = arith.constant 120 : i32
      %dma_wait3A_295 = arith.constant 0 : i32
      %dma_wait3A_296 = tpu.memref_slice %arg3[%arg1, %dma_wait3A_294, %dma_wait3A_295] : memref<16x160x128xi32, #tpu.memory_space<hbm>> -> memref<1x40x128xi32, #tpu.memory_space<hbm>>
      %dma_wait3A_297 = tpu.memref_squeeze %dma_wait3A_296 : memref<1x40x128xi32, #tpu.memory_space<hbm>> -> memref<40x128xi32, #tpu.memory_space<hbm>>
      tpu.wait_dma2 semaphore(%run_scoped3A : memref<!tpu.dma_semaphore, #tpu.memory_space<semaphore_mem>>) src(%dma_wait3A_297 : memref<40x128xi32, #tpu.memory_space<hbm>>) dst(%arg7 : memref<40x128xi32, #tpu.memory_space<vmem>>)
      tpu.yield
    }) : () -> ()
    %dma_start3A_206 = arith.constant 0 : i32
    %dma_start3A_207 = arith.constant 0 : i32
    %dma_start3A_208 = arith.constant 0 : i32
    %dma_start3A_209 = arith.constant 0 : i32
    %dma_start3A_210 = arith.constant 0 : i32
    %dma_start3A_211 = tpu.memref_slice %arg8[%dma_start3A_207, %dma_start3A_209, %dma_start3A_210] : memref<4x128x64xf32, #tpu.memory_space<vmem>> -> memref<1x128x64xf32, #tpu.memory_space<vmem>>
    %dma_start3A_212 = tpu.memref_squeeze %dma_start3A_211 : memref<1x128x64xf32, #tpu.memory_space<vmem>> -> memref<128x64xf32, #tpu.memory_space<vmem>>
    %dma_start3A_213 = arith.constant 0 : i32
    %dma_start3A_214 = tpu.memref_slice %arg6[%dma_start3A_206, %dma_start3A_213] : memref<40x128xi32, #tpu.memory_space<vmem>> -> memref<1x128xi32, #tpu.memory_space<vmem>>
    %dma_start3A_215 = tpu.memref_squeeze %dma_start3A_214 : memref<1x128xi32, #tpu.memory_space<vmem>> -> memref<128xi32, #tpu.memory_space<vmem>>
    %dma_start3A_216 = arith.constant 0 : i32
    %dma_start3A_217 = arith.constant 0 : i32
    %dma_start3A_218 = tpu.memref_slice %arg10[%dma_start3A_216, %dma_start3A_217] : memref<10000x64xf32, #tpu.memory_space<vmem_shared>> -> memref<10000x64xf32, #tpu.memory_space<vmem_shared>>
    %dma_start3A_219 = tpu.memref_slice %arg11[%dma_start3A_208] : memref<4x!tpu.dma_semaphore, #tpu.memory_space<semaphore_mem>> -> memref<1x!tpu.dma_semaphore, #tpu.memory_space<semaphore_mem>>
    %dma_start3A_220 = tpu.memref_squeeze %dma_start3A_219 : memref<1x!tpu.dma_semaphore, #tpu.memory_space<semaphore_mem>> -> memref<!tpu.dma_semaphore, #tpu.memory_space<semaphore_mem>>
    tpu.enqueue_indirect_dma source(%dma_start3A_218 : memref<10000x64xf32, #tpu.memory_space<vmem_shared>>) target(%dma_start3A_212 : memref<128x64xf32, #tpu.memory_space<vmem>>) offsets(%dma_start3A_215 : memref<128xi32, #tpu.memory_space<vmem>>) semaphore(%dma_start3A_220 : memref<!tpu.dma_semaphore, #tpu.memory_space<semaphore_mem>>)
    %dma_start3A_221 = arith.constant 1 : i32
    %dma_start3A_222 = arith.constant 1 : i32
    %dma_start3A_223 = arith.constant 1 : i32
    %dma_start3A_224 = arith.constant 0 : i32
    %dma_start3A_225 = arith.constant 0 : i32
    %dma_start3A_226 = tpu.memref_slice %arg8[%dma_start3A_222, %dma_start3A_224, %dma_start3A_225] : memref<4x128x64xf32, #tpu.memory_space<vmem>> -> memref<1x128x64xf32, #tpu.memory_space<vmem>>
    %dma_start3A_227 = tpu.memref_squeeze %dma_start3A_226 : memref<1x128x64xf32, #tpu.memory_space<vmem>> -> memref<128x64xf32, #tpu.memory_space<vmem>>
    %dma_start3A_228 = arith.constant 0 : i32
    %dma_start3A_229 = tpu.memref_slice %arg6[%dma_start3A_221, %dma_start3A_228] : memref<40x128xi32, #tpu.memory_space<vmem>> -> memref<1x128xi32, #tpu.memory_space<vmem>>
    %dma_start3A_230 = tpu.memref_squeeze %dma_start3A_229 : memref<1x128xi32, #tpu.memory_space<vmem>> -> memref<128xi32, #tpu.memory_space<vmem>>
    %dma_start3A_231 = arith.constant 0 : i32
    %dma_start3A_232 = arith.constant 0 : i32
    %dma_start3A_233 = tpu.memref_slice %arg10[%dma_start3A_231, %dma_start3A_232] : memref<10000x64xf32, #tpu.memory_space<vmem_shared>> -> memref<10000x64xf32, #tpu.memory_space<vmem_shared>>
    %dma_start3A_234 = tpu.memref_slice %arg11[%dma_start3A_223] : memref<4x!tpu.dma_semaphore, #tpu.memory_space<semaphore_mem>> -> memref<1x!tpu.dma_semaphore, #tpu.memory_space<semaphore_mem>>
    %dma_start3A_235 = tpu.memref_squeeze %dma_start3A_234 : memref<1x!tpu.dma_semaphore, #tpu.memory_space<semaphore_mem>> -> memref<!tpu.dma_semaphore, #tpu.memory_space<semaphore_mem>>
    tpu.enqueue_indirect_dma source(%dma_start3A_233 : memref<10000x64xf32, #tpu.memory_space<vmem_shared>>) target(%dma_start3A_227 : memref<128x64xf32, #tpu.memory_space<vmem>>) offsets(%dma_start3A_230 : memref<128xi32, #tpu.memory_space<vmem>>) semaphore(%dma_start3A_235 : memref<!tpu.dma_semaphore, #tpu.memory_space<semaphore_mem>>)
    %dma_start3A_236 = arith.constant 2 : i32
    %dma_start3A_237 = arith.constant 2 : i32
    %dma_start3A_238 = arith.constant 2 : i32
    %dma_start3A_239 = arith.constant 0 : i32
    %dma_start3A_240 = arith.constant 0 : i32
    %dma_start3A_241 = tpu.memref_slice %arg8[%dma_start3A_237, %dma_start3A_239, %dma_start3A_240] : memref<4x128x64xf32, #tpu.memory_space<vmem>> -> memref<1x128x64xf32, #tpu.memory_space<vmem>>
    %dma_start3A_242 = tpu.memref_squeeze %dma_start3A_241 : memref<1x128x64xf32, #tpu.memory_space<vmem>> -> memref<128x64xf32, #tpu.memory_space<vmem>>
    %dma_start3A_243 = arith.constant 0 : i32
    %dma_start3A_244 = tpu.memref_slice %arg6[%dma_start3A_236, %dma_start3A_243] : memref<40x128xi32, #tpu.memory_space<vmem>> -> memref<1x128xi32, #tpu.memory_space<vmem>>
    %dma_start3A_245 = tpu.memref_squeeze %dma_start3A_244 : memref<1x128xi32, #tpu.memory_space<vmem>> -> memref<128xi32, #tpu.memory_space<vmem>>
    %dma_start3A_246 = arith.constant 0 : i32
    %dma_start3A_247 = arith.constant 0 : i32
    %dma_start3A_248 = tpu.memref_slice %arg10[%dma_start3A_246, %dma_start3A_247] : memref<10000x64xf32, #tpu.memory_space<vmem_shared>> -> memref<10000x64xf32, #tpu.memory_space<vmem_shared>>
    %dma_start3A_249 = tpu.memref_slice %arg11[%dma_start3A_238] : memref<4x!tpu.dma_semaphore, #tpu.memory_space<semaphore_mem>> -> memref<1x!tpu.dma_semaphore, #tpu.memory_space<semaphore_mem>>
    %dma_start3A_250 = tpu.memref_squeeze %dma_start3A_249 : memref<1x!tpu.dma_semaphore, #tpu.memory_space<semaphore_mem>> -> memref<!tpu.dma_semaphore, #tpu.memory_space<semaphore_mem>>
    tpu.enqueue_indirect_dma source(%dma_start3A_248 : memref<10000x64xf32, #tpu.memory_space<vmem_shared>>) target(%dma_start3A_242 : memref<128x64xf32, #tpu.memory_space<vmem>>) offsets(%dma_start3A_245 : memref<128xi32, #tpu.memory_space<vmem>>) semaphore(%dma_start3A_250 : memref<!tpu.dma_semaphore, #tpu.memory_space<semaphore_mem>>)
    %dma_start3A_251 = arith.constant 3 : i32
    %dma_start3A_252 = arith.constant 3 : i32
    %dma_start3A_253 = arith.constant 3 : i32
    %dma_start3A_254 = arith.constant 0 : i32
    %dma_start3A_255 = arith.constant 0 : i32
    %dma_start3A_256 = tpu.memref_slice %arg8[%dma_start3A_252, %dma_start3A_254, %dma_start3A_255] : memref<4x128x64xf32, #tpu.memory_space<vmem>> -> memref<1x128x64xf32, #tpu.memory_space<vmem>>
    %dma_start3A_257 = tpu.memref_squeeze %dma_start3A_256 : memref<1x128x64xf32, #tpu.memory_space<vmem>> -> memref<128x64xf32, #tpu.memory_space<vmem>>
    %dma_start3A_258 = arith.constant 0 : i32
    %dma_start3A_259 = tpu.memref_slice %arg6[%dma_start3A_251, %dma_start3A_258] : memref<40x128xi32, #tpu.memory_space<vmem>> -> memref<1x128xi32, #tpu.memory_space<vmem>>
    %dma_start3A_260 = tpu.memref_squeeze %dma_start3A_259 : memref<1x128xi32, #tpu.memory_space<vmem>> -> memref<128xi32, #tpu.memory_space<vmem>>
    %dma_start3A_261 = arith.constant 0 : i32
    %dma_start3A_262 = arith.constant 0 : i32
    %dma_start3A_263 = tpu.memref_slice %arg10[%dma_start3A_261, %dma_start3A_262] : memref<10000x64xf32, #tpu.memory_space<vmem_shared>> -> memref<10000x64xf32, #tpu.memory_space<vmem_shared>>
    %dma_start3A_264 = tpu.memref_slice %arg11[%dma_start3A_253] : memref<4x!tpu.dma_semaphore, #tpu.memory_space<semaphore_mem>> -> memref<1x!tpu.dma_semaphore, #tpu.memory_space<semaphore_mem>>
    %dma_start3A_265 = tpu.memref_squeeze %dma_start3A_264 : memref<1x!tpu.dma_semaphore, #tpu.memory_space<semaphore_mem>> -> memref<!tpu.dma_semaphore, #tpu.memory_space<semaphore_mem>>
    tpu.enqueue_indirect_dma source(%dma_start3A_263 : memref<10000x64xf32, #tpu.memory_space<vmem_shared>>) target(%dma_start3A_257 : memref<128x64xf32, #tpu.memory_space<vmem>>) offsets(%dma_start3A_260 : memref<128xi32, #tpu.memory_space<vmem>>) semaphore(%dma_start3A_265 : memref<!tpu.dma_semaphore, #tpu.memory_space<semaphore_mem>>)
    %scan3A_266 = arith.constant 0 : i32
    %scan3A_267 = arith.constant 0 : i32
    %scan3A_268 = arith.constant 10 : i32
    %scan3A_269 = arith.addi %scan3A_267, %scan3A_268 : i32
    %scan3A_270 = arith.constant 1 : i32
    scf.for %scan3A_283 = %scan3A_267 to %scan3A_269 step %scan3A_270  : i32 {
      %mul3A_284 = arith.constant 4 : i32
      %mul3A_285 = arith.muli %scan3A_283, %mul3A_284 : i32
      %add3A = arith.constant 0 : i32
      %add3A_286 = arith.addi %mul3A_285, %add3A : i32
      %dma_wait3A = arith.constant 0 : i32
      %dma_wait3A_287 = arith.constant 0 : i32
      %dma_wait3A_288 = arith.constant 0 : i32
      %dma_wait3A_289 = arith.constant 0 : i32
      %dma_wait3A_290 = tpu.memref_slice %arg8[%dma_wait3A, %dma_wait3A_288, %dma_wait3A_289] : memref<4x128x64xf32, #tpu.memory_space<vmem>> -> memref<1x128x64xf32, #tpu.memory_space<vmem>>
      %dma_wait3A_291 = tpu.memref_squeeze %dma_wait3A_290 : memref<1x128x64xf32, #tpu.memory_space<vmem>> -> memref<128x64xf32, #tpu.memory_space<vmem>>
      %dma_wait3A_292 = arith.constant 0 : i32
      %dma_wait3A_293 = tpu.memref_slice %arg6[%add3A_286, %dma_wait3A_292] : memref<40x128xi32, #tpu.memory_space<vmem>> -> memref<1x128xi32, #tpu.memory_space<vmem>>
      %dma_wait3A_294 = tpu.memref_squeeze %dma_wait3A_293 : memref<1x128xi32, #tpu.memory_space<vmem>> -> memref<128xi32, #tpu.memory_space<vmem>>
      %dma_wait3A_295 = arith.constant 0 : i32
      %dma_wait3A_296 = arith.constant 0 : i32
      %dma_wait3A_297 = tpu.memref_slice %arg10[%dma_wait3A_295, %dma_wait3A_296] : memref<10000x64xf32, #tpu.memory_space<vmem_shared>> -> memref<10000x64xf32, #tpu.memory_space<vmem_shared>>
      %dma_wait3A_298 = tpu.memref_slice %arg11[%dma_wait3A_287] : memref<4x!tpu.dma_semaphore, #tpu.memory_space<semaphore_mem>> -> memref<1x!tpu.dma_semaphore, #tpu.memory_space<semaphore_mem>>
      %dma_wait3A_299 = tpu.memref_squeeze %dma_wait3A_298 : memref<1x!tpu.dma_semaphore, #tpu.memory_space<semaphore_mem>> -> memref<!tpu.dma_semaphore, #tpu.memory_space<semaphore_mem>>
      tpu.wait_indirect_dma semaphore(%dma_wait3A_299 : memref<!tpu.dma_semaphore, #tpu.memory_space<semaphore_mem>>) src(%dma_wait3A_297 : memref<10000x64xf32, #tpu.memory_space<vmem_shared>>) dst(%dma_wait3A_291 : memref<128x64xf32, #tpu.memory_space<vmem>>)
      %add3A_300 = arith.constant 0 : i32
      %add3A_301 = arith.addi %mul3A_285, %add3A_300 : i32
      %dma_start3A_302 = arith.constant 0 : i32
      %dma_start3A_303 = arith.constant 0 : i32
      %dma_start3A_304 = arith.constant 0 : i32
      %dma_start3A_305 = arith.constant 0 : i32
      %dma_start3A_306 = tpu.memref_slice %arg8[%dma_start3A_302, %dma_start3A_304, %dma_start3A_305] : memref<4x128x64xf32, #tpu.memory_space<vmem>> -> memref<1x128x64xf32, #tpu.memory_space<vmem>>
      %dma_start3A_307 = tpu.memref_squeeze %dma_start3A_306 : memref<1x128x64xf32, #tpu.memory_space<vmem>> -> memref<128x64xf32, #tpu.memory_space<vmem>>
      %dma_start3A_308 = arith.constant 0 : i32
      %dma_start3A_309 = tpu.memref_slice %arg7[%add3A_301, %dma_start3A_308] : memref<40x128xi32, #tpu.memory_space<vmem>> -> memref<1x128xi32, #tpu.memory_space<vmem>>
      %dma_start3A_310 = tpu.memref_squeeze %dma_start3A_309 : memref<1x128xi32, #tpu.memory_space<vmem>> -> memref<128xi32, #tpu.memory_space<vmem>>
      %dma_start3A_311 = arith.constant 0 : i32
      %dma_start3A_312 = arith.constant 0 : i32
      %dma_start3A_313 = tpu.memref_slice %arg9[%dma_start3A_311, %dma_start3A_312] : memref<10240x64xf32, #tpu.memory_space<vmem_shared>> -> memref<10240x64xf32, #tpu.memory_space<vmem_shared>>
      %dma_start3A_314 = tpu.memref_slice %arg12[%dma_start3A_303] : memref<4x!tpu.dma_semaphore, #tpu.memory_space<semaphore_mem>> -> memref<1x!tpu.dma_semaphore, #tpu.memory_space<semaphore_mem>>
      %dma_start3A_315 = tpu.memref_squeeze %dma_start3A_314 : memref<1x!tpu.dma_semaphore, #tpu.memory_space<semaphore_mem>> -> memref<!tpu.dma_semaphore, #tpu.memory_space<semaphore_mem>>
      tpu.enqueue_indirect_dma source(%dma_start3A_307 : memref<128x64xf32, #tpu.memory_space<vmem>>) target(%dma_start3A_313 : memref<10240x64xf32, #tpu.memory_space<vmem_shared>>) offsets(%dma_start3A_310 : memref<128xi32, #tpu.memory_space<vmem>>) semaphore(%dma_start3A_315 : memref<!tpu.dma_semaphore, #tpu.memory_space<semaphore_mem>>) {add = true}
      %add3A_316 = arith.constant 1 : i32
      %add3A_317 = arith.addi %mul3A_285, %add3A_316 : i32
      %dma_wait3A_318 = arith.constant 1 : i32
      %dma_wait3A_319 = arith.constant 1 : i32
      %dma_wait3A_320 = arith.constant 0 : i32
      %dma_wait3A_321 = arith.constant 0 : i32
      %dma_wait3A_322 = tpu.memref_slice %arg8[%dma_wait3A_318, %dma_wait3A_320, %dma_wait3A_321] : memref<4x128x64xf32, #tpu.memory_space<vmem>> -> memref<1x128x64xf32, #tpu.memory_space<vmem>>
      %dma_wait3A_323 = tpu.memref_squeeze %dma_wait3A_322 : memref<1x128x64xf32, #tpu.memory_space<vmem>> -> memref<128x64xf32, #tpu.memory_space<vmem>>
      %dma_wait3A_324 = arith.constant 0 : i32
      %dma_wait3A_325 = tpu.memref_slice %arg6[%add3A_317, %dma_wait3A_324] : memref<40x128xi32, #tpu.memory_space<vmem>> -> memref<1x128xi32, #tpu.memory_space<vmem>>
      %dma_wait3A_326 = tpu.memref_squeeze %dma_wait3A_325 : memref<1x128xi32, #tpu.memory_space<vmem>> -> memref<128xi32, #tpu.memory_space<vmem>>
      %dma_wait3A_327 = arith.constant 0 : i32
      %dma_wait3A_328 = arith.constant 0 : i32
      %dma_wait3A_329 = tpu.memref_slice %arg10[%dma_wait3A_327, %dma_wait3A_328] : memref<10000x64xf32, #tpu.memory_space<vmem_shared>> -> memref<10000x64xf32, #tpu.memory_space<vmem_shared>>
      %dma_wait3A_330 = tpu.memref_slice %arg11[%dma_wait3A_319] : memref<4x!tpu.dma_semaphore, #tpu.memory_space<semaphore_mem>> -> memref<1x!tpu.dma_semaphore, #tpu.memory_space<semaphore_mem>>
      %dma_wait3A_331 = tpu.memref_squeeze %dma_wait3A_330 : memref<1x!tpu.dma_semaphore, #tpu.memory_space<semaphore_mem>> -> memref<!tpu.dma_semaphore, #tpu.memory_space<semaphore_mem>>
      tpu.wait_indirect_dma semaphore(%dma_wait3A_331 : memref<!tpu.dma_semaphore, #tpu.memory_space<semaphore_mem>>) src(%dma_wait3A_329 : memref<10000x64xf32, #tpu.memory_space<vmem_shared>>) dst(%dma_wait3A_323 : memref<128x64xf32, #tpu.memory_space<vmem>>)
      %add3A_332 = arith.constant 1 : i32
      %add3A_333 = arith.addi %mul3A_285, %add3A_332 : i32
      %dma_start3A_334 = arith.constant 1 : i32
      %dma_start3A_335 = arith.constant 1 : i32
      %dma_start3A_336 = arith.constant 0 : i32
      %dma_start3A_337 = arith.constant 0 : i32
      %dma_start3A_338 = tpu.memref_slice %arg8[%dma_start3A_334, %dma_start3A_336, %dma_start3A_337] : memref<4x128x64xf32, #tpu.memory_space<vmem>> -> memref<1x128x64xf32, #tpu.memory_space<vmem>>
      %dma_start3A_339 = tpu.memref_squeeze %dma_start3A_338 : memref<1x128x64xf32, #tpu.memory_space<vmem>> -> memref<128x64xf32, #tpu.memory_space<vmem>>
      %dma_start3A_340 = arith.constant 0 : i32
      %dma_start3A_341 = tpu.memref_slice %arg7[%add3A_333, %dma_start3A_340] : memref<40x128xi32, #tpu.memory_space<vmem>> -> memref<1x128xi32, #tpu.memory_space<vmem>>
      %dma_start3A_342 = tpu.memref_squeeze %dma_start3A_341 : memref<1x128xi32, #tpu.memory_space<vmem>> -> memref<128xi32, #tpu.memory_space<vmem>>
      %dma_start3A_343 = arith.constant 0 : i32
      %dma_start3A_344 = arith.constant 0 : i32
      %dma_start3A_345 = tpu.memref_slice %arg9[%dma_start3A_343, %dma_start3A_344] : memref<10240x64xf32, #tpu.memory_space<vmem_shared>> -> memref<10240x64xf32, #tpu.memory_space<vmem_shared>>
      %dma_start3A_346 = tpu.memref_slice %arg12[%dma_start3A_335] : memref<4x!tpu.dma_semaphore, #tpu.memory_space<semaphore_mem>> -> memref<1x!tpu.dma_semaphore, #tpu.memory_space<semaphore_mem>>
      %dma_start3A_347 = tpu.memref_squeeze %dma_start3A_346 : memref<1x!tpu.dma_semaphore, #tpu.memory_space<semaphore_mem>> -> memref<!tpu.dma_semaphore, #tpu.memory_space<semaphore_mem>>
      tpu.enqueue_indirect_dma source(%dma_start3A_339 : memref<128x64xf32, #tpu.memory_space<vmem>>) target(%dma_start3A_345 : memref<10240x64xf32, #tpu.memory_space<vmem_shared>>) offsets(%dma_start3A_342 : memref<128xi32, #tpu.memory_space<vmem>>) semaphore(%dma_start3A_347 : memref<!tpu.dma_semaphore, #tpu.memory_space<semaphore_mem>>) {add = true}
      %add3A_348 = arith.constant 2 : i32
      %add3A_349 = arith.addi %mul3A_285, %add3A_348 : i32
      %dma_wait3A_350 = arith.constant 2 : i32
      %dma_wait3A_351 = arith.constant 2 : i32
      %dma_wait3A_352 = arith.constant 0 : i32
      %dma_wait3A_353 = arith.constant 0 : i32
      %dma_wait3A_354 = tpu.memref_slice %arg8[%dma_wait3A_350, %dma_wait3A_352, %dma_wait3A_353] : memref<4x128x64xf32, #tpu.memory_space<vmem>> -> memref<1x128x64xf32, #tpu.memory_space<vmem>>
      %dma_wait3A_355 = tpu.memref_squeeze %dma_wait3A_354 : memref<1x128x64xf32, #tpu.memory_space<vmem>> -> memref<128x64xf32, #tpu.memory_space<vmem>>
      %dma_wait3A_356 = arith.constant 0 : i32
      %dma_wait3A_357 = tpu.memref_slice %arg6[%add3A_349, %dma_wait3A_356] : memref<40x128xi32, #tpu.memory_space<vmem>> -> memref<1x128xi32, #tpu.memory_space<vmem>>
      %dma_wait3A_358 = tpu.memref_squeeze %dma_wait3A_357 : memref<1x128xi32, #tpu.memory_space<vmem>> -> memref<128xi32, #tpu.memory_space<vmem>>
      %dma_wait3A_359 = arith.constant 0 : i32
      %dma_wait3A_360 = arith.constant 0 : i32
      %dma_wait3A_361 = tpu.memref_slice %arg10[%dma_wait3A_359, %dma_wait3A_360] : memref<10000x64xf32, #tpu.memory_space<vmem_shared>> -> memref<10000x64xf32, #tpu.memory_space<vmem_shared>>
      %dma_wait3A_362 = tpu.memref_slice %arg11[%dma_wait3A_351] : memref<4x!tpu.dma_semaphore, #tpu.memory_space<semaphore_mem>> -> memref<1x!tpu.dma_semaphore, #tpu.memory_space<semaphore_mem>>
      %dma_wait3A_363 = tpu.memref_squeeze %dma_wait3A_362 : memref<1x!tpu.dma_semaphore, #tpu.memory_space<semaphore_mem>> -> memref<!tpu.dma_semaphore, #tpu.memory_space<semaphore_mem>>
      tpu.wait_indirect_dma semaphore(%dma_wait3A_363 : memref<!tpu.dma_semaphore, #tpu.memory_space<semaphore_mem>>) src(%dma_wait3A_361 : memref<10000x64xf32, #tpu.memory_space<vmem_shared>>) dst(%dma_wait3A_355 : memref<128x64xf32, #tpu.memory_space<vmem>>)
      %add3A_364 = arith.constant 2 : i32
      %add3A_365 = arith.addi %mul3A_285, %add3A_364 : i32
      %dma_start3A_366 = arith.constant 2 : i32
      %dma_start3A_367 = arith.constant 2 : i32
      %dma_start3A_368 = arith.constant 0 : i32
      %dma_start3A_369 = arith.constant 0 : i32
      %dma_start3A_370 = tpu.memref_slice %arg8[%dma_start3A_366, %dma_start3A_368, %dma_start3A_369] : memref<4x128x64xf32, #tpu.memory_space<vmem>> -> memref<1x128x64xf32, #tpu.memory_space<vmem>>
      %dma_start3A_371 = tpu.memref_squeeze %dma_start3A_370 : memref<1x128x64xf32, #tpu.memory_space<vmem>> -> memref<128x64xf32, #tpu.memory_space<vmem>>
      %dma_start3A_372 = arith.constant 0 : i32
      %dma_start3A_373 = tpu.memref_slice %arg7[%add3A_365, %dma_start3A_372] : memref<40x128xi32, #tpu.memory_space<vmem>> -> memref<1x128xi32, #tpu.memory_space<vmem>>
      %dma_start3A_374 = tpu.memref_squeeze %dma_start3A_373 : memref<1x128xi32, #tpu.memory_space<vmem>> -> memref<128xi32, #tpu.memory_space<vmem>>
      %dma_start3A_375 = arith.constant 0 : i32
      %dma_start3A_376 = arith.constant 0 : i32
      %dma_start3A_377 = tpu.memref_slice %arg9[%dma_start3A_375, %dma_start3A_376] : memref<10240x64xf32, #tpu.memory_space<vmem_shared>> -> memref<10240x64xf32, #tpu.memory_space<vmem_shared>>
      %dma_start3A_378 = tpu.memref_slice %arg12[%dma_start3A_367] : memref<4x!tpu.dma_semaphore, #tpu.memory_space<semaphore_mem>> -> memref<1x!tpu.dma_semaphore, #tpu.memory_space<semaphore_mem>>
      %dma_start3A_379 = tpu.memref_squeeze %dma_start3A_378 : memref<1x!tpu.dma_semaphore, #tpu.memory_space<semaphore_mem>> -> memref<!tpu.dma_semaphore, #tpu.memory_space<semaphore_mem>>
      tpu.enqueue_indirect_dma source(%dma_start3A_371 : memref<128x64xf32, #tpu.memory_space<vmem>>) target(%dma_start3A_377 : memref<10240x64xf32, #tpu.memory_space<vmem_shared>>) offsets(%dma_start3A_374 : memref<128xi32, #tpu.memory_space<vmem>>) semaphore(%dma_start3A_379 : memref<!tpu.dma_semaphore, #tpu.memory_space<semaphore_mem>>) {add = true}
      %add3A_380 = arith.constant 3 : i32
      %add3A_381 = arith.addi %mul3A_285, %add3A_380 : i32
      %dma_wait3A_382 = arith.constant 3 : i32
      %dma_wait3A_383 = arith.constant 3 : i32
      %dma_wait3A_384 = arith.constant 0 : i32
      %dma_wait3A_385 = arith.constant 0 : i32
      %dma_wait3A_386 = tpu.memref_slice %arg8[%dma_wait3A_382, %dma_wait3A_384, %dma_wait3A_385] : memref<4x128x64xf32, #tpu.memory_space<vmem>> -> memref<1x128x64xf32, #tpu.memory_space<vmem>>
      %dma_wait3A_387 = tpu.memref_squeeze %dma_wait3A_386 : memref<1x128x64xf32, #tpu.memory_space<vmem>> -> memref<128x64xf32, #tpu.memory_space<vmem>>
      %dma_wait3A_388 = arith.constant 0 : i32
      %dma_wait3A_389 = tpu.memref_slice %arg6[%add3A_381, %dma_wait3A_388] : memref<40x128xi32, #tpu.memory_space<vmem>> -> memref<1x128xi32, #tpu.memory_space<vmem>>
      %dma_wait3A_390 = tpu.memref_squeeze %dma_wait3A_389 : memref<1x128xi32, #tpu.memory_space<vmem>> -> memref<128xi32, #tpu.memory_space<vmem>>
      %dma_wait3A_391 = arith.constant 0 : i32
      %dma_wait3A_392 = arith.constant 0 : i32
      %dma_wait3A_393 = tpu.memref_slice %arg10[%dma_wait3A_391, %dma_wait3A_392] : memref<10000x64xf32, #tpu.memory_space<vmem_shared>> -> memref<10000x64xf32, #tpu.memory_space<vmem_shared>>
      %dma_wait3A_394 = tpu.memref_slice %arg11[%dma_wait3A_383] : memref<4x!tpu.dma_semaphore, #tpu.memory_space<semaphore_mem>> -> memref<1x!tpu.dma_semaphore, #tpu.memory_space<semaphore_mem>>
      %dma_wait3A_395 = tpu.memref_squeeze %dma_wait3A_394 : memref<1x!tpu.dma_semaphore, #tpu.memory_space<semaphore_mem>> -> memref<!tpu.dma_semaphore, #tpu.memory_space<semaphore_mem>>
      tpu.wait_indirect_dma semaphore(%dma_wait3A_395 : memref<!tpu.dma_semaphore, #tpu.memory_space<semaphore_mem>>) src(%dma_wait3A_393 : memref<10000x64xf32, #tpu.memory_space<vmem_shared>>) dst(%dma_wait3A_387 : memref<128x64xf32, #tpu.memory_space<vmem>>)
      %add3A_396 = arith.constant 3 : i32
      %add3A_397 = arith.addi %mul3A_285, %add3A_396 : i32
      %dma_start3A_398 = arith.constant 3 : i32
      %dma_start3A_399 = arith.constant 3 : i32
      %dma_start3A_400 = arith.constant 0 : i32
      %dma_start3A_401 = arith.constant 0 : i32
      %dma_start3A_402 = tpu.memref_slice %arg8[%dma_start3A_398, %dma_start3A_400, %dma_start3A_401] : memref<4x128x64xf32, #tpu.memory_space<vmem>> -> memref<1x128x64xf32, #tpu.memory_space<vmem>>
      %dma_start3A_403 = tpu.memref_squeeze %dma_start3A_402 : memref<1x128x64xf32, #tpu.memory_space<vmem>> -> memref<128x64xf32, #tpu.memory_space<vmem>>
      %dma_start3A_404 = arith.constant 0 : i32
      %dma_start3A_405 = tpu.memref_slice %arg7[%add3A_397, %dma_start3A_404] : memref<40x128xi32, #tpu.memory_space<vmem>> -> memref<1x128xi32, #tpu.memory_space<vmem>>
      %dma_start3A_406 = tpu.memref_squeeze %dma_start3A_405 : memref<1x128xi32, #tpu.memory_space<vmem>> -> memref<128xi32, #tpu.memory_space<vmem>>
      %dma_start3A_407 = arith.constant 0 : i32
      %dma_start3A_408 = arith.constant 0 : i32
      %dma_start3A_409 = tpu.memref_slice %arg9[%dma_start3A_407, %dma_start3A_408] : memref<10240x64xf32, #tpu.memory_space<vmem_shared>> -> memref<10240x64xf32, #tpu.memory_space<vmem_shared>>
      %dma_start3A_410 = tpu.memref_slice %arg12[%dma_start3A_399] : memref<4x!tpu.dma_semaphore, #tpu.memory_space<semaphore_mem>> -> memref<1x!tpu.dma_semaphore, #tpu.memory_space<semaphore_mem>>
      %dma_start3A_411 = tpu.memref_squeeze %dma_start3A_410 : memref<1x!tpu.dma_semaphore, #tpu.memory_space<semaphore_mem>> -> memref<!tpu.dma_semaphore, #tpu.memory_space<semaphore_mem>>
      tpu.enqueue_indirect_dma source(%dma_start3A_403 : memref<128x64xf32, #tpu.memory_space<vmem>>) target(%dma_start3A_409 : memref<10240x64xf32, #tpu.memory_space<vmem_shared>>) offsets(%dma_start3A_406 : memref<128xi32, #tpu.memory_space<vmem>>) semaphore(%dma_start3A_411 : memref<!tpu.dma_semaphore, #tpu.memory_space<semaphore_mem>>) {add = true}
      %add3A_412 = arith.constant 0 : i32
      %add3A_413 = arith.addi %mul3A_285, %add3A_412 : i32
      %dma_wait3A_414 = arith.constant 0 : i32
      %dma_wait3A_415 = arith.constant 0 : i32
      %dma_wait3A_416 = arith.constant 0 : i32
      %dma_wait3A_417 = arith.constant 0 : i32
      %dma_wait3A_418 = tpu.memref_slice %arg8[%dma_wait3A_414, %dma_wait3A_416, %dma_wait3A_417] : memref<4x128x64xf32, #tpu.memory_space<vmem>> -> memref<1x128x64xf32, #tpu.memory_space<vmem>>
      %dma_wait3A_419 = tpu.memref_squeeze %dma_wait3A_418 : memref<1x128x64xf32, #tpu.memory_space<vmem>> -> memref<128x64xf32, #tpu.memory_space<vmem>>
      %dma_wait3A_420 = arith.constant 0 : i32
      %dma_wait3A_421 = tpu.memref_slice %arg7[%add3A_413, %dma_wait3A_420] : memref<40x128xi32, #tpu.memory_space<vmem>> -> memref<1x128xi32, #tpu.memory_space<vmem>>
      %dma_wait3A_422 = tpu.memref_squeeze %dma_wait3A_421 : memref<1x128xi32, #tpu.memory_space<vmem>> -> memref<128xi32, #tpu.memory_space<vmem>>
      %dma_wait3A_423 = arith.constant 0 : i32
      %dma_wait3A_424 = arith.constant 0 : i32
      %dma_wait3A_425 = tpu.memref_slice %arg9[%dma_wait3A_423, %dma_wait3A_424] : memref<10240x64xf32, #tpu.memory_space<vmem_shared>> -> memref<10240x64xf32, #tpu.memory_space<vmem_shared>>
      %dma_wait3A_426 = tpu.memref_slice %arg12[%dma_wait3A_415] : memref<4x!tpu.dma_semaphore, #tpu.memory_space<semaphore_mem>> -> memref<1x!tpu.dma_semaphore, #tpu.memory_space<semaphore_mem>>
      %dma_wait3A_427 = tpu.memref_squeeze %dma_wait3A_426 : memref<1x!tpu.dma_semaphore, #tpu.memory_space<semaphore_mem>> -> memref<!tpu.dma_semaphore, #tpu.memory_space<semaphore_mem>>
      tpu.wait_indirect_dma semaphore(%dma_wait3A_427 : memref<!tpu.dma_semaphore, #tpu.memory_space<semaphore_mem>>) src(%dma_wait3A_419 : memref<128x64xf32, #tpu.memory_space<vmem>>) dst(%dma_wait3A_425 : memref<10240x64xf32, #tpu.memory_space<vmem_shared>>)
      %add3A_428 = arith.constant 0 : i32
      %add3A_429 = arith.addi %mul3A_285, %add3A_428 : i32
      %add3A_430 = arith.constant 4 : i32
      %add3A_431 = arith.addi %add3A_429, %add3A_430 : i32
      %lt3A_432 = arith.constant 40 : i32
      %lt3A_433 = arith.cmpi slt, %add3A_431, %lt3A_432 : i32
      %convert_element_type3A_434 = arith.extui %lt3A_433 : i1 to i32
      %cond3A_435 = arith.constant 0 : i32
      %cond3A_436 = arith.cmpi ne, %convert_element_type3A_434, %cond3A_435 : i32
      scf.if %cond3A_436 {
        %add3A_512 = arith.constant 0 : i32
        %add3A_513 = arith.addi %mul3A_285, %add3A_512 : i32
        %add3A_514 = arith.constant 4 : i32
        %add3A_515 = arith.addi %add3A_513, %add3A_514 : i32
        %dma_start3A_516 = arith.constant 0 : i32
        %dma_start3A_517 = arith.constant 0 : i32
        %dma_start3A_518 = arith.constant 0 : i32
        %dma_start3A_519 = arith.constant 0 : i32
        %dma_start3A_520 = tpu.memref_slice %arg8[%dma_start3A_516, %dma_start3A_518, %dma_start3A_519] : memref<4x128x64xf32, #tpu.memory_space<vmem>> -> memref<1x128x64xf32, #tpu.memory_space<vmem>>
        %dma_start3A_521 = tpu.memref_squeeze %dma_start3A_520 : memref<1x128x64xf32, #tpu.memory_space<vmem>> -> memref<128x64xf32, #tpu.memory_space<vmem>>
        %dma_start3A_522 = arith.constant 0 : i32
        %dma_start3A_523 = tpu.memref_slice %arg6[%add3A_515, %dma_start3A_522] : memref<40x128xi32, #tpu.memory_space<vmem>> -> memref<1x128xi32, #tpu.memory_space<vmem>>
        %dma_start3A_524 = tpu.memref_squeeze %dma_start3A_523 : memref<1x128xi32, #tpu.memory_space<vmem>> -> memref<128xi32, #tpu.memory_space<vmem>>
        %dma_start3A_525 = arith.constant 0 : i32
        %dma_start3A_526 = arith.constant 0 : i32
        %dma_start3A_527 = tpu.memref_slice %arg10[%dma_start3A_525, %dma_start3A_526] : memref<10000x64xf32, #tpu.memory_space<vmem_shared>> -> memref<10000x64xf32, #tpu.memory_space<vmem_shared>>
        %dma_start3A_528 = tpu.memref_slice %arg11[%dma_start3A_517] : memref<4x!tpu.dma_semaphore, #tpu.memory_space<semaphore_mem>> -> memref<1x!tpu.dma_semaphore, #tpu.memory_space<semaphore_mem>>
        %dma_start3A_529 = tpu.memref_squeeze %dma_start3A_528 : memref<1x!tpu.dma_semaphore, #tpu.memory_space<semaphore_mem>> -> memref<!tpu.dma_semaphore, #tpu.memory_space<semaphore_mem>>
        tpu.enqueue_indirect_dma source(%dma_start3A_527 : memref<10000x64xf32, #tpu.memory_space<vmem_shared>>) target(%dma_start3A_521 : memref<128x64xf32, #tpu.memory_space<vmem>>) offsets(%dma_start3A_524 : memref<128xi32, #tpu.memory_space<vmem>>) semaphore(%dma_start3A_529 : memref<!tpu.dma_semaphore, #tpu.memory_space<semaphore_mem>>)
      } else {
      }
      %add3A_437 = arith.constant 1 : i32
      %add3A_438 = arith.addi %mul3A_285, %add3A_437 : i32
      %dma_wait3A_439 = arith.constant 1 : i32
      %dma_wait3A_440 = arith.constant 1 : i32
      %dma_wait3A_441 = arith.constant 0 : i32
      %dma_wait3A_442 = arith.constant 0 : i32
      %dma_wait3A_443 = tpu.memref_slice %arg8[%dma_wait3A_439, %dma_wait3A_441, %dma_wait3A_442] : memref<4x128x64xf32, #tpu.memory_space<vmem>> -> memref<1x128x64xf32, #tpu.memory_space<vmem>>
      %dma_wait3A_444 = tpu.memref_squeeze %dma_wait3A_443 : memref<1x128x64xf32, #tpu.memory_space<vmem>> -> memref<128x64xf32, #tpu.memory_space<vmem>>
      %dma_wait3A_445 = arith.constant 0 : i32
      %dma_wait3A_446 = tpu.memref_slice %arg7[%add3A_438, %dma_wait3A_445] : memref<40x128xi32, #tpu.memory_space<vmem>> -> memref<1x128xi32, #tpu.memory_space<vmem>>
      %dma_wait3A_447 = tpu.memref_squeeze %dma_wait3A_446 : memref<1x128xi32, #tpu.memory_space<vmem>> -> memref<128xi32, #tpu.memory_space<vmem>>
      %dma_wait3A_448 = arith.constant 0 : i32
      %dma_wait3A_449 = arith.constant 0 : i32
      %dma_wait3A_450 = tpu.memref_slice %arg9[%dma_wait3A_448, %dma_wait3A_449] : memref<10240x64xf32, #tpu.memory_space<vmem_shared>> -> memref<10240x64xf32, #tpu.memory_space<vmem_shared>>
      %dma_wait3A_451 = tpu.memref_slice %arg12[%dma_wait3A_440] : memref<4x!tpu.dma_semaphore, #tpu.memory_space<semaphore_mem>> -> memref<1x!tpu.dma_semaphore, #tpu.memory_space<semaphore_mem>>
      %dma_wait3A_452 = tpu.memref_squeeze %dma_wait3A_451 : memref<1x!tpu.dma_semaphore, #tpu.memory_space<semaphore_mem>> -> memref<!tpu.dma_semaphore, #tpu.memory_space<semaphore_mem>>
      tpu.wait_indirect_dma semaphore(%dma_wait3A_452 : memref<!tpu.dma_semaphore, #tpu.memory_space<semaphore_mem>>) src(%dma_wait3A_444 : memref<128x64xf32, #tpu.memory_space<vmem>>) dst(%dma_wait3A_450 : memref<10240x64xf32, #tpu.memory_space<vmem_shared>>)
      %add3A_453 = arith.constant 1 : i32
      %add3A_454 = arith.addi %mul3A_285, %add3A_453 : i32
      %add3A_455 = arith.constant 4 : i32
      %add3A_456 = arith.addi %add3A_454, %add3A_455 : i32
      %lt3A_457 = arith.constant 40 : i32
      %lt3A_458 = arith.cmpi slt, %add3A_456, %lt3A_457 : i32
      %convert_element_type3A_459 = arith.extui %lt3A_458 : i1 to i32
      %cond3A_460 = arith.constant 0 : i32
      %cond3A_461 = arith.cmpi ne, %convert_element_type3A_459, %cond3A_460 : i32
      scf.if %cond3A_461 {
        %add3A_512 = arith.constant 1 : i32
        %add3A_513 = arith.addi %mul3A_285, %add3A_512 : i32
        %add3A_514 = arith.constant 4 : i32
        %add3A_515 = arith.addi %add3A_513, %add3A_514 : i32
        %dma_start3A_516 = arith.constant 1 : i32
        %dma_start3A_517 = arith.constant 1 : i32
        %dma_start3A_518 = arith.constant 0 : i32
        %dma_start3A_519 = arith.constant 0 : i32
        %dma_start3A_520 = tpu.memref_slice %arg8[%dma_start3A_516, %dma_start3A_518, %dma_start3A_519] : memref<4x128x64xf32, #tpu.memory_space<vmem>> -> memref<1x128x64xf32, #tpu.memory_space<vmem>>
        %dma_start3A_521 = tpu.memref_squeeze %dma_start3A_520 : memref<1x128x64xf32, #tpu.memory_space<vmem>> -> memref<128x64xf32, #tpu.memory_space<vmem>>
        %dma_start3A_522 = arith.constant 0 : i32
        %dma_start3A_523 = tpu.memref_slice %arg6[%add3A_515, %dma_start3A_522] : memref<40x128xi32, #tpu.memory_space<vmem>> -> memref<1x128xi32, #tpu.memory_space<vmem>>
        %dma_start3A_524 = tpu.memref_squeeze %dma_start3A_523 : memref<1x128xi32, #tpu.memory_space<vmem>> -> memref<128xi32, #tpu.memory_space<vmem>>
        %dma_start3A_525 = arith.constant 0 : i32
        %dma_start3A_526 = arith.constant 0 : i32
        %dma_start3A_527 = tpu.memref_slice %arg10[%dma_start3A_525, %dma_start3A_526] : memref<10000x64xf32, #tpu.memory_space<vmem_shared>> -> memref<10000x64xf32, #tpu.memory_space<vmem_shared>>
        %dma_start3A_528 = tpu.memref_slice %arg11[%dma_start3A_517] : memref<4x!tpu.dma_semaphore, #tpu.memory_space<semaphore_mem>> -> memref<1x!tpu.dma_semaphore, #tpu.memory_space<semaphore_mem>>
        %dma_start3A_529 = tpu.memref_squeeze %dma_start3A_528 : memref<1x!tpu.dma_semaphore, #tpu.memory_space<semaphore_mem>> -> memref<!tpu.dma_semaphore, #tpu.memory_space<semaphore_mem>>
        tpu.enqueue_indirect_dma source(%dma_start3A_527 : memref<10000x64xf32, #tpu.memory_space<vmem_shared>>) target(%dma_start3A_521 : memref<128x64xf32, #tpu.memory_space<vmem>>) offsets(%dma_start3A_524 : memref<128xi32, #tpu.memory_space<vmem>>) semaphore(%dma_start3A_529 : memref<!tpu.dma_semaphore, #tpu.memory_space<semaphore_mem>>)
      } else {
      }
      %add3A_462 = arith.constant 2 : i32
      %add3A_463 = arith.addi %mul3A_285, %add3A_462 : i32
      %dma_wait3A_464 = arith.constant 2 : i32
      %dma_wait3A_465 = arith.constant 2 : i32
      %dma_wait3A_466 = arith.constant 0 : i32
      %dma_wait3A_467 = arith.constant 0 : i32
      %dma_wait3A_468 = tpu.memref_slice %arg8[%dma_wait3A_464, %dma_wait3A_466, %dma_wait3A_467] : memref<4x128x64xf32, #tpu.memory_space<vmem>> -> memref<1x128x64xf32, #tpu.memory_space<vmem>>
      %dma_wait3A_469 = tpu.memref_squeeze %dma_wait3A_468 : memref<1x128x64xf32, #tpu.memory_space<vmem>> -> memref<128x64xf32, #tpu.memory_space<vmem>>
      %dma_wait3A_470 = arith.constant 0 : i32
      %dma_wait3A_471 = tpu.memref_slice %arg7[%add3A_463, %dma_wait3A_470] : memref<40x128xi32, #tpu.memory_space<vmem>> -> memref<1x128xi32, #tpu.memory_space<vmem>>
      %dma_wait3A_472 = tpu.memref_squeeze %dma_wait3A_471 : memref<1x128xi32, #tpu.memory_space<vmem>> -> memref<128xi32, #tpu.memory_space<vmem>>
      %dma_wait3A_473 = arith.constant 0 : i32
      %dma_wait3A_474 = arith.constant 0 : i32
      %dma_wait3A_475 = tpu.memref_slice %arg9[%dma_wait3A_473, %dma_wait3A_474] : memref<10240x64xf32, #tpu.memory_space<vmem_shared>> -> memref<10240x64xf32, #tpu.memory_space<vmem_shared>>
      %dma_wait3A_476 = tpu.memref_slice %arg12[%dma_wait3A_465] : memref<4x!tpu.dma_semaphore, #tpu.memory_space<semaphore_mem>> -> memref<1x!tpu.dma_semaphore, #tpu.memory_space<semaphore_mem>>
      %dma_wait3A_477 = tpu.memref_squeeze %dma_wait3A_476 : memref<1x!tpu.dma_semaphore, #tpu.memory_space<semaphore_mem>> -> memref<!tpu.dma_semaphore, #tpu.memory_space<semaphore_mem>>
      tpu.wait_indirect_dma semaphore(%dma_wait3A_477 : memref<!tpu.dma_semaphore, #tpu.memory_space<semaphore_mem>>) src(%dma_wait3A_469 : memref<128x64xf32, #tpu.memory_space<vmem>>) dst(%dma_wait3A_475 : memref<10240x64xf32, #tpu.memory_space<vmem_shared>>)
      %add3A_478 = arith.constant 2 : i32
      %add3A_479 = arith.addi %mul3A_285, %add3A_478 : i32
      %add3A_480 = arith.constant 4 : i32
      %add3A_481 = arith.addi %add3A_479, %add3A_480 : i32
      %lt3A_482 = arith.constant 40 : i32
      %lt3A_483 = arith.cmpi slt, %add3A_481, %lt3A_482 : i32
      %convert_element_type3A_484 = arith.extui %lt3A_483 : i1 to i32
      %cond3A_485 = arith.constant 0 : i32
      %cond3A_486 = arith.cmpi ne, %convert_element_type3A_484, %cond3A_485 : i32
      scf.if %cond3A_486 {
        %add3A_512 = arith.constant 2 : i32
        %add3A_513 = arith.addi %mul3A_285, %add3A_512 : i32
        %add3A_514 = arith.constant 4 : i32
        %add3A_515 = arith.addi %add3A_513, %add3A_514 : i32
        %dma_start3A_516 = arith.constant 2 : i32
        %dma_start3A_517 = arith.constant 2 : i32
        %dma_start3A_518 = arith.constant 0 : i32
        %dma_start3A_519 = arith.constant 0 : i32
        %dma_start3A_520 = tpu.memref_slice %arg8[%dma_start3A_516, %dma_start3A_518, %dma_start3A_519] : memref<4x128x64xf32, #tpu.memory_space<vmem>> -> memref<1x128x64xf32, #tpu.memory_space<vmem>>
        %dma_start3A_521 = tpu.memref_squeeze %dma_start3A_520 : memref<1x128x64xf32, #tpu.memory_space<vmem>> -> memref<128x64xf32, #tpu.memory_space<vmem>>
        %dma_start3A_522 = arith.constant 0 : i32
        %dma_start3A_523 = tpu.memref_slice %arg6[%add3A_515, %dma_start3A_522] : memref<40x128xi32, #tpu.memory_space<vmem>> -> memref<1x128xi32, #tpu.memory_space<vmem>>
        %dma_start3A_524 = tpu.memref_squeeze %dma_start3A_523 : memref<1x128xi32, #tpu.memory_space<vmem>> -> memref<128xi32, #tpu.memory_space<vmem>>
        %dma_start3A_525 = arith.constant 0 : i32
        %dma_start3A_526 = arith.constant 0 : i32
        %dma_start3A_527 = tpu.memref_slice %arg10[%dma_start3A_525, %dma_start3A_526] : memref<10000x64xf32, #tpu.memory_space<vmem_shared>> -> memref<10000x64xf32, #tpu.memory_space<vmem_shared>>
        %dma_start3A_528 = tpu.memref_slice %arg11[%dma_start3A_517] : memref<4x!tpu.dma_semaphore, #tpu.memory_space<semaphore_mem>> -> memref<1x!tpu.dma_semaphore, #tpu.memory_space<semaphore_mem>>
        %dma_start3A_529 = tpu.memref_squeeze %dma_start3A_528 : memref<1x!tpu.dma_semaphore, #tpu.memory_space<semaphore_mem>> -> memref<!tpu.dma_semaphore, #tpu.memory_space<semaphore_mem>>
        tpu.enqueue_indirect_dma source(%dma_start3A_527 : memref<10000x64xf32, #tpu.memory_space<vmem_shared>>) target(%dma_start3A_521 : memref<128x64xf32, #tpu.memory_space<vmem>>) offsets(%dma_start3A_524 : memref<128xi32, #tpu.memory_space<vmem>>) semaphore(%dma_start3A_529 : memref<!tpu.dma_semaphore, #tpu.memory_space<semaphore_mem>>)
      } else {
      }
      %add3A_487 = arith.constant 3 : i32
      %add3A_488 = arith.addi %mul3A_285, %add3A_487 : i32
      %dma_wait3A_489 = arith.constant 3 : i32
      %dma_wait3A_490 = arith.constant 3 : i32
      %dma_wait3A_491 = arith.constant 0 : i32
      %dma_wait3A_492 = arith.constant 0 : i32
      %dma_wait3A_493 = tpu.memref_slice %arg8[%dma_wait3A_489, %dma_wait3A_491, %dma_wait3A_492] : memref<4x128x64xf32, #tpu.memory_space<vmem>> -> memref<1x128x64xf32, #tpu.memory_space<vmem>>
      %dma_wait3A_494 = tpu.memref_squeeze %dma_wait3A_493 : memref<1x128x64xf32, #tpu.memory_space<vmem>> -> memref<128x64xf32, #tpu.memory_space<vmem>>
      %dma_wait3A_495 = arith.constant 0 : i32
      %dma_wait3A_496 = tpu.memref_slice %arg7[%add3A_488, %dma_wait3A_495] : memref<40x128xi32, #tpu.memory_space<vmem>> -> memref<1x128xi32, #tpu.memory_space<vmem>>
      %dma_wait3A_497 = tpu.memref_squeeze %dma_wait3A_496 : memref<1x128xi32, #tpu.memory_space<vmem>> -> memref<128xi32, #tpu.memory_space<vmem>>
      %dma_wait3A_498 = arith.constant 0 : i32
      %dma_wait3A_499 = arith.constant 0 : i32
      %dma_wait3A_500 = tpu.memref_slice %arg9[%dma_wait3A_498, %dma_wait3A_499] : memref<10240x64xf32, #tpu.memory_space<vmem_shared>> -> memref<10240x64xf32, #tpu.memory_space<vmem_shared>>
      %dma_wait3A_501 = tpu.memref_slice %arg12[%dma_wait3A_490] : memref<4x!tpu.dma_semaphore, #tpu.memory_space<semaphore_mem>> -> memref<1x!tpu.dma_semaphore, #tpu.memory_space<semaphore_mem>>
      %dma_wait3A_502 = tpu.memref_squeeze %dma_wait3A_501 : memref<1x!tpu.dma_semaphore, #tpu.memory_space<semaphore_mem>> -> memref<!tpu.dma_semaphore, #tpu.memory_space<semaphore_mem>>
      tpu.wait_indirect_dma semaphore(%dma_wait3A_502 : memref<!tpu.dma_semaphore, #tpu.memory_space<semaphore_mem>>) src(%dma_wait3A_494 : memref<128x64xf32, #tpu.memory_space<vmem>>) dst(%dma_wait3A_500 : memref<10240x64xf32, #tpu.memory_space<vmem_shared>>)
      %add3A_503 = arith.constant 3 : i32
      %add3A_504 = arith.addi %mul3A_285, %add3A_503 : i32
      %add3A_505 = arith.constant 4 : i32
      %add3A_506 = arith.addi %add3A_504, %add3A_505 : i32
      %lt3A_507 = arith.constant 40 : i32
      %lt3A_508 = arith.cmpi slt, %add3A_506, %lt3A_507 : i32
      %convert_element_type3A_509 = arith.extui %lt3A_508 : i1 to i32
      %cond3A_510 = arith.constant 0 : i32
      %cond3A_511 = arith.cmpi ne, %convert_element_type3A_509, %cond3A_510 : i32
      scf.if %cond3A_511 {
        %add3A_512 = arith.constant 3 : i32
        %add3A_513 = arith.addi %mul3A_285, %add3A_512 : i32
        %add3A_514 = arith.constant 4 : i32
        %add3A_515 = arith.addi %add3A_513, %add3A_514 : i32
        %dma_start3A_516 = arith.constant 3 : i32
        %dma_start3A_517 = arith.constant 3 : i32
        %dma_start3A_518 = arith.constant 0 : i32
        %dma_start3A_519 = arith.constant 0 : i32
        %dma_start3A_520 = tpu.memref_slice %arg8[%dma_start3A_516, %dma_start3A_518, %dma_start3A_519] : memref<4x128x64xf32, #tpu.memory_space<vmem>> -> memref<1x128x64xf32, #tpu.memory_space<vmem>>
        %dma_start3A_521 = tpu.memref_squeeze %dma_start3A_520 : memref<1x128x64xf32, #tpu.memory_space<vmem>> -> memref<128x64xf32, #tpu.memory_space<vmem>>
        %dma_start3A_522 = arith.constant 0 : i32
        %dma_start3A_523 = tpu.memref_slice %arg6[%add3A_515, %dma_start3A_522] : memref<40x128xi32, #tpu.memory_space<vmem>> -> memref<1x128xi32, #tpu.memory_space<vmem>>
        %dma_start3A_524 = tpu.memref_squeeze %dma_start3A_523 : memref<1x128xi32, #tpu.memory_space<vmem>> -> memref<128xi32, #tpu.memory_space<vmem>>
        %dma_start3A_525 = arith.constant 0 : i32
        %dma_start3A_526 = arith.constant 0 : i32
        %dma_start3A_527 = tpu.memref_slice %arg10[%dma_start3A_525, %dma_start3A_526] : memref<10000x64xf32, #tpu.memory_space<vmem_shared>> -> memref<10000x64xf32, #tpu.memory_space<vmem_shared>>
        %dma_start3A_528 = tpu.memref_slice %arg11[%dma_start3A_517] : memref<4x!tpu.dma_semaphore, #tpu.memory_space<semaphore_mem>> -> memref<1x!tpu.dma_semaphore, #tpu.memory_space<semaphore_mem>>
        %dma_start3A_529 = tpu.memref_squeeze %dma_start3A_528 : memref<1x!tpu.dma_semaphore, #tpu.memory_space<semaphore_mem>> -> memref<!tpu.dma_semaphore, #tpu.memory_space<semaphore_mem>>
        tpu.enqueue_indirect_dma source(%dma_start3A_527 : memref<10000x64xf32, #tpu.memory_space<vmem_shared>>) target(%dma_start3A_521 : memref<128x64xf32, #tpu.memory_space<vmem>>) offsets(%dma_start3A_524 : memref<128xi32, #tpu.memory_space<vmem>>) semaphore(%dma_start3A_529 : memref<!tpu.dma_semaphore, #tpu.memory_space<semaphore_mem>>)
      } else {
      }
    }
    %scan3A_271 = arith.constant 10 : i32
    %barrier3A_272 = arith.constant 0 : index
    tpu.barrier barrier_id(%barrier3A_272)
    %lt3A_273 = arith.constant 15 : i32
    %lt3A_274 = arith.cmpi slt, %arg1, %lt3A_273 : i32
    %convert_element_type3A_275 = arith.extui %lt3A_274 : i1 to i32
    %cond3A_276 = arith.constant 0 : i32
    %cond3A_277 = arith.cmpi ne, %convert_element_type3A_275, %cond3A_276 : i32
    scf.if %cond3A_277 {
      "tpu.region"() ({
        %run_scoped3A = tpu.sem_alloc : memref<!tpu.dma_semaphore, #tpu.memory_space<semaphore_mem>>
        %dma_start3A_283 = arith.constant 0 : i32
        %dma_start3A_284 = tpu.memref_slice %arg5[%arg0, %multiple_of3A, %dma_start3A_283] : memref<2x10000x64xf32, #tpu.memory_space<hbm>> -> memref<1x640x64xf32, #tpu.memory_space<hbm>>
        %dma_start3A_285 = tpu.memref_squeeze %dma_start3A_284 : memref<1x640x64xf32, #tpu.memory_space<hbm>> -> memref<640x64xf32, #tpu.memory_space<hbm>>
        %dma_start3A_286 = arith.constant 0 : i32
        %dma_start3A_287 = tpu.memref_slice %arg9[%multiple_of3A, %dma_start3A_286] : memref<10240x64xf32, #tpu.memory_space<vmem_shared>> -> memref<640x64xf32, #tpu.memory_space<vmem_shared>>
        tpu.enqueue_dma source(%dma_start3A_287 : memref<640x64xf32, #tpu.memory_space<vmem_shared>>) target(%dma_start3A_285 : memref<640x64xf32, #tpu.memory_space<hbm>>) target_semaphore(%run_scoped3A : memref<!tpu.dma_semaphore, #tpu.memory_space<semaphore_mem>>)
        %dma_wait3A = arith.constant 0 : i32
        %dma_wait3A_288 = tpu.memref_slice %arg5[%arg0, %multiple_of3A, %dma_wait3A] : memref<2x10000x64xf32, #tpu.memory_space<hbm>> -> memref<1x640x64xf32, #tpu.memory_space<hbm>>
        %dma_wait3A_289 = tpu.memref_squeeze %dma_wait3A_288 : memref<1x640x64xf32, #tpu.memory_space<hbm>> -> memref<640x64xf32, #tpu.memory_space<hbm>>
        %dma_wait3A_290 = arith.constant 0 : i32
        %dma_wait3A_291 = tpu.memref_slice %arg9[%multiple_of3A, %dma_wait3A_290] : memref<10240x64xf32, #tpu.memory_space<vmem_shared>> -> memref<640x64xf32, #tpu.memory_space<vmem_shared>>
        tpu.wait_dma2 semaphore(%run_scoped3A : memref<!tpu.dma_semaphore, #tpu.memory_space<semaphore_mem>>) src(%dma_wait3A_291 : memref<640x64xf32, #tpu.memory_space<vmem_shared>>) dst(%dma_wait3A_289 : memref<640x64xf32, #tpu.memory_space<hbm>>)
        tpu.yield
      }) : () -> ()
    } else {
    }
    %eq3A_278 = arith.constant 15 : i32
    %eq3A_279 = arith.cmpi eq, %arg1, %eq3A_278 : i32
    %convert_element_type3A_280 = arith.extui %eq3A_279 : i1 to i32
    %cond3A_281 = arith.constant 0 : i32
    %cond3A_282 = arith.cmpi ne, %convert_element_type3A_280, %cond3A_281 : i32
    scf.if %cond3A_282 {
      "tpu.region"() ({
        %run_scoped3A = tpu.sem_alloc : memref<!tpu.dma_semaphore, #tpu.memory_space<semaphore_mem>>
        %dma_start3A_283 = arith.constant 9600 : i32
        %dma_start3A_284 = arith.constant 0 : i32
        %dma_start3A_285 = tpu.memref_slice %arg5[%arg0, %dma_start3A_283, %dma_start3A_284] : memref<2x10000x64xf32, #tpu.memory_space<hbm>> -> memref<1x400x64xf32, #tpu.memory_space<hbm>>
        %dma_start3A_286 = tpu.memref_squeeze %dma_start3A_285 : memref<1x400x64xf32, #tpu.memory_space<hbm>> -> memref<400x64xf32, #tpu.memory_space<hbm>>
        %dma_start3A_287 = arith.constant 9600 : i32
        %dma_start3A_288 = arith.constant 0 : i32
        %dma_start3A_289 = tpu.memref_slice %arg9[%dma_start3A_287, %dma_start3A_288] : memref<10240x64xf32, #tpu.memory_space<vmem_shared>> -> memref<400x64xf32, #tpu.memory_space<vmem_shared>>
        tpu.enqueue_dma source(%dma_start3A_289 : memref<400x64xf32, #tpu.memory_space<vmem_shared>>) target(%dma_start3A_286 : memref<400x64xf32, #tpu.memory_space<hbm>>) target_semaphore(%run_scoped3A : memref<!tpu.dma_semaphore, #tpu.memory_space<semaphore_mem>>)
        %dma_wait3A = arith.constant 9600 : i32
        %dma_wait3A_290 = arith.constant 0 : i32
        %dma_wait3A_291 = tpu.memref_slice %arg5[%arg0, %dma_wait3A, %dma_wait3A_290] : memref<2x10000x64xf32, #tpu.memory_space<hbm>> -> memref<1x400x64xf32, #tpu.memory_space<hbm>>
        %dma_wait3A_292 = tpu.memref_squeeze %dma_wait3A_291 : memref<1x400x64xf32, #tpu.memory_space<hbm>> -> memref<400x64xf32, #tpu.memory_space<hbm>>
        %dma_wait3A_293 = arith.constant 9600 : i32
        %dma_wait3A_294 = arith.constant 0 : i32
        %dma_wait3A_295 = tpu.memref_slice %arg9[%dma_wait3A_293, %dma_wait3A_294] : memref<10240x64xf32, #tpu.memory_space<vmem_shared>> -> memref<400x64xf32, #tpu.memory_space<vmem_shared>>
        tpu.wait_dma2 semaphore(%run_scoped3A : memref<!tpu.dma_semaphore, #tpu.memory_space<semaphore_mem>>) src(%dma_wait3A_295 : memref<400x64xf32, #tpu.memory_space<vmem_shared>>) dst(%dma_wait3A_292 : memref<400x64xf32, #tpu.memory_space<hbm>>)
        tpu.yield
      }) : () -> ()
    } else {
    }
    return
  }
}

module attributes {stable_mosaic.version = 14 : i64} {
  func.func @body(%arg0: i32, %arg1: memref<1x1250x64xf32, #tpu.memory_space<vmem>>, %arg2: memref<1x1250x64xf32, #tpu.memory_space<vmem>>, %arg3: memref<128x128xf32, #tpu.memory_space<vmem>>, %arg4: memref<80xi32, #tpu.memory_space<smem>>, %arg5: memref<1x1200x1xf32, #tpu.memory_space<vmem>>, %arg6: memref<1x1250x129xf32, #tpu.memory_space<vmem>>, %arg7: memref<1x1x128xf32, #tpu.memory_space<vmem>>, %arg8: memref<16x128xf32, #tpu.memory_space<vmem>>, %arg9: memref<1250x128xf32, #tpu.memory_space<vmem>>) attributes {dimension_semantics = [#tpu.dimension_semantics<arbitrary>], iteration_bounds = array<i64: 8>, scalar_prefetch = 0 : i64, scratch_operands = 1 : i64, tpu.core_type = #tpu.core_type<tc>, window_params = [{transform_indices = @transform_0, window_bounds = array<i64: 1, 1250, 64>}, {transform_indices = @transform_1, window_bounds = array<i64: 1, 1250, 64>}, {pipeline_mode = #tpu.pipeline_mode<synchronous>, transform_indices = @transform_2, window_bounds = array<i64: 128, 128>}, {transform_indices = @transform_3, window_bounds = array<i64: 80>}, {transform_indices = @transform_4, window_bounds = array<i64: 1, 1200, 1>}, {transform_indices = @transform_5, window_bounds = array<i64: 1, 1250, 129>}, {transform_indices = @transform_6, window_bounds = array<i64: 1, 1, 128>}, {transform_indices = @transform_7, window_bounds = array<i64: 16, 128>}]} {
    %get3A = arith.constant 0 : index
    %get3A_0 = arith.constant 0 : index
    %get3A_1 = arith.constant 0 : index
    %get3A_2 = vector.load %arg1[%get3A, %get3A_0, %get3A_1] : memref<1x1250x64xf32, #tpu.memory_space<vmem>>, vector<1x1250x64xf32>
    %get3A_3 = vector.shape_cast %get3A_2 : vector<1x1250x64xf32> to vector<1250x64xf32>
    %get3A_4 = arith.constant 0 : index
    %get3A_5 = arith.constant 0 : index
    %get3A_6 = vector.load %arg3[%get3A_4, %get3A_5] : memref<128x128xf32, #tpu.memory_space<vmem>>, vector<64x128xf32>
    %dot_general3A = arith.constant dense<0.000000e+00> : vector<1250x128xf32>
    %dot_general3A_7 = tpu.matmul %get3A_3, %get3A_6, %dot_general3A {dimension_numbers = #tpu.dot_dimension_numbers<[1], [0], [0], [1], [0, 0, 1, 1], [], []>, transpose_lhs_hint = false} : vector<1250x64xf32>, vector<64x128xf32>, vector<1250x128xf32> -> vector<1250x128xf32>
    %get3A_8 = arith.constant 0 : index
    %get3A_9 = arith.constant 0 : index
    %get3A_10 = arith.constant 0 : index
    %get3A_11 = vector.load %arg2[%get3A_8, %get3A_9, %get3A_10] : memref<1x1250x64xf32, #tpu.memory_space<vmem>>, vector<1x1250x64xf32>
    %get3A_12 = vector.shape_cast %get3A_11 : vector<1x1250x64xf32> to vector<1250x64xf32>
    %get3A_13 = arith.constant 64 : index
    %get3A_14 = arith.constant 0 : index
    %get3A_15 = vector.load %arg3[%get3A_13, %get3A_14] : memref<128x128xf32, #tpu.memory_space<vmem>>, vector<64x128xf32>
    %dot_general3A_16 = arith.constant dense<0.000000e+00> : vector<1250x128xf32>
    %dot_general3A_17 = tpu.matmul %get3A_12, %get3A_15, %dot_general3A_16 {dimension_numbers = #tpu.dot_dimension_numbers<[1], [0], [0], [1], [0, 0, 1, 1], [], []>, transpose_lhs_hint = false} : vector<1250x64xf32>, vector<64x128xf32>, vector<1250x128xf32> -> vector<1250x128xf32>
    %add3A = arith.addf %dot_general3A_7, %dot_general3A_17 : vector<1250x128xf32>
    %max3A = arith.constant 0.000000e+00 : f32
    %max3A_18 = vector.broadcast %max3A : f32 to vector<1250x128xf32>
    %max3A_19 = arith.maximumf %add3A, %max3A_18 : vector<1250x128xf32>
    %get3A_20 = arith.constant 0 : index
    %get3A_21 = arith.constant 0 : index
    %get3A_22 = arith.constant 0 : index
    %get3A_23 = vector.load %arg5[%get3A_20, %get3A_21, %get3A_22] : memref<1x1200x1xf32, #tpu.memory_space<vmem>>, vector<1x1200x1xf32>
    %get3A_24 = vector.shape_cast %get3A_23 : vector<1x1200x1xf32> to vector<1200x1xf32>
    %broadcast_in_dim3A = arith.constant 0.000000e+00 : f32
    %broadcast_in_dim3A_25 = vector.broadcast %broadcast_in_dim3A : f32 to vector<50x1xf32>
    %concatenate3A = tpu.concatenate %get3A_24, %broadcast_in_dim3A_25 in 0 : vector<1200x1xf32>, vector<50x1xf32> -> vector<1250x1xf32>
    %swap3A = arith.constant 0 : index
    %swap3A_26 = arith.constant 0 : index
    %swap3A_27 = vector.load %arg9[%swap3A, %swap3A_26] : memref<1250x128xf32, #tpu.memory_space<vmem>>, vector<1250x128xf32>
    tpu.vector_store %arg9[%swap3A, %swap3A_26], %max3A_19 {strides = array<i32>} : memref<1250x128xf32, #tpu.memory_space<vmem>>, vector<1250x128xf32>,
    %concatenate3A_28 = tpu.concatenate %max3A_19, %concatenate3A in 1 : vector<1250x128xf32>, vector<1250x1xf32> -> vector<1250x129xf32>
    %swap3A_29 = arith.constant 0 : index
    %swap3A_30 = arith.constant 0 : index
    %swap3A_31 = arith.constant 0 : index
    %swap3A_32 = vector.load %arg6[%swap3A_29, %swap3A_30, %swap3A_31] : memref<1x1250x129xf32, #tpu.memory_space<vmem>>, vector<1x1250x129xf32>
    %swap3A_33 = vector.shape_cast %swap3A_32 : vector<1x1250x129xf32> to vector<1250x129xf32>
    %swap3A_34 = vector.shape_cast %concatenate3A_28 : vector<1250x129xf32> to vector<1x1250x129xf32>
    tpu.vector_store %arg6[%swap3A_29, %swap3A_30, %swap3A_31], %swap3A_34 {strides = array<i32>} : memref<1x1250x129xf32, #tpu.memory_space<vmem>>, vector<1x1250x129xf32>,
    %reduce_sum3A = arith.constant dense<0.000000e+00> : vector<128xf32>
    %reduce_sum3A_35 = vector.multi_reduction <add>, %max3A_19, %reduce_sum3A [0] : vector<1250x128xf32> to vector<128xf32>
    %broadcast_in_dim3A_36 = vector.shape_cast %reduce_sum3A_35 : vector<128xf32> to vector<1x128xf32>
    %mul3A = arith.constant 8.000000e-04 : f32
    %mul3A_37 = vector.broadcast %mul3A : f32 to vector<1x128xf32>
    %mul3A_38 = arith.mulf %broadcast_in_dim3A_36, %mul3A_37 : vector<1x128xf32>
    %swap3A_39 = arith.constant 0 : index
    %swap3A_40 = arith.constant 0 : index
    %swap3A_41 = arith.constant 0 : index
    %swap3A_42 = vector.load %arg7[%swap3A_39, %swap3A_40, %swap3A_41] : memref<1x1x128xf32, #tpu.memory_space<vmem>>, vector<1x1x128xf32>
    %swap3A_43 = vector.shape_cast %swap3A_42 : vector<1x1x128xf32> to vector<1x128xf32>
    %swap3A_44 = vector.shape_cast %mul3A_38 : vector<1x128xf32> to vector<1x1x128xf32>
    tpu.vector_store %arg7[%swap3A_39, %swap3A_40, %swap3A_41], %swap3A_44 {strides = array<i32>} : memref<1x1x128xf32, #tpu.memory_space<vmem>>, vector<1x1x128xf32>,
    %mul3A_45 = arith.constant 10 : i32
    %mul3A_46 = arith.muli %arg0, %mul3A_45 : i32
    %add3A_47 = arith.constant 0 : i32
    %add3A_48 = arith.addi %mul3A_46, %add3A_47 : i32
    %get3A_49 = arith.index_cast %add3A_48 : i32 to index
    %get3A_50 = memref.load %arg4[%get3A_49] : memref<80xi32, #tpu.memory_space<smem>>
    %get3A_51 = arith.index_cast %get3A_50 : i32 to index
    %get3A_52 = arith.constant 0 : index
    %get3A_53 = vector.load %arg9[%get3A_51, %get3A_52] : memref<1250x128xf32, #tpu.memory_space<vmem>>, vector<1x128xf32>
    %swap3A_54 = arith.constant 0 : index
    %swap3A_55 = arith.constant 0 : index
    %swap3A_56 = vector.load %arg8[%swap3A_54, %swap3A_55] : memref<16x128xf32, #tpu.memory_space<vmem>>, vector<1x128xf32>
    tpu.vector_store %arg8[%swap3A_54, %swap3A_55], %get3A_53 {strides = array<i32>} : memref<16x128xf32, #tpu.memory_space<vmem>>, vector<1x128xf32>,
    %mul3A_57 = arith.constant 10 : i32
    %mul3A_58 = arith.muli %arg0, %mul3A_57 : i32
    %add3A_59 = arith.constant 1 : i32
    %add3A_60 = arith.addi %mul3A_58, %add3A_59 : i32
    %get3A_61 = arith.index_cast %add3A_60 : i32 to index
    %get3A_62 = memref.load %arg4[%get3A_61] : memref<80xi32, #tpu.memory_space<smem>>
    %get3A_63 = arith.index_cast %get3A_62 : i32 to index
    %get3A_64 = arith.constant 0 : index
    %get3A_65 = vector.load %arg9[%get3A_63, %get3A_64] : memref<1250x128xf32, #tpu.memory_space<vmem>>, vector<1x128xf32>
    %swap3A_66 = arith.constant 1 : index
    %swap3A_67 = arith.constant 0 : index
    %swap3A_68 = vector.load %arg8[%swap3A_66, %swap3A_67] : memref<16x128xf32, #tpu.memory_space<vmem>>, vector<1x128xf32>
    tpu.vector_store %arg8[%swap3A_66, %swap3A_67], %get3A_65 {strides = array<i32>} : memref<16x128xf32, #tpu.memory_space<vmem>>, vector<1x128xf32>,
    %mul3A_69 = arith.constant 10 : i32
    %mul3A_70 = arith.muli %arg0, %mul3A_69 : i32
    %add3A_71 = arith.constant 2 : i32
    %add3A_72 = arith.addi %mul3A_70, %add3A_71 : i32
    %get3A_73 = arith.index_cast %add3A_72 : i32 to index
    %get3A_74 = memref.load %arg4[%get3A_73] : memref<80xi32, #tpu.memory_space<smem>>
    %get3A_75 = arith.index_cast %get3A_74 : i32 to index
    %get3A_76 = arith.constant 0 : index
    %get3A_77 = vector.load %arg9[%get3A_75, %get3A_76] : memref<1250x128xf32, #tpu.memory_space<vmem>>, vector<1x128xf32>
    %swap3A_78 = arith.constant 2 : index
    %swap3A_79 = arith.constant 0 : index
    %swap3A_80 = vector.load %arg8[%swap3A_78, %swap3A_79] : memref<16x128xf32, #tpu.memory_space<vmem>>, vector<1x128xf32>
    tpu.vector_store %arg8[%swap3A_78, %swap3A_79], %get3A_77 {strides = array<i32>} : memref<16x128xf32, #tpu.memory_space<vmem>>, vector<1x128xf32>,
    %mul3A_81 = arith.constant 10 : i32
    %mul3A_82 = arith.muli %arg0, %mul3A_81 : i32
    %add3A_83 = arith.constant 3 : i32
    %add3A_84 = arith.addi %mul3A_82, %add3A_83 : i32
    %get3A_85 = arith.index_cast %add3A_84 : i32 to index
    %get3A_86 = memref.load %arg4[%get3A_85] : memref<80xi32, #tpu.memory_space<smem>>
    %get3A_87 = arith.index_cast %get3A_86 : i32 to index
    %get3A_88 = arith.constant 0 : index
    %get3A_89 = vector.load %arg9[%get3A_87, %get3A_88] : memref<1250x128xf32, #tpu.memory_space<vmem>>, vector<1x128xf32>
    %swap3A_90 = arith.constant 3 : index
    %swap3A_91 = arith.constant 0 : index
    %swap3A_92 = vector.load %arg8[%swap3A_90, %swap3A_91] : memref<16x128xf32, #tpu.memory_space<vmem>>, vector<1x128xf32>
    tpu.vector_store %arg8[%swap3A_90, %swap3A_91], %get3A_89 {strides = array<i32>} : memref<16x128xf32, #tpu.memory_space<vmem>>, vector<1x128xf32>,
    %mul3A_93 = arith.constant 10 : i32
    %mul3A_94 = arith.muli %arg0, %mul3A_93 : i32
    %add3A_95 = arith.constant 4 : i32
    %add3A_96 = arith.addi %mul3A_94, %add3A_95 : i32
    %get3A_97 = arith.index_cast %add3A_96 : i32 to index
    %get3A_98 = memref.load %arg4[%get3A_97] : memref<80xi32, #tpu.memory_space<smem>>
    %get3A_99 = arith.index_cast %get3A_98 : i32 to index
    %get3A_100 = arith.constant 0 : index
    %get3A_101 = vector.load %arg9[%get3A_99, %get3A_100] : memref<1250x128xf32, #tpu.memory_space<vmem>>, vector<1x128xf32>
    %swap3A_102 = arith.constant 4 : index
    %swap3A_103 = arith.constant 0 : index
    %swap3A_104 = vector.load %arg8[%swap3A_102, %swap3A_103] : memref<16x128xf32, #tpu.memory_space<vmem>>, vector<1x128xf32>
    tpu.vector_store %arg8[%swap3A_102, %swap3A_103], %get3A_101 {strides = array<i32>} : memref<16x128xf32, #tpu.memory_space<vmem>>, vector<1x128xf32>,
    %mul3A_105 = arith.constant 10 : i32
    %mul3A_106 = arith.muli %arg0, %mul3A_105 : i32
    %add3A_107 = arith.constant 5 : i32
    %add3A_108 = arith.addi %mul3A_106, %add3A_107 : i32
    %get3A_109 = arith.index_cast %add3A_108 : i32 to index
    %get3A_110 = memref.load %arg4[%get3A_109] : memref<80xi32, #tpu.memory_space<smem>>
    %get3A_111 = arith.index_cast %get3A_110 : i32 to index
    %get3A_112 = arith.constant 0 : index
    %get3A_113 = vector.load %arg9[%get3A_111, %get3A_112] : memref<1250x128xf32, #tpu.memory_space<vmem>>, vector<1x128xf32>
    %swap3A_114 = arith.constant 5 : index
    %swap3A_115 = arith.constant 0 : index
    %swap3A_116 = vector.load %arg8[%swap3A_114, %swap3A_115] : memref<16x128xf32, #tpu.memory_space<vmem>>, vector<1x128xf32>
    tpu.vector_store %arg8[%swap3A_114, %swap3A_115], %get3A_113 {strides = array<i32>} : memref<16x128xf32, #tpu.memory_space<vmem>>, vector<1x128xf32>,
    %mul3A_117 = arith.constant 10 : i32
    %mul3A_118 = arith.muli %arg0, %mul3A_117 : i32
    %add3A_119 = arith.constant 6 : i32
    %add3A_120 = arith.addi %mul3A_118, %add3A_119 : i32
    %get3A_121 = arith.index_cast %add3A_120 : i32 to index
    %get3A_122 = memref.load %arg4[%get3A_121] : memref<80xi32, #tpu.memory_space<smem>>
    %get3A_123 = arith.index_cast %get3A_122 : i32 to index
    %get3A_124 = arith.constant 0 : index
    %get3A_125 = vector.load %arg9[%get3A_123, %get3A_124] : memref<1250x128xf32, #tpu.memory_space<vmem>>, vector<1x128xf32>
    %swap3A_126 = arith.constant 6 : index
    %swap3A_127 = arith.constant 0 : index
    %swap3A_128 = vector.load %arg8[%swap3A_126, %swap3A_127] : memref<16x128xf32, #tpu.memory_space<vmem>>, vector<1x128xf32>
    tpu.vector_store %arg8[%swap3A_126, %swap3A_127], %get3A_125 {strides = array<i32>} : memref<16x128xf32, #tpu.memory_space<vmem>>, vector<1x128xf32>,
    %mul3A_129 = arith.constant 10 : i32
    %mul3A_130 = arith.muli %arg0, %mul3A_129 : i32
    %add3A_131 = arith.constant 7 : i32
    %add3A_132 = arith.addi %mul3A_130, %add3A_131 : i32
    %get3A_133 = arith.index_cast %add3A_132 : i32 to index
    %get3A_134 = memref.load %arg4[%get3A_133] : memref<80xi32, #tpu.memory_space<smem>>
    %get3A_135 = arith.index_cast %get3A_134 : i32 to index
    %get3A_136 = arith.constant 0 : index
    %get3A_137 = vector.load %arg9[%get3A_135, %get3A_136] : memref<1250x128xf32, #tpu.memory_space<vmem>>, vector<1x128xf32>
    %swap3A_138 = arith.constant 7 : index
    %swap3A_139 = arith.constant 0 : index
    %swap3A_140 = vector.load %arg8[%swap3A_138, %swap3A_139] : memref<16x128xf32, #tpu.memory_space<vmem>>, vector<1x128xf32>
    tpu.vector_store %arg8[%swap3A_138, %swap3A_139], %get3A_137 {strides = array<i32>} : memref<16x128xf32, #tpu.memory_space<vmem>>, vector<1x128xf32>,
    %mul3A_141 = arith.constant 10 : i32
    %mul3A_142 = arith.muli %arg0, %mul3A_141 : i32
    %add3A_143 = arith.constant 8 : i32
    %add3A_144 = arith.addi %mul3A_142, %add3A_143 : i32
    %get3A_145 = arith.index_cast %add3A_144 : i32 to index
    %get3A_146 = memref.load %arg4[%get3A_145] : memref<80xi32, #tpu.memory_space<smem>>
    %get3A_147 = arith.index_cast %get3A_146 : i32 to index
    %get3A_148 = arith.constant 0 : index
    %get3A_149 = vector.load %arg9[%get3A_147, %get3A_148] : memref<1250x128xf32, #tpu.memory_space<vmem>>, vector<1x128xf32>
    %swap3A_150 = arith.constant 8 : index
    %swap3A_151 = arith.constant 0 : index
    %swap3A_152 = vector.load %arg8[%swap3A_150, %swap3A_151] : memref<16x128xf32, #tpu.memory_space<vmem>>, vector<1x128xf32>
    tpu.vector_store %arg8[%swap3A_150, %swap3A_151], %get3A_149 {strides = array<i32>} : memref<16x128xf32, #tpu.memory_space<vmem>>, vector<1x128xf32>,
    %mul3A_153 = arith.constant 10 : i32
    %mul3A_154 = arith.muli %arg0, %mul3A_153 : i32
    %add3A_155 = arith.constant 9 : i32
    %add3A_156 = arith.addi %mul3A_154, %add3A_155 : i32
    %get3A_157 = arith.index_cast %add3A_156 : i32 to index
    %get3A_158 = memref.load %arg4[%get3A_157] : memref<80xi32, #tpu.memory_space<smem>>
    %get3A_159 = arith.index_cast %get3A_158 : i32 to index
    %get3A_160 = arith.constant 0 : index
    %get3A_161 = vector.load %arg9[%get3A_159, %get3A_160] : memref<1250x128xf32, #tpu.memory_space<vmem>>, vector<1x128xf32>
    %swap3A_162 = arith.constant 9 : index
    %swap3A_163 = arith.constant 0 : index
    %swap3A_164 = vector.load %arg8[%swap3A_162, %swap3A_163] : memref<16x128xf32, #tpu.memory_space<vmem>>, vector<1x128xf32>
    tpu.vector_store %arg8[%swap3A_162, %swap3A_163], %get3A_161 {strides = array<i32>} : memref<16x128xf32, #tpu.memory_space<vmem>>, vector<1x128xf32>,
    return
  }
  func.func @transform_0(%arg0: i32) -> (i32, i32, i32) {
    %c0_i32 = arith.constant 0 : i32
    %c0_i32_0 = arith.constant 0 : i32
    %c0_i32_1 = arith.constant 0 : i32
    return %arg0, %c0_i32, %c0_i32_0 : i32, i32, i32
  }
  func.func @transform_1(%arg0: i32) -> (i32, i32, i32) {
    %c0_i32 = arith.constant 0 : i32
    %c0_i32_0 = arith.constant 0 : i32
    %c0_i32_1 = arith.constant 0 : i32
    return %arg0, %c0_i32, %c0_i32_0 : i32, i32, i32
  }
  func.func @transform_2(%arg0: i32) -> (i32, i32) {
    %c0_i32 = arith.constant 0 : i32
    %c0_i32_0 = arith.constant 0 : i32
    %c0_i32_1 = arith.constant 0 : i32
    return %c0_i32, %c0_i32_0 : i32, i32
  }
  func.func @transform_3(%arg0: i32) -> i32 {
    %c0_i32 = arith.constant 0 : i32
    %c0_i32_0 = arith.constant 0 : i32
    return %c0_i32 : i32
  }
  func.func @transform_4(%arg0: i32) -> (i32, i32, i32) {
    %c0_i32 = arith.constant 0 : i32
    %c0_i32_0 = arith.constant 0 : i32
    %c0_i32_1 = arith.constant 0 : i32
    return %arg0, %c0_i32, %c0_i32_0 : i32, i32, i32
  }
  func.func @transform_5(%arg0: i32) -> (i32, i32, i32) {
    %c0_i32 = arith.constant 0 : i32
    %c0_i32_0 = arith.constant 0 : i32
    %c0_i32_1 = arith.constant 0 : i32
    return %arg0, %c0_i32, %c0_i32_0 : i32, i32, i32
  }
  func.func @transform_6(%arg0: i32) -> (i32, i32, i32) {
    %c0_i32 = arith.constant 0 : i32
    %c0_i32_0 = arith.constant 0 : i32
    %c0_i32_1 = arith.constant 0 : i32
    return %arg0, %c0_i32, %c0_i32_0 : i32, i32, i32
  }
  func.func @transform_7(%arg0: i32) -> (i32, i32) {
    %c0_i32 = arith.constant 0 : i32
    %c0_i32_0 = arith.constant 0 : i32
    return %arg0, %c0_i32 : i32, i32
  }
}

</mosaic_0001>

<sc_bundles>
// kernel: kernel.4.cloned.1.call-start
scs
__scs_entry_jumppad:
0x0: {  	(pc) =	sbr.rel $0x88, $3  }
0x1: {  	(tag) =	ssettag $0x0;
	lr =	simm.s32 $0x1  }
0x2: {  	[smem:$0x3F99] =	sst lr;
	_ =	strace $0xD0000000  }
0x3: {  	_ = 	snop  }
0x4: {  	_ = 	snop  }
0x5: {  	_ = 	snop  }
0x6: {  	_ = 	snop  }
0x7: {  	_ = 	snop  }
__scs_overlays_trampoline_lowered:
0x8: {  	[smem:$0x3FA8] =	sst s0  }
0x9: {  	[smem:$0x3FA9] =	sst s1  }
0xa: {  	[smem:$0x3FAA] =	sst s2  }
0xb: {  	[smem:$0x3FAB] =	sst s3  }
0xc: {  	[smem:$0x3FAC] =	sst s4  }
0xd: {  	[smem:$0x3FAD] =	sst s5  }
0xe: {  	[smem:$0x3FAE] =	sst s6  }
0xf: {  	[smem:$0x3FAF] =	sst s7  }
0x10: {  	[smem:$0x3FB0] =	sst s8  }
0x11: {  	[smem:$0x3FB1] =	sst s9;
	s0 =	simm.s32 @!p0 $0x0  }
0x12: {  	s1 =	sld [smem:$0x3F97];
	s0 =	simm.s32 @p0 $0x1  }
0x13: {  	[smem:$0x3FB2] =	sst s0;
	s0 =	simm.s32 @!p1 $0x0  }
0x14: {  	s2 =	sld [smem:$0x3F96];
	s0 =	simm.s32 @p1 $0x1  }
0x15: {  	[smem:$0x3FB3] =	sst s0;
	s0 =	simm.s32 @!p2 $0x0  }
0x16: {  	s3 =	sld [smem:$0x3FDB];
	s0 =	simm.s32 @p2 $0x1  }
0x17: {  	s4 =	simm.s32 $0x1BF5;
	[smem:$0x3FB5] =	sst s0  }
0x18: {  	s0 =	sld [smem:$0x3F98];
	_ =	swait.ge [sflag:s4], $0x0  }
0x19: {  	s7 =	sld [smem:$0x3F99]  }
0x1a: {  	s8 =	sadd.s32 $0xFFFFE003, lr  }
0x1b: {  	s9 =	sadd.s32 $0xFFFFFEF7, lr;
	s5 =	simm.s32 $0xFFFFFFFF;
	p2 =	slt.u32 s8, $0xFFFFF086  }
0x1c: {  	p1 =	slt.u32 s9, $0xF7A;
	s5 =	simm.s32 @!p2 $0x0  }
0x1d: {  	s5 =	simm.s32 @p1 $0x1;
	p0 =	seq.s32 s7, s2  }
0x1e: {  	s7 =	smul.u32 @!p0 $0xF7A, s2;
	p2 =	seq.s32 @!p0 s5, $0x0  }
0x1f: {  	s9 =	smul.u32 $0xF7A, s1;
	s8 =	simm.s32 @!p0 $0x1BF5;
	p2 =	por !p2, p0  }
0x20: {  	[sflag:s8] =	ssyncset.s32 @!p0 $0xFFFFF086;
	s6 =	sadd.s32 @!p0 s3, s7;
	s7 =	simm.s32 @!p0 $0x108  }
0x21: {  	s3 =	sadd.s32 s3, s9;
	s6 =	sadd.s32 @!p0 $0x88, s6;
	s7 =	simm.s32 @p2 $0x1082  }
0x22: {  	[simem:s7], [sflag:s8] =	dma.local @!p0 [hbm:s6], $0xF7A  }
0x23: {  	s9 =	sor.u32 $0xD0000000, s2;
	s6 =	simm.s32 $0x108;
	_ =	swait.ge @!p0 [sflag:s8], $0x0  }
0x24: {  	s3 =	sadd.s32 $0x88, s3;
	s6 =	simm.s32 @!p1 $0x1082;
	[sflag:s4] =	ssyncset.s32 $0xFFFFF086  }
0x25: {  	[simem:s6], [sflag:s4] =	dma.local [hbm:s3], $0xF7A  }
0x26: {  	[smem:$0x3F99] =	sst s1;
	(tag) =	ssettag s2;
	_ =	strace s9  }
0x27: {  	s1 =	sld [smem:$0x3FA9]  }
0x28: {  	s2 =	sld [smem:$0x3FAA]  }
0x29: {  	s4 =	sld [smem:$0x3FAC]  }
0x2a: {  	p0 =	seq.s32 s5, $0x0;
	s5 =	sld [smem:$0x3FAD]  }
0x2b: {  	s6 =	sld [smem:$0x3FAE]  }
0x2c: {  	s7 =	sld [smem:$0x3FAF]  }
0x2d: {  	s3 =	simm.s32 $0x108;
	s8 =	sld [smem:$0x3FB0]  }
0x2e: {  	s3 =	simm.s32 @!p0 $0x1082;
	s9 =	sld [smem:$0x3FB1]  }
0x2f: {  	lr =	sadd.s32 s0, s3;
	s0 =	sld [smem:$0x3FA8]  }
0x30: {  	s3 =	sld [smem:$0x3FAB]  }
0x31: {  	[smem:$0x3FB4] =	sst s10  }
0x32: {  	s10 =	sld [smem:$0x3FB2];
	_ =	sdelay $0x3  }
0x33: {  	p0 =	seq.s32 s10, $0x1;
	s10 =	sld [smem:$0x3FB4];
	_ =	sdelay $0x3  }
0x34: {  	[smem:$0x3FB4] =	sst s10  }
0x35: {  	s10 =	sld [smem:$0x3FB3];
	_ =	sdelay $0x3  }
0x36: {  	p1 =	seq.s32 s10, $0x1;
	s10 =	sld [smem:$0x3FB4];
	_ =	sdelay $0x3  }
0x37: {  	[smem:$0x3FB4] =	sst s10  }
0x38: {  	s10 =	sld [smem:$0x3FB5]  }
0x39: {  	_ = 	snop;
	(pc) =	sbr.ind lr, $3  }
0x3a: {  	_ = 	snop  }
0x3b: {  	_ = 	snop  }
0x3c: {  	p2 =	seq.s32 s10, $0x1;
	s10 =	sld [smem:$0x3FB4]  }
0x3d: {  	_ =	shalt  }
0x3e: {  	_ =	shalt  }
0x3f: {  	_ =	shalt  }
0x40: {  	_ =	shalt  }
0x41: {  	_ =	shalt  }
0x42: {  	_ =	shalt  }
0x43: {  	_ =	shalt  }
0x44: {  	_ =	shalt  }
0x45: {  	_ =	shalt  }
0x46: {  	_ =	shalt  }
0x47: {  	_ =	shalt  }
0x48: {  	_ =	shalt  }
0x49: {  	_ =	shalt  }
0x4a: {  	_ =	shalt  }
0x4b: {  	_ =	shalt  }
0x4c: {  	_ =	shalt  }
0x4d: {  	_ =	shalt  }
0x4e: {  	_ =	shalt  }
0x4f: {  	_ =	shalt  }
0x50: {  	_ =	shalt  }
0x51: {  	_ =	shalt  }
0x52: {  	_ =	shalt  }
0x53: {  	_ =	shalt  }
0x54: {  	_ =	shalt  }
0x55: {  	_ =	shalt  }
0x56: {  	_ =	shalt  }
0x57: {  	_ =	shalt  }
0x58: {  	_ =	shalt  }
0x59: {  	_ =	shalt  }
0x5a: {  	_ =	shalt  }
0x5b: {  	_ =	shalt  }
0x5c: {  	_ =	shalt  }
0x5d: {  	_ =	shalt  }
0x5e: {  	_ =	shalt  }
0x5f: {  	_ =	shalt  }
0x60: {  	_ =	shalt  }
0x61: {  	_ =	shalt  }
0x62: {  	_ =	shalt  }
0x63: {  	_ =	shalt  }
0x64: {  	_ =	shalt  }
0x65: {  	_ =	shalt  }
0x66: {  	_ =	shalt  }
0x67: {  	_ =	shalt  }
0x68: {  	_ =	shalt  }
0x69: {  	_ =	shalt  }
0x6a: {  	_ =	shalt  }
0x6b: {  	_ =	shalt  }
0x6c: {  	_ =	shalt  }
0x6d: {  	_ =	shalt  }
0x6e: {  	_ =	shalt  }
0x6f: {  	_ =	shalt  }
0x70: {  	_ =	shalt  }
0x71: {  	_ =	shalt  }
0x72: {  	_ =	shalt  }
0x73: {  	_ =	shalt  }
0x74: {  	_ =	shalt  }
0x75: {  	_ =	shalt  }
0x76: {  	_ =	shalt  }
0x77: {  	_ =	shalt  }
0x78: {  	_ =	shalt  }
0x79: {  	_ =	shalt  }
0x7a: {  	_ =	shalt  }
0x7b: {  	_ =	shalt  }
0x7c: {  	_ =	shalt  }
0x7d: {  	_ =	shalt  }
0x7e: {  	_ =	shalt  }
0x7f: {  	_ =	shalt  }
0x80: {  	_ =	shalt  }
0x81: {  	_ =	shalt  }
0x82: {  	_ =	shalt  }
0x83: {  	_ =	shalt  }
0x84: {  	_ =	shalt  }
0x85: {  	_ =	shalt  }
0x86: {  	_ =	shalt  }
0x87: {  	_ =	shalt  }
.Lfunc_end0:
.L_simem_size_0:
called_computation_lowered:
.L_overlay_start_0:
0x88: {  	s2 =	sld [smem:$0x3FD9]  }
0x89: {  	s3 =	sld [smem:$0x3FFE];
	_ =	sdelay $0x1  }
0x8a: {  	s1 =	srdreg.scid  }
0x8b: {  	s0 =	sand.u32 $0x1, s1  }
0x8c: {  	s14 =	sshll.u32 s0, $0xA;
	s2 =	sadd.s32 s3, s2  }
0x8d: {  	s2 =	sadd.s32 s2, s14  }
0x8e: {  	[smem:$0x3FC0] =	sst s2  }
0x8f: {  	_ = 	snop  }
0x90: {  	s2 =	sld [smem:$0x3FD0];
	_ =	sdelay $0x2  }
0x91: {  	s4 =	simm.s32 $0xA;
	s5 =	simm.s32 $0x10;
	s15 =	sld [smem:$0x3FC9]  }
0x92: {  	[smem:s5], [sflag:s4] =	dma.local [hbm:s2], $0x1  }
0x93: {  	_ =	swait.eq [sflag:s4], $0x1  }
0x94: {  	[sflag:s4] =	ssyncset.done $0x0  }
0x95: {  	[sflag:s4] =	ssyncadd.s32 $0xFFFFFFFF  }
0x96: {  	s16 =	sld [smem:$0x11];
	(tm) =	ssettm $0x1  }
0x97: {  	s17 =	sld [smem:$0x3FFB];
	_ =	sdelay $0x3  }
0x98: {  	_ =	strace s17  }
0x99: {  	s4 =	sld [smem:$0x3FFC];
	_ =	sdelay $0x3  }
0x9a: {  	_ =	strace s4  }
0x9b: {  	s4 =	sld [smem:$0x3FFD];
	_ =	sdelay $0x3  }
0x9c: {  	_ =	strace s4  }
0x9d: {  	_ =	strace $0x8FFFFFFF  }
0x9e: {  	s18 =	sld [smem:$0x3FDB];
	_ =	sdelay $0x1  }
0x9f: {  	s19 =	simm.s32 $_scs_section_size  }
0xa0: {  	s6 =	simm.s32 $_size__tile_overlayer_lowered;
	s7 =	simm.s32 $_tile_overlayer_lowered  }
0xa1: {  	s22 =	simm.s32 $0x1BFF;
	s21 =	sshll.u32 s7, $0x1;
	s4 =	sadd.s32 s19, s18  }
0xa2: {  	s8 =	simm.s32 $0x0;
	s20 =	sshll.u32 s6, $0x1;
	s6 =	sadd.s32 s21, s4  }
0xa3: {  	[timem:s8], [sflag:s22] =	dma.local [hbm:s6], s20  }
0xa4: {  	_ =	swait.ge [sflag:s22], s20  }
0xa5: {  	s5 =	ssub.s32 $0x0, s20;
	[sflag:s22] =	ssyncset.done $0x0  }
0xa6: {  	[sflag:s22] =	ssyncadd.s32 s5;
	_ =	sdelay $0x1  }
0xa7: {  	s23 =	simm.s32 $0x1B8B  }
0xa8: {  	_ =	swait.ge [sflag:s23], $0x1  }
0xa9: {  	[sflag:s23] =	ssyncset.done $0x0  }
0xaa: {  	s25 =	simm.s32 $0x1B8E;
	s24 =	sld [smem:$0x3FFE];
	[sflag:s23] =	ssyncadd.s32 $0xFFFFFFFF  }
0xab: {  	s26 =	simm.s32 $execute0_lowered;
	[smem:$0x3FD2] =	sst s25  }
0xac: {  	s6 =	sshll.u32 s26, $0x1;
	_ =	strace $0x80000046;
	[dreg:$0x1] =	wrdreg $0xFFFFFFFF  }
0xad: {  	s28 =	simm.s32 $_size_execute0_lowered;
	s4 =	sadd.s32 s4, s6;
	[dreg:$0x0] =	wrdreg $0x0  }
0xae: {  	s6 =	sshll.u32 s28, $0x1;
	[dreg:$0x2] =	wrdreg s4  }
0xaf: {  	[dreg:$0x3] =	wrdreg s6  }
0xb0: {  	[dreg:$0x4] =	wrdreg $0xC0  }
0xb1: {  	_ =	task [dreg:s8], $0x5FFFF  }
0xb2: {  	[dreg:$0x1] =	wrdreg $0xFFFFFFFF  }
0xb3: {  	[dreg:$0x0] =	wrdreg $0x60  }
0xb4: {  	[dreg:$0x2] =	wrdreg s24  }
0xb5: {  	[dreg:$0x3] =	wrdreg s15  }
0xb6: {  	[dreg:$0x4] =	wrdreg s16  }
0xb7: {  	[dreg:$0x5] =	wrdreg $0xA8000  }
0xb8: {  	[dreg:$0x6] =	wrdreg $0x148000  }
0xb9: {  	[dreg:$0x7] =	wrdreg $0x9  }
0xba: {  	_ =	task.clear_ibuf [dreg:s8], $0x8FFFF;
	_ =	strace $0x90000046  }
0xbb: {  	s29 =	simm.s32 $0x9;
	_ =	strace $0x80000048  }
0xbc: {  	_ =	swait.ge [sflag:s29], $0x1  }
0xbd: {  	[sflag:s29] =	ssyncadd.s32 $0xFFFFFFFF  }
0xbe: {  	_ =	strace $0x90000048  }
0xbf: {  	_ =	sfence  }
0xc0: {  	s30 =	sld [smem:$0x0];
	_ =	sdelay $0x2  }
0xc1: {  	s31 =	sshll.u32 s1, $0xD;
	s1 =	sshrl.u32 s1, $0x2  }
0xc2: {  	s3 =	sand.u32 $0x4000, s31;
	s1 =	sadd.s32 s1, s30  }
0xc3: {  	s0 =	sor.u32 s3, s0;
	s1 =	sshll.u32 s1, $0x11  }
0xc4: {  	s0 =	sor.u32 s1, s0  }
0xc5: {  	s0 =	sadd.s32 $0x8F2B, s0  }
0xc6: {  	[sflag:s0] =	ssyncadd.remote.s32 $0x1  }
0xc7: {  	_ =	sfence.sel $0xFFFF  }
0xc8: {  	[dreg:$0x0] =	wrdreg $0xFFFFFFFF;
	(pc) =	sbr.abs _section_cstart, $3  }
0xc9: {  	[dreg:$0x1] =	wrdreg $0xFFFFFFFF  }
0xca: {  	_ =	task.clear_ibuf [dreg:s8], $0x2FFFF;
	_ =	strace $0x9FFFFFFF  }
0xcb: {  	(tm) =	ssettm $0x7FFFFFFF  }
tec
execute0_lowered:
.L_overlay_start_1:
0x0: {  	(tag) =	ssettag $0x1  }
0x1: {  	s0 =	rddreg [dreg:$0x0]  }
0x2: {  	s3 =	rddreg [dreg:$0x1]  }
0x3: {  	s4 =	rddreg [dreg:$0x2]  }
0x4: {  	s1 =	rddreg [dreg:$0x3]  }
0x5: {  	s2 =	rddreg [dreg:$0x4];
	s5 =	simm.s32 $0x0  }
0x6: {  	s26 =	srdreg.scid;
	s15 =	stileid.u32;
	s29 =	simm.s32 $0x6800  }
0x7: {  	s30 =	simm.s32 $0x180;
	s31 =	simm.s32 $0x8800;
	s6 =	smul.u32 $0x14000, s15  }
0x8: {  	[smem:$0x7FF] =	sst s5;
	s5 =	sand.u32 $0x1, s26;
	s9 =	smul.u32 $0xA000, s15  }
0x9: {  	s7 =	sadd.s32 $0xA600, s0;
	s0 =	sadd.s32 $0x600, s0;
	s13 =	smul.u32 $0x5000, s15  }
0xa: {  	s14 =	sadd.s32 $0x96000, s1;
	p0 =	seq.s32 s15, $0xF;
	s15 =	simm.s32 $0x2700  }
0xb: {  	_ =	strace $0x80000047;
	s8 =	ssub.s32 $0x2, s5;
	s11 =	sshll.u32 s5, $0x6  }
0xc: {  	[dreg:$0x8] =	wrdreg s14;
	s10 =	sshrl.u32 s8, $0x1;
	s6 =	sor.u32 s11, s6  }
0xd: {  	s28 =	sadd.s32 s9, s1;
	s11 =	sshll.u32 s5, $0x3;
	s12 =	sadd.s32 s9, s2  }
0xe: {  	s16 =	sshrl.u32 s13, $0x3;
	s5 =	smul.u32 $0x9C400, s5;
	s10 =	ssub.s32 s8, s10  }
0xf: {  	[dreg:$0x6] =	wrdreg s28;
	s6 =	sshrl.u32 s6, $0x3;
	s17 =	sadd.s32 s7, s16  }
0x10: {  	s18 =	sadd.s32 s0, s16;
	s13 =	sadd.s32 $0x280, s16;
	s14 =	sadd.s32 $0x500, s16  }
0x11: {  	s6 =	sadd.s32 s3, s6;
	s3 =	sadd.s32 s11, s3;
	[dreg:$0xa] =	wrdreg s17  }
0x12: {  	s11 =	sadd.s32 $0x96000, s2;
	[dreg:$0xb] =	wrdreg s18;
	s19 =	sadd.s32 s7, s13  }
0x13: {  	s20 =	sadd.s32 s0, s13;
	s21 =	sadd.s32 s7, s14;
	s22 =	sadd.s32 s0, s14  }
0x14: {  	s9 =	sadd.s32 s9, s5;
	s5 =	sshrl.u32 s5, $0x3;
	[dreg:$0x7] =	wrdreg s6  }
0x15: {  	s28 =	smax.u32 s10, $0x1;
	s10 =	simm.s32 $0x6;
	[dreg:$0xc] =	wrdreg s19  }
0x16: {  	s13 =	simm.s32 $0x2600;
	s14 =	simm.s32 $0x2680;
	[dreg:$0xd] =	wrdreg s20  }
0x17: {  	s17 =	simm.s32 $0x0;
	s3 =	sadd.s32 $0x25800, s3;
	[dreg:$0xe] =	wrdreg s21  }
0x18: {  	[dreg:$0xf] =	wrdreg s22;
	s24 =	sshrl.u32 s9, $0x3;
	s26 =	sadd.s32 s4, s5  }
0x19: {  	[dreg:$0x14] =	wrdreg s28;
	s22 =	simm.s32 $0x9;
	s5 =	simm.s32 $0x3  }
0x1a: {  	s9 =	simm.s32 $0x5;
	[dreg:$0x9] =	wrdreg s3;
	s3 =	sadd.s32 $0x780, s16  }
0x1b: {  	s25 =	sadd.s32 s4, s24;
	s24 =	simm.s32 $0x80;
	s16 =	simm.s32 $0x2780  }
0x1c: {  	s23 =	sadd.s32 s7, s3;
	s0 =	sadd.s32 s0, s3;
	[dreg:$0x12] =	wrdreg s25  }
0x1d: {  	s25 =	simm.s32 $0x2800;
	s3 =	simm.s32 $0x2;
	[dreg:$0x10] =	wrdreg s23  }
0x1e: {  	s7 =	simm.s32 $0x4;
	[dreg:$0x11] =	wrdreg s0;
	s0 =	sadd.s32 $0x12C00, s26  }
0x1f: {  	s26 =	simm.s32 $0x4800;
	[dreg:$0x13] =	wrdreg s0;
	s0 =	sshrl.u32 @p0 s11, $0x3  }
0x20: {  	s11 =	simm.s32 $0x7;
	[dreg:$0x15] =	wrdreg s0;
	s0 =	sshrl.u32 @!p0 s12, $0x3  }
0x21: {  	s12 =	simm.s32 $0x8;
	[dreg:$0x16] =	wrdreg s0;
	s0 =	simm.s32 $0x1  }
.LBB2_1:
0x22: {  	s4 =	rddreg [dreg:$0x8];
	s19 =	simm.s32 @p0 $0x8  }
0x23: {  	s20 =	simm.s32 @p0 $0x10;
	s21 =	simm.s32 @p0 $0x1FC9;
	s8 =	rddreg [dreg:$0x9]  }
0x24: {  	s6 =	simm.s32 @p0 $0x9;
	s18 =	sshrl.u32 @p0 s4, $0x3;
	s4 =	simm.s32 @p0 $0x1  }
0x25: {  	[spmem:s18@s19], [sflag:s21] =	dma.strided @p0 [hbm:s8@s20], $0xC80, s4, $0x8   }
0x26: {  	_ =	swait.ge @p0 [sflag:s6], $0xC80  }
0x27: {  	[sflag:s6] =	ssyncset.done @p0 $0x0  }
0x28: {  	s23 =	rddreg [dreg:$0x15];
	[sflag:s6] =	ssyncadd.s32 @p0 $0xFFFFF380  }
0x29: {  	[spmem:s23@s19], [sflag:s21] =	dma.strided @p0 [hbm:s8@s20], $0xC80, s4, $0x8   }
0x2a: {  	s4 =	stileid.u32  }
0x2b: {  	s21 =	simm.s32 @!p0 $0x10;
	_ =	swait.ge @p0 [sflag:s6], $0xC80;
	s4 =	sshll.u32 @!p0 s4, $0x6  }
0x2c: {  	[sflag:s6] =	ssyncset.done @p0 $0x0;
	s19 =	sor.u32 @!p0 $0x1C09, s4;
	s4 =	rddreg [dreg:$0x6]  }
0x2d: {  	s8 =	simm.s32 @!p0 $0x9;
	s23 =	rddreg [dreg:$0x7];
	[sflag:s6] =	ssyncadd.s32 @p0 $0xFFFFF380  }
0x2e: {  	s20 =	sshrl.u32 @!p0 s4, $0x3;
	s4 =	simm.s32 @!p0 $0x1;
	s6 =	simm.s32 @!p0 $0x8  }
0x2f: {  	[spmem:s20@s6], [sflag:s19] =	dma.strided @!p0 [hbm:s23@s21], $0x1400, s4, $0x8   }
0x30: {  	_ =	swait.ge @!p0 [sflag:s8], $0x1400  }
0x31: {  	[sflag:s8] =	ssyncset.done @!p0 $0x0  }
0x32: {  	s28 =	rddreg [dreg:$0x16];
	[sflag:s8] =	ssyncadd.s32 @!p0 $0xFFFFEC00  }
0x33: {  	[spmem:s28@s6], [sflag:s19] =	dma.strided @!p0 [hbm:s23@s21], $0x1400, s4, $0x8   }
0x34: {  	_ =	swait.ge @!p0 [sflag:s8], $0x1400  }
0x35: {  	[sflag:s8] =	ssyncset.done @!p0 $0x0  }
0x36: {  	[sflag:s8] =	ssyncadd.s32 @!p0 $0xFFFFEC00  }
0x37: {  	[bflag:$0x0] =	sbarrier.arrive $0xFFFF  }
0x38: {  	s28 =	simm.s32 $0x0;
	s21 =	rddreg [dreg:$0xa]  }
0x39: {  	[tilespmem:s28], [sflag:$0x9] =	stream.linear.gather [hbm4b:s21+s28], $0x1400, $0x38;
	[tilespmem:$0x1E440] =	vst v63  }
0x3a: {  	_ =	swait.ge [sflag:s22], $0x1400  }
0x3b: {  	[sflag:s22] =	ssyncset.done $0x0  }
0x3c: {  	s8 =	simm.s32 $0x1400;
	s23 =	rddreg [dreg:$0xb];
	[sflag:s22] =	ssyncadd.s32 $0xFFFFEC00  }
0x3d: {  	[tilespmem:s8], [sflag:$0x9] =	stream.linear.gather [hbm4b:s23+s28], $0x1400, $0x38;
	[tilespmem:$0x1E440] =	vst v63  }
0x3e: {  	_ =	swait.ge [sflag:s22], $0x1400  }
0x3f: {  	[sflag:s22] =	ssyncset.done $0x0  }
0x40: {  	[sflag:s22] =	ssyncadd.s32 $0xFFFFEC00  }
0x41: {  	[tilespmem:s25], [sflag:$0x1] =	stream.indirect.gather [spmem:s2], $0x40, s28, s24, $0xb8;
	[tilespmem:$0x1E440] =	vst v63  }
0x42: {  	_ = 	snop  }
0x43: {  	[tilespmem:s26], [sflag:$0x2] =	stream.indirect.gather [spmem:s2], $0x40, s24, s24, $0xb8;
	[tilespmem:$0x1E440] =	vst v63  }
0x44: {  	s23 =	simm.s32 $0x100  }
0x45: {  	[tilespmem:s29], [sflag:$0x3] =	stream.indirect.gather [spmem:s2], $0x40, s23, s24, $0xb8;
	[tilespmem:$0x1E440] =	vst v63  }
0x46: {  	_ = 	snop  }
0x47: {  	[tilespmem:s31], [sflag:$0x4] =	stream.indirect.gather [spmem:s2], $0x40, s30, s24, $0xb8;
	[tilespmem:$0x1E440] =	vst v63  }
0x48: {  	_ =	swait.ge [sflag:s0], $0x2000  }
0x49: {  	[sflag:s0] =	ssyncset.done $0x0  }
0x4a: {  	s28 =	simm.s32 $0x1400;
	[sflag:s0] =	ssyncadd.s32 $0xFFFFE000  }
0x4b: {  	[spmem:s1] =	stream.indirect.scatter.add.f32 [tilespmem:s25], [sflag:$0x5], $0x40, s28, s24, $0xb8;
	[tilespmem:$0x1E440] =	vst v63  }
0x4c: {  	_ =	swait.ge [sflag:s3], $0x2000  }
0x4d: {  	[sflag:s3] =	ssyncset.done $0x0  }
0x4e: {  	s6 =	simm.s32 $0x1480;
	[sflag:s3] =	ssyncadd.s32 $0xFFFFE000  }
0x4f: {  	[spmem:s1] =	stream.indirect.scatter.add.f32 [tilespmem:s26], [sflag:$0x6], $0x40, s6, s24, $0xb8;
	[tilespmem:$0x1E440] =	vst v63  }
0x50: {  	_ =	swait.ge [sflag:s5], $0x2000  }
0x51: {  	[sflag:s5] =	ssyncset.done $0x0  }
0x52: {  	s21 =	simm.s32 $0x1500;
	[sflag:s5] =	ssyncadd.s32 $0xFFFFE000  }
0x53: {  	[spmem:s1] =	stream.indirect.scatter.add.f32 [tilespmem:s29], [sflag:$0x7], $0x40, s21, s24, $0xb8;
	[tilespmem:$0x1E440] =	vst v63  }
0x54: {  	_ =	swait.ge [sflag:s7], $0x2000  }
0x55: {  	[sflag:s7] =	ssyncset.done $0x0  }
0x56: {  	s28 =	simm.s32 $0x1580;
	[sflag:s7] =	ssyncadd.s32 $0xFFFFE000  }
0x57: {  	[spmem:s1] =	stream.indirect.scatter.add.f32 [tilespmem:s31], [sflag:$0x8], $0x40, s28, s24, $0xb8;
	[tilespmem:$0x1E440] =	vst v63  }
0x58: {  	_ =	swait.ge [sflag:s9], $0x2000  }
0x59: {  	[sflag:s9] =	ssyncset.done $0x0  }
0x5a: {  	s6 =	simm.s32 $0x200;
	[sflag:s9] =	ssyncadd.s32 $0xFFFFE000  }
0x5b: {  	[tilespmem:s25], [sflag:$0x1] =	stream.indirect.gather [spmem:s2], $0x40, s6, s24, $0xb8;
	[tilespmem:$0x1E440] =	vst v63  }
0x5c: {  	_ =	swait.ge [sflag:s10], $0x2000  }
0x5d: {  	[sflag:s10] =	ssyncset.done $0x0  }
0x5e: {  	s21 =	simm.s32 $0x280;
	[sflag:s10] =	ssyncadd.s32 $0xFFFFE000  }
0x5f: {  	[tilespmem:s26], [sflag:$0x2] =	stream.indirect.gather [spmem:s2], $0x40, s21, s24, $0xb8;
	[tilespmem:$0x1E440] =	vst v63  }
0x60: {  	_ =	swait.ge [sflag:s11], $0x2000  }
0x61: {  	[sflag:s11] =	ssyncset.done $0x0  }
0x62: {  	s28 =	simm.s32 $0x300;
	[sflag:s11] =	ssyncadd.s32 $0xFFFFE000  }
0x63: {  	[tilespmem:s29], [sflag:$0x3] =	stream.indirect.gather [spmem:s2], $0x40, s28, s24, $0xb8;
	[tilespmem:$0x1E440] =	vst v63  }
0x64: {  	_ =	swait.ge [sflag:s12], $0x2000  }
0x65: {  	[sflag:s12] =	ssyncset.done $0x0  }
0x66: {  	s4 =	simm.s32 $0x380;
	s21 =	simm.s32 $0x800;
	[sflag:s12] =	ssyncadd.s32 $0xFFFFE000  }
.LBB2_2:
0x67: {  	[tilespmem:s31], [sflag:$0x4] =	stream.indirect.gather [spmem:s2], $0x40, s4, s24, $0xb8;
	[tilespmem:$0x1E440] =	vst v63  }
0x68: {  	s4 =	smov.u32 s21  }
0x69: {  	p1 =	sne.s32 s21, $0x4000;
	s21 =	sadd.s32 $0x800, s21;
	_ =	swait.ge [sflag:s0], $0x2000  }
0x6a: {  	s4 =	sshra.s32 s4, $0x2;
	[sflag:s0] =	ssyncset.done $0x0  }
0x6b: {  	s6 =	sadd.s32 $0x1400, s4;
	[sflag:s0] =	ssyncadd.s32 $0xFFFFE000  }
0x6c: {  	[spmem:s1] =	stream.indirect.scatter.add.f32 [tilespmem:s25], [sflag:$0x5], $0x40, s6, s24, $0xb8;
	[tilespmem:$0x1E440] =	vst v63  }
0x6d: {  	_ =	swait.ge [sflag:s3], $0x2000  }
0x6e: {  	[sflag:s3] =	ssyncset.done $0x0  }
0x6f: {  	s6 =	sadd.s32 $0x1480, s4;
	[sflag:s3] =	ssyncadd.s32 $0xFFFFE000  }
0x70: {  	[spmem:s1] =	stream.indirect.scatter.add.f32 [tilespmem:s26], [sflag:$0x6], $0x40, s6, s24, $0xb8;
	[tilespmem:$0x1E440] =	vst v63  }
0x71: {  	_ =	swait.ge [sflag:s5], $0x2000  }
0x72: {  	[sflag:s5] =	ssyncset.done $0x0  }
0x73: {  	s6 =	sadd.s32 $0x1500, s4;
	[sflag:s5] =	ssyncadd.s32 $0xFFFFE000  }
0x74: {  	[spmem:s1] =	stream.indirect.scatter.add.f32 [tilespmem:s29], [sflag:$0x7], $0x40, s6, s24, $0xb8;
	[tilespmem:$0x1E440] =	vst v63  }
0x75: {  	_ =	swait.ge [sflag:s7], $0x2000  }
0x76: {  	[sflag:s7] =	ssyncset.done $0x0  }
0x77: {  	s6 =	sadd.s32 $0x1580, s4;
	[sflag:s7] =	ssyncadd.s32 $0xFFFFE000  }
0x78: {  	[spmem:s1] =	stream.indirect.scatter.add.f32 [tilespmem:s31], [sflag:$0x8], $0x40, s6, s24, $0xb8;
	[tilespmem:$0x1E440] =	vst v63  }
0x79: {  	_ =	swait.ge [sflag:s9], $0x2000  }
0x7a: {  	[sflag:s9] =	ssyncset.done $0x0  }
0x7b: {  	s6 =	sadd.s32 $0x200, s4;
	[sflag:s9] =	ssyncadd.s32 $0xFFFFE000  }
0x7c: {  	[tilespmem:s25], [sflag:$0x1] =	stream.indirect.gather [spmem:s2], $0x40, s6, s24, $0xb8;
	[tilespmem:$0x1E440] =	vst v63  }
0x7d: {  	_ =	swait.ge [sflag:s10], $0x2000  }
0x7e: {  	[sflag:s10] =	ssyncset.done $0x0  }
0x7f: {  	s6 =	sadd.s32 $0x280, s4;
	[sflag:s10] =	ssyncadd.s32 $0xFFFFE000  }
0x80: {  	[tilespmem:s26], [sflag:$0x2] =	stream.indirect.gather [spmem:s2], $0x40, s6, s24, $0xb8;
	[tilespmem:$0x1E440] =	vst v63  }
0x81: {  	_ =	swait.ge [sflag:s11], $0x2000  }
0x82: {  	[sflag:s11] =	ssyncset.done $0x0  }
.Ltmp0:
0x83: {  	s6 =	sadd.s32 $0x300, s4;
	[sflag:s11] =	ssyncadd.s32 $0xFFFFE000;
	(pc) =	sbr.rel @p1 .LBB2_2-.Ltmp0, $4  }
0x84: {  	[tilespmem:s29], [sflag:$0x3] =	stream.indirect.gather [spmem:s2], $0x40, s6, s24, $0xb8;
	[tilespmem:$0x1E440] =	vst v63  }
0x85: {  	_ =	swait.ge [sflag:s12], $0x2000  }
0x86: {  	[sflag:s12] =	ssyncset.done $0x0  }
0x87: {  	s4 =	sadd.s32 $0x380, s4;
	[sflag:s12] =	ssyncadd.s32 $0xFFFFE000  }
0x88: {  	[tilespmem:s31], [sflag:$0x4] =	stream.indirect.gather [spmem:s2], $0x40, s4, s24, $0xb8;
	[tilespmem:$0x1E440] =	vst v63  }
0x89: {  	_ =	swait.ge [sflag:s0], $0x2000  }
0x8a: {  	[sflag:s0] =	ssyncset.done $0x0  }
0x8b: {  	[sflag:s0] =	ssyncadd.s32 $0xFFFFE000  }
0x8c: {  	[spmem:s1] =	stream.indirect.scatter.add.f32 [tilespmem:s25], [sflag:$0x5], $0x40, s13, s24, $0xb8;
	[tilespmem:$0x1E440] =	vst v63  }
0x8d: {  	_ =	swait.ge [sflag:s3], $0x2000  }
0x8e: {  	[sflag:s3] =	ssyncset.done $0x0  }
0x8f: {  	[sflag:s3] =	ssyncadd.s32 $0xFFFFE000  }
0x90: {  	[spmem:s1] =	stream.indirect.scatter.add.f32 [tilespmem:s26], [sflag:$0x6], $0x40, s14, s24, $0xb8;
	[tilespmem:$0x1E440] =	vst v63  }
0x91: {  	_ =	swait.ge [sflag:s5], $0x2000  }
0x92: {  	[sflag:s5] =	ssyncset.done $0x0  }
0x93: {  	[sflag:s5] =	ssyncadd.s32 $0xFFFFE000  }
0x94: {  	[spmem:s1] =	stream.indirect.scatter.add.f32 [tilespmem:s29], [sflag:$0x7], $0x40, s15, s24, $0xb8;
	[tilespmem:$0x1E440] =	vst v63  }
0x95: {  	_ =	swait.ge [sflag:s7], $0x2000  }
0x96: {  	[sflag:s7] =	ssyncset.done $0x0  }
0x97: {  	[sflag:s7] =	ssyncadd.s32 $0xFFFFE000  }
0x98: {  	[spmem:s1] =	stream.indirect.scatter.add.f32 [tilespmem:s31], [sflag:$0x8], $0x40, s16, s24, $0xb8;
	[tilespmem:$0x1E440] =	vst v63  }
0x99: {  	_ =	swait.ge [sflag:s9], $0x2000  }
0x9a: {  	[sflag:s9] =	ssyncset.done $0x0  }
0x9b: {  	[sflag:s9] =	ssyncadd.s32 $0xFFFFE000  }
0x9c: {  	_ =	swait.ge [sflag:s10], $0x2000  }
0x9d: {  	[sflag:s10] =	ssyncset.done $0x0  }
0x9e: {  	[sflag:s10] =	ssyncadd.s32 $0xFFFFE000  }
0x9f: {  	_ =	swait.ge [sflag:s11], $0x2000  }
0xa0: {  	[sflag:s11] =	ssyncset.done $0x0  }
0xa1: {  	[sflag:s11] =	ssyncadd.s32 $0xFFFFE000  }
0xa2: {  	_ =	swait.ge [sflag:s12], $0x2000  }
0xa3: {  	[sflag:s12] =	ssyncset.done $0x0  }
0xa4: {  	s28 =	simm.s32 $0x0;
	s6 =	rddreg [dreg:$0xc];
	[sflag:s12] =	ssyncadd.s32 $0xFFFFE000  }
0xa5: {  	[tilespmem:s28], [sflag:$0x9] =	stream.linear.gather [hbm4b:s6+s28], $0x1400, $0x38;
	[tilespmem:$0x1E440] =	vst v63  }
0xa6: {  	_ =	swait.ge [sflag:s22], $0x1400  }
0xa7: {  	[sflag:s22] =	ssyncset.done $0x0  }
0xa8: {  	s21 =	rddreg [dreg:$0xd];
	[sflag:s22] =	ssyncadd.s32 $0xFFFFEC00  }
0xa9: {  	[tilespmem:s8], [sflag:$0x9] =	stream.linear.gather [hbm4b:s21+s28], $0x1400, $0x38;
	[tilespmem:$0x1E440] =	vst v63  }
0xaa: {  	_ =	swait.ge [sflag:s22], $0x1400  }
0xab: {  	[sflag:s22] =	ssyncset.done $0x0  }
0xac: {  	[sflag:s22] =	ssyncadd.s32 $0xFFFFEC00  }
0xad: {  	[tilespmem:s25], [sflag:$0x1] =	stream.indirect.gather [spmem:s2], $0x40, s28, s24, $0xb8;
	[tilespmem:$0x1E440] =	vst v63  }
0xae: {  	_ = 	snop  }
0xaf: {  	[tilespmem:s26], [sflag:$0x2] =	stream.indirect.gather [spmem:s2], $0x40, s24, s24, $0xb8;
	[tilespmem:$0x1E440] =	vst v63  }
0xb0: {  	_ = 	snop  }
0xb1: {  	[tilespmem:s29], [sflag:$0x3] =	stream.indirect.gather [spmem:s2], $0x40, s23, s24, $0xb8;
	[tilespmem:$0x1E440] =	vst v63  }
0xb2: {  	_ = 	snop  }
0xb3: {  	[tilespmem:s31], [sflag:$0x4] =	stream.indirect.gather [spmem:s2], $0x40, s30, s24, $0xb8;
	[tilespmem:$0x1E440] =	vst v63  }
0xb4: {  	_ =	swait.ge [sflag:s0], $0x2000  }
0xb5: {  	[sflag:s0] =	ssyncset.done $0x0  }
0xb6: {  	s28 =	simm.s32 $0x1400;
	[sflag:s0] =	ssyncadd.s32 $0xFFFFE000  }
0xb7: {  	[spmem:s1] =	stream.indirect.scatter.add.f32 [tilespmem:s25], [sflag:$0x5], $0x40, s28, s24, $0xb8;
	[tilespmem:$0x1E440] =	vst v63  }
0xb8: {  	_ =	swait.ge [sflag:s3], $0x2000  }
0xb9: {  	[sflag:s3] =	ssyncset.done $0x0  }
0xba: {  	s6 =	simm.s32 $0x1480;
	[sflag:s3] =	ssyncadd.s32 $0xFFFFE000  }
0xbb: {  	[spmem:s1] =	stream.indirect.scatter.add.f32 [tilespmem:s26], [sflag:$0x6], $0x40, s6, s24, $0xb8;
	[tilespmem:$0x1E440] =	vst v63  }
0xbc: {  	_ =	swait.ge [sflag:s5], $0x2000  }
0xbd: {  	[sflag:s5] =	ssyncset.done $0x0  }
0xbe: {  	s21 =	simm.s32 $0x1500;
	[sflag:s5] =	ssyncadd.s32 $0xFFFFE000  }
0xbf: {  	[spmem:s1] =	stream.indirect.scatter.add.f32 [tilespmem:s29], [sflag:$0x7], $0x40, s21, s24, $0xb8;
	[tilespmem:$0x1E440] =	vst v63  }
0xc0: {  	_ =	swait.ge [sflag:s7], $0x2000  }
0xc1: {  	[sflag:s7] =	ssyncset.done $0x0  }
0xc2: {  	s28 =	simm.s32 $0x1580;
	[sflag:s7] =	ssyncadd.s32 $0xFFFFE000  }
0xc3: {  	[spmem:s1] =	stream.indirect.scatter.add.f32 [tilespmem:s31], [sflag:$0x8], $0x40, s28, s24, $0xb8;
	[tilespmem:$0x1E440] =	vst v63  }
0xc4: {  	_ =	swait.ge [sflag:s9], $0x2000  }
0xc5: {  	[sflag:s9] =	ssyncset.done $0x0  }
0xc6: {  	s6 =	simm.s32 $0x200;
	[sflag:s9] =	ssyncadd.s32 $0xFFFFE000  }
0xc7: {  	[tilespmem:s25], [sflag:$0x1] =	stream.indirect.gather [spmem:s2], $0x40, s6, s24, $0xb8;
	[tilespmem:$0x1E440] =	vst v63  }
0xc8: {  	_ =	swait.ge [sflag:s10], $0x2000  }
0xc9: {  	[sflag:s10] =	ssyncset.done $0x0  }
0xca: {  	s21 =	simm.s32 $0x280;
	[sflag:s10] =	ssyncadd.s32 $0xFFFFE000  }
0xcb: {  	[tilespmem:s26], [sflag:$0x2] =	stream.indirect.gather [spmem:s2], $0x40, s21, s24, $0xb8;
	[tilespmem:$0x1E440] =	vst v63  }
0xcc: {  	_ =	swait.ge [sflag:s11], $0x2000  }
0xcd: {  	[sflag:s11] =	ssyncset.done $0x0  }
0xce: {  	s28 =	simm.s32 $0x300;
	[sflag:s11] =	ssyncadd.s32 $0xFFFFE000  }
0xcf: {  	[tilespmem:s29], [sflag:$0x3] =	stream.indirect.gather [spmem:s2], $0x40, s28, s24, $0xb8;
	[tilespmem:$0x1E440] =	vst v63  }
0xd0: {  	_ =	swait.ge [sflag:s12], $0x2000  }
0xd1: {  	[sflag:s12] =	ssyncset.done $0x0  }
0xd2: {  	s4 =	simm.s32 $0x380;
	s21 =	simm.s32 $0x800;
	[sflag:s12] =	ssyncadd.s32 $0xFFFFE000  }
.LBB2_4:
0xd3: {  	[tilespmem:s31], [sflag:$0x4] =	stream.indirect.gather [spmem:s2], $0x40, s4, s24, $0xb8;
	[tilespmem:$0x1E440] =	vst v63  }
0xd4: {  	s4 =	smov.u32 s21  }
0xd5: {  	p1 =	sne.s32 s21, $0x4000;
	s21 =	sadd.s32 $0x800, s21;
	_ =	swait.ge [sflag:s0], $0x2000  }
0xd6: {  	s4 =	sshra.s32 s4, $0x2;
	[sflag:s0] =	ssyncset.done $0x0  }
0xd7: {  	s6 =	sadd.s32 $0x1400, s4;
	[sflag:s0] =	ssyncadd.s32 $0xFFFFE000  }
0xd8: {  	[spmem:s1] =	stream.indirect.scatter.add.f32 [tilespmem:s25], [sflag:$0x5], $0x40, s6, s24, $0xb8;
	[tilespmem:$0x1E440] =	vst v63  }
0xd9: {  	_ =	swait.ge [sflag:s3], $0x2000  }
0xda: {  	[sflag:s3] =	ssyncset.done $0x0  }
0xdb: {  	s6 =	sadd.s32 $0x1480, s4;
	[sflag:s3] =	ssyncadd.s32 $0xFFFFE000  }
0xdc: {  	[spmem:s1] =	stream.indirect.scatter.add.f32 [tilespmem:s26], [sflag:$0x6], $0x40, s6, s24, $0xb8;
	[tilespmem:$0x1E440] =	vst v63  }
0xdd: {  	_ =	swait.ge [sflag:s5], $0x2000  }
0xde: {  	[sflag:s5] =	ssyncset.done $0x0  }
0xdf: {  	s6 =	sadd.s32 $0x1500, s4;
	[sflag:s5] =	ssyncadd.s32 $0xFFFFE000  }
0xe0: {  	[spmem:s1] =	stream.indirect.scatter.add.f32 [tilespmem:s29], [sflag:$0x7], $0x40, s6, s24, $0xb8;
	[tilespmem:$0x1E440] =	vst v63  }
0xe1: {  	_ =	swait.ge [sflag:s7], $0x2000  }
0xe2: {  	[sflag:s7] =	ssyncset.done $0x0  }
0xe3: {  	s6 =	sadd.s32 $0x1580, s4;
	[sflag:s7] =	ssyncadd.s32 $0xFFFFE000  }
0xe4: {  	[spmem:s1] =	stream.indirect.scatter.add.f32 [tilespmem:s31], [sflag:$0x8], $0x40, s6, s24, $0xb8;
	[tilespmem:$0x1E440] =	vst v63  }
0xe5: {  	_ =	swait.ge [sflag:s9], $0x2000  }
0xe6: {  	[sflag:s9] =	ssyncset.done $0x0  }
0xe7: {  	s6 =	sadd.s32 $0x200, s4;
	[sflag:s9] =	ssyncadd.s32 $0xFFFFE000  }
0xe8: {  	[tilespmem:s25], [sflag:$0x1] =	stream.indirect.gather [spmem:s2], $0x40, s6, s24, $0xb8;
	[tilespmem:$0x1E440] =	vst v63  }
0xe9: {  	_ =	swait.ge [sflag:s10], $0x2000  }
0xea: {  	[sflag:s10] =	ssyncset.done $0x0  }
0xeb: {  	s6 =	sadd.s32 $0x280, s4;
	[sflag:s10] =	ssyncadd.s32 $0xFFFFE000  }
0xec: {  	[tilespmem:s26], [sflag:$0x2] =	stream.indirect.gather [spmem:s2], $0x40, s6, s24, $0xb8;
	[tilespmem:$0x1E440] =	vst v63  }
0xed: {  	_ =	swait.ge [sflag:s11], $0x2000  }
0xee: {  	[sflag:s11] =	ssyncset.done $0x0  }
.Ltmp1:
0xef: {  	s6 =	sadd.s32 $0x300, s4;
	[sflag:s11] =	ssyncadd.s32 $0xFFFFE000;
	(pc) =	sbr.rel @p1 .LBB2_4-.Ltmp1, $4  }
0xf0: {  	[tilespmem:s29], [sflag:$0x3] =	stream.indirect.gather [spmem:s2], $0x40, s6, s24, $0xb8;
	[tilespmem:$0x1E440] =	vst v63  }
0xf1: {  	_ =	swait.ge [sflag:s12], $0x2000  }
0xf2: {  	[sflag:s12] =	ssyncset.done $0x0  }
0xf3: {  	s4 =	sadd.s32 $0x380, s4;
	[sflag:s12] =	ssyncadd.s32 $0xFFFFE000  }
0xf4: {  	[tilespmem:s31], [sflag:$0x4] =	stream.indirect.gather [spmem:s2], $0x40, s4, s24, $0xb8;
	[tilespmem:$0x1E440] =	vst v63  }
0xf5: {  	_ =	swait.ge [sflag:s0], $0x2000  }
0xf6: {  	[sflag:s0] =	ssyncset.done $0x0  }
0xf7: {  	[sflag:s0] =	ssyncadd.s32 $0xFFFFE000  }
0xf8: {  	[spmem:s1] =	stream.indirect.scatter.add.f32 [tilespmem:s25], [sflag:$0x5], $0x40, s13, s24, $0xb8;
	[tilespmem:$0x1E440] =	vst v63  }
0xf9: {  	_ =	swait.ge [sflag:s3], $0x2000  }
0xfa: {  	[sflag:s3] =	ssyncset.done $0x0  }
0xfb: {  	[sflag:s3] =	ssyncadd.s32 $0xFFFFE000  }
0xfc: {  	[spmem:s1] =	stream.indirect.scatter.add.f32 [tilespmem:s26], [sflag:$0x6], $0x40, s14, s24, $0xb8;
	[tilespmem:$0x1E440] =	vst v63  }
0xfd: {  	_ =	swait.ge [sflag:s5], $0x2000  }
0xfe: {  	[sflag:s5] =	ssyncset.done $0x0  }
0xff: {  	[sflag:s5] =	ssyncadd.s32 $0xFFFFE000  }
0x100: {  	[spmem:s1] =	stream.indirect.scatter.add.f32 [tilespmem:s29], [sflag:$0x7], $0x40, s15, s24, $0xb8;
	[tilespmem:$0x1E440] =	vst v63  }
0x101: {  	_ =	swait.ge [sflag:s7], $0x2000  }
0x102: {  	[sflag:s7] =	ssyncset.done $0x0  }
0x103: {  	[sflag:s7] =	ssyncadd.s32 $0xFFFFE000  }
0x104: {  	[spmem:s1] =	stream.indirect.scatter.add.f32 [tilespmem:s31], [sflag:$0x8], $0x40, s16, s24, $0xb8;
	[tilespmem:$0x1E440] =	vst v63  }
0x105: {  	_ =	swait.ge [sflag:s9], $0x2000  }
0x106: {  	[sflag:s9] =	ssyncset.done $0x0  }
0x107: {  	[sflag:s9] =	ssyncadd.s32 $0xFFFFE000  }
0x108: {  	_ =	swait.ge [sflag:s10], $0x2000  }
0x109: {  	[sflag:s10] =	ssyncset.done $0x0  }
0x10a: {  	[sflag:s10] =	ssyncadd.s32 $0xFFFFE000  }
0x10b: {  	_ =	swait.ge [sflag:s11], $0x2000  }
0x10c: {  	[sflag:s11] =	ssyncset.done $0x0  }
0x10d: {  	[sflag:s11] =	ssyncadd.s32 $0xFFFFE000  }
0x10e: {  	_ =	swait.ge [sflag:s12], $0x2000  }
0x10f: {  	[sflag:s12] =	ssyncset.done $0x0  }
0x110: {  	s28 =	simm.s32 $0x0;
	s6 =	rddreg [dreg:$0xe];
	[sflag:s12] =	ssyncadd.s32 $0xFFFFE000  }
0x111: {  	[tilespmem:s28], [sflag:$0x9] =	stream.linear.gather [hbm4b:s6+s28], $0x1400, $0x38;
	[tilespmem:$0x1E440] =	vst v63  }
0x112: {  	_ =	swait.ge [sflag:s22], $0x1400  }
0x113: {  	[sflag:s22] =	ssyncset.done $0x0  }
0x114: {  	s21 =	rddreg [dreg:$0xf];
	[sflag:s22] =	ssyncadd.s32 $0xFFFFEC00  }
0x115: {  	[tilespmem:s8], [sflag:$0x9] =	stream.linear.gather [hbm4b:s21+s28], $0x1400, $0x38;
	[tilespmem:$0x1E440] =	vst v63  }
0x116: {  	_ =	swait.ge [sflag:s22], $0x1400  }
0x117: {  	[sflag:s22] =	ssyncset.done $0x0  }
0x118: {  	[sflag:s22] =	ssyncadd.s32 $0xFFFFEC00  }
0x119: {  	[tilespmem:s25], [sflag:$0x1] =	stream.indirect.gather [spmem:s2], $0x40, s28, s24, $0xb8;
	[tilespmem:$0x1E440] =	vst v63  }
0x11a: {  	_ = 	snop  }
0x11b: {  	[tilespmem:s26], [sflag:$0x2] =	stream.indirect.gather [spmem:s2], $0x40, s24, s24, $0xb8;
	[tilespmem:$0x1E440] =	vst v63  }
0x11c: {  	_ = 	snop  }
0x11d: {  	[tilespmem:s29], [sflag:$0x3] =	stream.indirect.gather [spmem:s2], $0x40, s23, s24, $0xb8;
	[tilespmem:$0x1E440] =	vst v63  }
0x11e: {  	_ = 	snop  }
0x11f: {  	[tilespmem:s31], [sflag:$0x4] =	stream.indirect.gather [spmem:s2], $0x40, s30, s24, $0xb8;
	[tilespmem:$0x1E440] =	vst v63  }
0x120: {  	_ =	swait.ge [sflag:s0], $0x2000  }
0x121: {  	[sflag:s0] =	ssyncset.done $0x0  }
0x122: {  	s28 =	simm.s32 $0x1400;
	[sflag:s0] =	ssyncadd.s32 $0xFFFFE000  }
0x123: {  	[spmem:s1] =	stream.indirect.scatter.add.f32 [tilespmem:s25], [sflag:$0x5], $0x40, s28, s24, $0xb8;
	[tilespmem:$0x1E440] =	vst v63  }
0x124: {  	_ =	swait.ge [sflag:s3], $0x2000  }
0x125: {  	[sflag:s3] =	ssyncset.done $0x0  }
0x126: {  	s6 =	simm.s32 $0x1480;
	[sflag:s3] =	ssyncadd.s32 $0xFFFFE000  }
0x127: {  	[spmem:s1] =	stream.indirect.scatter.add.f32 [tilespmem:s26], [sflag:$0x6], $0x40, s6, s24, $0xb8;
	[tilespmem:$0x1E440] =	vst v63  }
0x128: {  	_ =	swait.ge [sflag:s5], $0x2000  }
0x129: {  	[sflag:s5] =	ssyncset.done $0x0  }
0x12a: {  	s21 =	simm.s32 $0x1500;
	[sflag:s5] =	ssyncadd.s32 $0xFFFFE000  }
0x12b: {  	[spmem:s1] =	stream.indirect.scatter.add.f32 [tilespmem:s29], [sflag:$0x7], $0x40, s21, s24, $0xb8;
	[tilespmem:$0x1E440] =	vst v63  }
0x12c: {  	_ =	swait.ge [sflag:s7], $0x2000  }
0x12d: {  	[sflag:s7] =	ssyncset.done $0x0  }
0x12e: {  	s28 =	simm.s32 $0x1580;
	[sflag:s7] =	ssyncadd.s32 $0xFFFFE000  }
0x12f: {  	[spmem:s1] =	stream.indirect.scatter.add.f32 [tilespmem:s31], [sflag:$0x8], $0x40, s28, s24, $0xb8;
	[tilespmem:$0x1E440] =	vst v63  }
0x130: {  	_ =	swait.ge [sflag:s9], $0x2000  }
0x131: {  	[sflag:s9] =	ssyncset.done $0x0  }
0x132: {  	s6 =	simm.s32 $0x200;
	[sflag:s9] =	ssyncadd.s32 $0xFFFFE000  }
0x133: {  	[tilespmem:s25], [sflag:$0x1] =	stream.indirect.gather [spmem:s2], $0x40, s6, s24, $0xb8;
	[tilespmem:$0x1E440] =	vst v63  }
0x134: {  	_ =	swait.ge [sflag:s10], $0x2000  }
0x135: {  	[sflag:s10] =	ssyncset.done $0x0  }
0x136: {  	s21 =	simm.s32 $0x280;
	[sflag:s10] =	ssyncadd.s32 $0xFFFFE000  }
0x137: {  	[tilespmem:s26], [sflag:$0x2] =	stream.indirect.gather [spmem:s2], $0x40, s21, s24, $0xb8;
	[tilespmem:$0x1E440] =	vst v63  }
0x138: {  	_ =	swait.ge [sflag:s11], $0x2000  }
0x139: {  	[sflag:s11] =	ssyncset.done $0x0  }
0x13a: {  	s28 =	simm.s32 $0x300;
	[sflag:s11] =	ssyncadd.s32 $0xFFFFE000  }
0x13b: {  	[tilespmem:s29], [sflag:$0x3] =	stream.indirect.gather [spmem:s2], $0x40, s28, s24, $0xb8;
	[tilespmem:$0x1E440] =	vst v63  }
0x13c: {  	_ =	swait.ge [sflag:s12], $0x2000  }
0x13d: {  	[sflag:s12] =	ssyncset.done $0x0  }
0x13e: {  	s4 =	simm.s32 $0x380;
	s21 =	simm.s32 $0x800;
	[sflag:s12] =	ssyncadd.s32 $0xFFFFE000  }
.LBB2_6:
0x13f: {  	[tilespmem:s31], [sflag:$0x4] =	stream.indirect.gather [spmem:s2], $0x40, s4, s24, $0xb8;
	[tilespmem:$0x1E440] =	vst v63  }
0x140: {  	s4 =	smov.u32 s21  }
0x141: {  	p1 =	sne.s32 s21, $0x4000;
	s21 =	sadd.s32 $0x800, s21;
	_ =	swait.ge [sflag:s0], $0x2000  }
0x142: {  	s4 =	sshra.s32 s4, $0x2;
	[sflag:s0] =	ssyncset.done $0x0  }
0x143: {  	s6 =	sadd.s32 $0x1400, s4;
	[sflag:s0] =	ssyncadd.s32 $0xFFFFE000  }
0x144: {  	[spmem:s1] =	stream.indirect.scatter.add.f32 [tilespmem:s25], [sflag:$0x5], $0x40, s6, s24, $0xb8;
	[tilespmem:$0x1E440] =	vst v63  }
0x145: {  	_ =	swait.ge [sflag:s3], $0x2000  }
0x146: {  	[sflag:s3] =	ssyncset.done $0x0  }
0x147: {  	s6 =	sadd.s32 $0x1480, s4;
	[sflag:s3] =	ssyncadd.s32 $0xFFFFE000  }
0x148: {  	[spmem:s1] =	stream.indirect.scatter.add.f32 [tilespmem:s26], [sflag:$0x6], $0x40, s6, s24, $0xb8;
	[tilespmem:$0x1E440] =	vst v63  }
0x149: {  	_ =	swait.ge [sflag:s5], $0x2000  }
0x14a: {  	[sflag:s5] =	ssyncset.done $0x0  }
0x14b: {  	s6 =	sadd.s32 $0x1500, s4;
	[sflag:s5] =	ssyncadd.s32 $0xFFFFE000  }
0x14c: {  	[spmem:s1] =	stream.indirect.scatter.add.f32 [tilespmem:s29], [sflag:$0x7], $0x40, s6, s24, $0xb8;
	[tilespmem:$0x1E440] =	vst v63  }
0x14d: {  	_ =	swait.ge [sflag:s7], $0x2000  }
0x14e: {  	[sflag:s7] =	ssyncset.done $0x0  }
0x14f: {  	s6 =	sadd.s32 $0x1580, s4;
	[sflag:s7] =	ssyncadd.s32 $0xFFFFE000  }
0x150: {  	[spmem:s1] =	stream.indirect.scatter.add.f32 [tilespmem:s31], [sflag:$0x8], $0x40, s6, s24, $0xb8;
	[tilespmem:$0x1E440] =	vst v63  }
0x151: {  	_ =	swait.ge [sflag:s9], $0x2000  }
0x152: {  	[sflag:s9] =	ssyncset.done $0x0  }
0x153: {  	s6 =	sadd.s32 $0x200, s4;
	[sflag:s9] =	ssyncadd.s32 $0xFFFFE000  }
0x154: {  	[tilespmem:s25], [sflag:$0x1] =	stream.indirect.gather [spmem:s2], $0x40, s6, s24, $0xb8;
	[tilespmem:$0x1E440] =	vst v63  }
0x155: {  	_ =	swait.ge [sflag:s10], $0x2000  }
0x156: {  	[sflag:s10] =	ssyncset.done $0x0  }
0x157: {  	s6 =	sadd.s32 $0x280, s4;
	[sflag:s10] =	ssyncadd.s32 $0xFFFFE000  }
0x158: {  	[tilespmem:s26], [sflag:$0x2] =	stream.indirect.gather [spmem:s2], $0x40, s6, s24, $0xb8;
	[tilespmem:$0x1E440] =	vst v63  }
0x159: {  	_ =	swait.ge [sflag:s11], $0x2000  }
0x15a: {  	[sflag:s11] =	ssyncset.done $0x0  }
.Ltmp2:
0x15b: {  	s6 =	sadd.s32 $0x300, s4;
	[sflag:s11] =	ssyncadd.s32 $0xFFFFE000;
	(pc) =	sbr.rel @p1 .LBB2_6-.Ltmp2, $4  }
0x15c: {  	[tilespmem:s29], [sflag:$0x3] =	stream.indirect.gather [spmem:s2], $0x40, s6, s24, $0xb8;
	[tilespmem:$0x1E440] =	vst v63  }
0x15d: {  	_ =	swait.ge [sflag:s12], $0x2000  }
0x15e: {  	[sflag:s12] =	ssyncset.done $0x0  }
0x15f: {  	s4 =	sadd.s32 $0x380, s4;
	[sflag:s12] =	ssyncadd.s32 $0xFFFFE000  }
0x160: {  	[tilespmem:s31], [sflag:$0x4] =	stream.indirect.gather [spmem:s2], $0x40, s4, s24, $0xb8;
	[tilespmem:$0x1E440] =	vst v63  }
0x161: {  	_ =	swait.ge [sflag:s0], $0x2000  }
0x162: {  	[sflag:s0] =	ssyncset.done $0x0  }
0x163: {  	[sflag:s0] =	ssyncadd.s32 $0xFFFFE000  }
0x164: {  	[spmem:s1] =	stream.indirect.scatter.add.f32 [tilespmem:s25], [sflag:$0x5], $0x40, s13, s24, $0xb8;
	[tilespmem:$0x1E440] =	vst v63  }
0x165: {  	_ =	swait.ge [sflag:s3], $0x2000  }
0x166: {  	[sflag:s3] =	ssyncset.done $0x0  }
0x167: {  	[sflag:s3] =	ssyncadd.s32 $0xFFFFE000  }
0x168: {  	[spmem:s1] =	stream.indirect.scatter.add.f32 [tilespmem:s26], [sflag:$0x6], $0x40, s14, s24, $0xb8;
	[tilespmem:$0x1E440] =	vst v63  }
0x169: {  	_ =	swait.ge [sflag:s5], $0x2000  }
0x16a: {  	[sflag:s5] =	ssyncset.done $0x0  }
0x16b: {  	[sflag:s5] =	ssyncadd.s32 $0xFFFFE000  }
0x16c: {  	[spmem:s1] =	stream.indirect.scatter.add.f32 [tilespmem:s29], [sflag:$0x7], $0x40, s15, s24, $0xb8;
	[tilespmem:$0x1E440] =	vst v63  }
0x16d: {  	_ =	swait.ge [sflag:s7], $0x2000  }
0x16e: {  	[sflag:s7] =	ssyncset.done $0x0  }
0x16f: {  	[sflag:s7] =	ssyncadd.s32 $0xFFFFE000  }
0x170: {  	[spmem:s1] =	stream.indirect.scatter.add.f32 [tilespmem:s31], [sflag:$0x8], $0x40, s16, s24, $0xb8;
	[tilespmem:$0x1E440] =	vst v63  }
0x171: {  	_ =	swait.ge [sflag:s9], $0x2000  }
0x172: {  	[sflag:s9] =	ssyncset.done $0x0  }
0x173: {  	[sflag:s9] =	ssyncadd.s32 $0xFFFFE000  }
0x174: {  	_ =	swait.ge [sflag:s10], $0x2000  }
0x175: {  	[sflag:s10] =	ssyncset.done $0x0  }
0x176: {  	[sflag:s10] =	ssyncadd.s32 $0xFFFFE000  }
0x177: {  	_ =	swait.ge [sflag:s11], $0x2000  }
0x178: {  	[sflag:s11] =	ssyncset.done $0x0  }
0x179: {  	[sflag:s11] =	ssyncadd.s32 $0xFFFFE000  }
0x17a: {  	_ =	swait.ge [sflag:s12], $0x2000  }
0x17b: {  	[sflag:s12] =	ssyncset.done $0x0  }
0x17c: {  	s28 =	simm.s32 $0x0;
	s6 =	rddreg [dreg:$0x10];
	[sflag:s12] =	ssyncadd.s32 $0xFFFFE000  }
0x17d: {  	[tilespmem:s28], [sflag:$0x9] =	stream.linear.gather [hbm4b:s6+s28], $0x1400, $0x38;
	[tilespmem:$0x1E440] =	vst v63  }
0x17e: {  	_ =	swait.ge [sflag:s22], $0x1400  }
0x17f: {  	[sflag:s22] =	ssyncset.done $0x0  }
0x180: {  	s21 =	rddreg [dreg:$0x11];
	[sflag:s22] =	ssyncadd.s32 $0xFFFFEC00  }
0x181: {  	[tilespmem:s8], [sflag:$0x9] =	stream.linear.gather [hbm4b:s21+s28], $0x1400, $0x38;
	[tilespmem:$0x1E440] =	vst v63  }
0x182: {  	_ =	swait.ge [sflag:s22], $0x1400  }
0x183: {  	[sflag:s22] =	ssyncset.done $0x0  }
0x184: {  	[sflag:s22] =	ssyncadd.s32 $0xFFFFEC00  }
0x185: {  	[tilespmem:s25], [sflag:$0x1] =	stream.indirect.gather [spmem:s2], $0x40, s28, s24, $0xb8;
	[tilespmem:$0x1E440] =	vst v63  }
0x186: {  	_ = 	snop  }
0x187: {  	[tilespmem:s26], [sflag:$0x2] =	stream.indirect.gather [spmem:s2], $0x40, s24, s24, $0xb8;
	[tilespmem:$0x1E440] =	vst v63  }
0x188: {  	_ = 	snop  }
0x189: {  	[tilespmem:s29], [sflag:$0x3] =	stream.indirect.gather [spmem:s2], $0x40, s23, s24, $0xb8;
	[tilespmem:$0x1E440] =	vst v63  }
0x18a: {  	_ = 	snop  }
0x18b: {  	[tilespmem:s31], [sflag:$0x4] =	stream.indirect.gather [spmem:s2], $0x40, s30, s24, $0xb8;
	[tilespmem:$0x1E440] =	vst v63  }
0x18c: {  	_ =	swait.ge [sflag:s0], $0x2000  }
0x18d: {  	[sflag:s0] =	ssyncset.done $0x0  }
0x18e: {  	s23 =	simm.s32 $0x1400;
	[sflag:s0] =	ssyncadd.s32 $0xFFFFE000  }
0x18f: {  	[spmem:s1] =	stream.indirect.scatter.add.f32 [tilespmem:s25], [sflag:$0x5], $0x40, s23, s24, $0xb8;
	[tilespmem:$0x1E440] =	vst v63  }
0x190: {  	_ =	swait.ge [sflag:s3], $0x2000  }
0x191: {  	[sflag:s3] =	ssyncset.done $0x0  }
0x192: {  	s28 =	simm.s32 $0x1480;
	[sflag:s3] =	ssyncadd.s32 $0xFFFFE000  }
0x193: {  	[spmem:s1] =	stream.indirect.scatter.add.f32 [tilespmem:s26], [sflag:$0x6], $0x40, s28, s24, $0xb8;
	[tilespmem:$0x1E440] =	vst v63  }
0x194: {  	_ =	swait.ge [sflag:s5], $0x2000  }
0x195: {  	[sflag:s5] =	ssyncset.done $0x0  }
0x196: {  	s6 =	simm.s32 $0x1500;
	[sflag:s5] =	ssyncadd.s32 $0xFFFFE000  }
0x197: {  	[spmem:s1] =	stream.indirect.scatter.add.f32 [tilespmem:s29], [sflag:$0x7], $0x40, s6, s24, $0xb8;
	[tilespmem:$0x1E440] =	vst v63  }
0x198: {  	_ =	swait.ge [sflag:s7], $0x2000  }
0x199: {  	[sflag:s7] =	ssyncset.done $0x0  }
0x19a: {  	s8 =	simm.s32 $0x1580;
	[sflag:s7] =	ssyncadd.s32 $0xFFFFE000  }
0x19b: {  	[spmem:s1] =	stream.indirect.scatter.add.f32 [tilespmem:s31], [sflag:$0x8], $0x40, s8, s24, $0xb8;
	[tilespmem:$0x1E440] =	vst v63  }
0x19c: {  	_ =	swait.ge [sflag:s9], $0x2000  }
0x19d: {  	[sflag:s9] =	ssyncset.done $0x0  }
0x19e: {  	s21 =	simm.s32 $0x200;
	[sflag:s9] =	ssyncadd.s32 $0xFFFFE000  }
0x19f: {  	[tilespmem:s25], [sflag:$0x1] =	stream.indirect.gather [spmem:s2], $0x40, s21, s24, $0xb8;
	[tilespmem:$0x1E440] =	vst v63  }
0x1a0: {  	_ =	swait.ge [sflag:s10], $0x2000  }
0x1a1: {  	[sflag:s10] =	ssyncset.done $0x0  }
0x1a2: {  	s23 =	simm.s32 $0x280;
	[sflag:s10] =	ssyncadd.s32 $0xFFFFE000  }
0x1a3: {  	[tilespmem:s26], [sflag:$0x2] =	stream.indirect.gather [spmem:s2], $0x40, s23, s24, $0xb8;
	[tilespmem:$0x1E440] =	vst v63  }
0x1a4: {  	_ =	swait.ge [sflag:s11], $0x2000  }
0x1a5: {  	[sflag:s11] =	ssyncset.done $0x0  }
0x1a6: {  	s28 =	simm.s32 $0x300;
	[sflag:s11] =	ssyncadd.s32 $0xFFFFE000  }
0x1a7: {  	[tilespmem:s29], [sflag:$0x3] =	stream.indirect.gather [spmem:s2], $0x40, s28, s24, $0xb8;
	[tilespmem:$0x1E440] =	vst v63  }
0x1a8: {  	_ =	swait.ge [sflag:s12], $0x2000  }
0x1a9: {  	[sflag:s12] =	ssyncset.done $0x0  }
0x1aa: {  	s4 =	simm.s32 $0x380;
	s21 =	simm.s32 $0x800;
	[sflag:s12] =	ssyncadd.s32 $0xFFFFE000  }
.LBB2_8:
0x1ab: {  	[tilespmem:s31], [sflag:$0x4] =	stream.indirect.gather [spmem:s2], $0x40, s4, s24, $0xb8;
	[tilespmem:$0x1E440] =	vst v63  }
0x1ac: {  	s4 =	smov.u32 s21  }
0x1ad: {  	p1 =	sne.s32 s21, $0x4000;
	s21 =	sadd.s32 $0x800, s21;
	_ =	swait.ge [sflag:s0], $0x2000  }
0x1ae: {  	s4 =	sshra.s32 s4, $0x2;
	[sflag:s0] =	ssyncset.done $0x0  }
0x1af: {  	s6 =	sadd.s32 $0x1400, s4;
	[sflag:s0] =	ssyncadd.s32 $0xFFFFE000  }
0x1b0: {  	[spmem:s1] =	stream.indirect.scatter.add.f32 [tilespmem:s25], [sflag:$0x5], $0x40, s6, s24, $0xb8;
	[tilespmem:$0x1E440] =	vst v63  }
0x1b1: {  	_ =	swait.ge [sflag:s3], $0x2000  }
0x1b2: {  	[sflag:s3] =	ssyncset.done $0x0  }
0x1b3: {  	s6 =	sadd.s32 $0x1480, s4;
	[sflag:s3] =	ssyncadd.s32 $0xFFFFE000  }
0x1b4: {  	[spmem:s1] =	stream.indirect.scatter.add.f32 [tilespmem:s26], [sflag:$0x6], $0x40, s6, s24, $0xb8;
	[tilespmem:$0x1E440] =	vst v63  }
0x1b5: {  	_ =	swait.ge [sflag:s5], $0x2000  }
0x1b6: {  	[sflag:s5] =	ssyncset.done $0x0  }
0x1b7: {  	s6 =	sadd.s32 $0x1500, s4;
	[sflag:s5] =	ssyncadd.s32 $0xFFFFE000  }
0x1b8: {  	[spmem:s1] =	stream.indirect.scatter.add.f32 [tilespmem:s29], [sflag:$0x7], $0x40, s6, s24, $0xb8;
	[tilespmem:$0x1E440] =	vst v63  }
0x1b9: {  	_ =	swait.ge [sflag:s7], $0x2000  }
0x1ba: {  	[sflag:s7] =	ssyncset.done $0x0  }
0x1bb: {  	s6 =	sadd.s32 $0x1580, s4;
	[sflag:s7] =	ssyncadd.s32 $0xFFFFE000  }
0x1bc: {  	[spmem:s1] =	stream.indirect.scatter.add.f32 [tilespmem:s31], [sflag:$0x8], $0x40, s6, s24, $0xb8;
	[tilespmem:$0x1E440] =	vst v63  }
0x1bd: {  	_ =	swait.ge [sflag:s9], $0x2000  }
0x1be: {  	[sflag:s9] =	ssyncset.done $0x0  }
0x1bf: {  	s6 =	sadd.s32 $0x200, s4;
	[sflag:s9] =	ssyncadd.s32 $0xFFFFE000  }
0x1c0: {  	[tilespmem:s25], [sflag:$0x1] =	stream.indirect.gather [spmem:s2], $0x40, s6, s24, $0xb8;
	[tilespmem:$0x1E440] =	vst v63  }
0x1c1: {  	_ =	swait.ge [sflag:s10], $0x2000  }
0x1c2: {  	[sflag:s10] =	ssyncset.done $0x0  }
0x1c3: {  	s6 =	sadd.s32 $0x280, s4;
	[sflag:s10] =	ssyncadd.s32 $0xFFFFE000  }
0x1c4: {  	[tilespmem:s26], [sflag:$0x2] =	stream.indirect.gather [spmem:s2], $0x40, s6, s24, $0xb8;
	[tilespmem:$0x1E440] =	vst v63  }
0x1c5: {  	_ =	swait.ge [sflag:s11], $0x2000  }
0x1c6: {  	[sflag:s11] =	ssyncset.done $0x0  }
.Ltmp3:
0x1c7: {  	s6 =	sadd.s32 $0x300, s4;
	[sflag:s11] =	ssyncadd.s32 $0xFFFFE000;
	(pc) =	sbr.rel @p1 .LBB2_8-.Ltmp3, $4  }
0x1c8: {  	[tilespmem:s29], [sflag:$0x3] =	stream.indirect.gather [spmem:s2], $0x40, s6, s24, $0xb8;
	[tilespmem:$0x1E440] =	vst v63  }
0x1c9: {  	_ =	swait.ge [sflag:s12], $0x2000  }
0x1ca: {  	[sflag:s12] =	ssyncset.done $0x0  }
0x1cb: {  	s4 =	sadd.s32 $0x380, s4;
	[sflag:s12] =	ssyncadd.s32 $0xFFFFE000  }
0x1cc: {  	[tilespmem:s31], [sflag:$0x4] =	stream.indirect.gather [spmem:s2], $0x40, s4, s24, $0xb8;
	[tilespmem:$0x1E440] =	vst v63  }
0x1cd: {  	_ =	swait.ge [sflag:s0], $0x2000  }
0x1ce: {  	[sflag:s0] =	ssyncset.done $0x0  }
0x1cf: {  	[sflag:s0] =	ssyncadd.s32 $0xFFFFE000  }
0x1d0: {  	[spmem:s1] =	stream.indirect.scatter.add.f32 [tilespmem:s25], [sflag:$0x5], $0x40, s13, s24, $0xb8;
	[tilespmem:$0x1E440] =	vst v63  }
0x1d1: {  	_ =	swait.ge [sflag:s3], $0x2000  }
0x1d2: {  	[sflag:s3] =	ssyncset.done $0x0  }
0x1d3: {  	[sflag:s3] =	ssyncadd.s32 $0xFFFFE000  }
0x1d4: {  	[spmem:s1] =	stream.indirect.scatter.add.f32 [tilespmem:s26], [sflag:$0x6], $0x40, s14, s24, $0xb8;
	[tilespmem:$0x1E440] =	vst v63  }
0x1d5: {  	_ =	swait.ge [sflag:s5], $0x2000  }
0x1d6: {  	[sflag:s5] =	ssyncset.done $0x0  }
0x1d7: {  	[sflag:s5] =	ssyncadd.s32 $0xFFFFE000  }
0x1d8: {  	[spmem:s1] =	stream.indirect.scatter.add.f32 [tilespmem:s29], [sflag:$0x7], $0x40, s15, s24, $0xb8;
	[tilespmem:$0x1E440] =	vst v63  }
0x1d9: {  	_ =	swait.ge [sflag:s7], $0x2000  }
0x1da: {  	[sflag:s7] =	ssyncset.done $0x0  }
0x1db: {  	[sflag:s7] =	ssyncadd.s32 $0xFFFFE000  }
0x1dc: {  	[spmem:s1] =	stream.indirect.scatter.add.f32 [tilespmem:s31], [sflag:$0x8], $0x40, s16, s24, $0xb8;
	[tilespmem:$0x1E440] =	vst v63  }
0x1dd: {  	_ =	swait.ge [sflag:s9], $0x2000  }
0x1de: {  	[sflag:s9] =	ssyncset.done $0x0  }
0x1df: {  	[sflag:s9] =	ssyncadd.s32 $0xFFFFE000  }
0x1e0: {  	_ =	swait.ge [sflag:s10], $0x2000  }
0x1e1: {  	[sflag:s10] =	ssyncset.done $0x0  }
0x1e2: {  	[sflag:s10] =	ssyncadd.s32 $0xFFFFE000  }
0x1e3: {  	_ =	swait.ge [sflag:s11], $0x2000  }
0x1e4: {  	[sflag:s11] =	ssyncset.done $0x0  }
0x1e5: {  	[sflag:s11] =	ssyncadd.s32 $0xFFFFE000  }
0x1e6: {  	_ =	swait.ge [sflag:s12], $0x2000  }
0x1e7: {  	[sflag:s12] =	ssyncset.done $0x0  }
0x1e8: {  	[sflag:s12] =	ssyncadd.s32 $0xFFFFE000  }
0x1e9: {  	[bflag:$0x0] =	sbarrier.arrive $0xFFFF  }
0x1ea: {  	s4 =	simm.s32 @p0 $0x1FC9;
	s6 =	rddreg [dreg:$0x13]  }
0x1eb: {  	[hbm:s6], [sflag:s4] =	dma.local @p0 [spmem:s18], $0xC80  }
0x1ec: {  	s4 =	simm.s32 @p0 $0x9  }
0x1ed: {  	_ =	swait.ge @p0 [sflag:s4], $0xC80  }
0x1ee: {  	[sflag:s4] =	ssyncset.done @p0 $0x0  }
0x1ef: {  	[sflag:s4] =	ssyncadd.s32 @p0 $0xFFFFF380;
	s4 =	rddreg [dreg:$0x12]  }
0x1f0: {  	[hbm:s4], [sflag:s19] =	dma.local @!p0 [spmem:s20], $0x1400  }
0x1f1: {  	s4 =	simm.s32 @!p0 $0x9  }
0x1f2: {  	_ =	swait.ge @!p0 [sflag:s4], $0x1400  }
0x1f3: {  	s17 =	sadd.s32 $0x1, s17;
	s28 =	rddreg [dreg:$0x14]  }
0x1f4: {  	p1 =	sne.s32 s17, s28  }
.Ltmp4:
0x1f5: {  	_ = 	snop;
	(pc) =	sbr.rel @p1 .LBB2_1-.Ltmp4, $3  }
0x1f6: {  	_ =	sdelay $0x1  }
0x1f7: {  	[sflag:s4] =	ssyncset.done @!p0 $0x0  }
0x1f8: {  	[sflag:s4] =	ssyncadd.s32 @!p0 $0xFFFFEC00  }
0x1f9: {  	_ =	sfence.sel $0x180000  }
0x1fa: {  	[bflag:$0x0] =	sbarrier.arrive $0xFFFF  }
0x1fb: {  	_ =	strace $0x90000047  }
0x1fc: {  	s0 =	stileid.u32;
	[bflag:$0x2] =	sbarrier.arrive $0xFFFF  }
0x1fd: {  	p0 =	sne.s32 s0, $0x0;
	s0 =	rddreg [dreg:$0x5]  }
0x1fe: {  	s0 =	sadd.s32 @!p0 $0x100000, s0  }
0x1ff: {  	[sflag:s0] =	ssyncadd.tile.s32 @!p0 $0x1;
	_ =	shalt  }
.Lfunc_end2:
_tile_overlayer_lowered:
.L_overlay_start_2:
0x200: {  	(tag) =	ssettag $0x2  }
0x201: {  	s0 =	rddreg [dreg:$0x0];
	s2 =	stileid.u32  }
0x202: {  	s1 =	rddreg [dreg:$0x1];
	p0 =	sne.s32 s2, $0x0  }
0x203: {  	s3 =	rddreg [dreg:$0x2];
	[bflag:$0x3] =	sbarrier.arrive $0xFFFF;
	s2 =	simm.s32 @!p0 $0x1C09  }
0x204: {  	[timem:s3], [sflag:s2] =	dma.local @!p0 [hbm:s0], s1  }
0x205: {  	s0 =	simm.s32 @!p0 $0x9  }
0x206: {  	_ =	swait.ge @!p0 [sflag:s0], s1  }
0x207: {  	s1 =	ssub.s32 @!p0 $0x0, s1;
	[sflag:s0] =	ssyncset.done @!p0 $0x0  }
0x208: {  	[sflag:s0] =	ssyncadd.s32 @!p0 s1  }
0x209: {  	[bflag:$0x3] =	sbarrier.arrive $0xFFFF  }
0x20a: {  	_ =	shalt  }

</sc_bundles>
